<compile_context>
chip_gen: v7x
topology: tpu7x:2x2x1
jax: 0.10.2.dev20260603
libtpu: 0.0.44.dev20260713+nightly
codegen_flags: <defaults>
</compile_context>

<pallas_src>
import functools

import jax
import jax.numpy as jnp
from jax import lax
from jax.experimental import pallas as pl
from jax.experimental.pallas import tpu as pltpu
from jax.experimental.pallas import tpu_sc as plsc

N_NODES = 10000
N_EDGES = 320000
D_FEAT = 128

NUM_CORES = 2
NUM_SUBCORES = 16
NUM_WORKERS = NUM_CORES * NUM_SUBCORES
EDGES_PER_WORKER = N_EDGES // NUM_WORKERS
CHUNK = 56
NUM_CHUNKS = -(-EDGES_PER_WORKER // CHUNK)
EPW_PAD = NUM_CHUNKS * CHUNK
NBUF = 5
TRASH_ROW = N_NODES
ACC_ROWS = N_NODES + 8
ROWS_PER_TILE = 624
TAIL_ROWS = N_NODES - ROWS_PER_TILE * NUM_SUBCORES
TAIL0 = ROWS_PER_TILE * NUM_SUBCORES
NSLOT = 8


def _sc_layer(x_hbm, src_hbm, dst_hbm, zeros_hbm, out_hbm,
              sidx, didx, rows, acc, isem, gsem, ssem):
    cid = lax.axis_index("c")
    sid = lax.axis_index("s")
    wid = sid * NUM_CORES + cid

    row0 = sid * ROWS_PER_TILE
    pltpu.sync_copy(zeros_hbm.at[pl.ds(row0, ROWS_PER_TILE)],
                    acc.at[pl.ds(row0, ROWS_PER_TILE)])

    @pl.when(sid == NUM_SUBCORES - 1)
    def _zero_tail():
        pltpu.sync_copy(zeros_hbm.at[pl.ds(TAIL0, TAIL_ROWS)],
                        acc.at[pl.ds(TAIL0, TAIL_ROWS)])

    plsc.subcore_barrier()

    base = wid * EPW_PAD

    def start_idx(c, s):
        off = base + c * CHUNK
        pltpu.async_copy(src_hbm.at[pl.ds(off, CHUNK)], sidx.at[s], isem.at[s])
        pltpu.async_copy(dst_hbm.at[pl.ds(off, CHUNK)], didx.at[s], isem.at[s])

    def wait_idx(c, s):
        off = base + c * CHUNK
        pltpu.make_async_copy(src_hbm.at[pl.ds(off, CHUNK)], sidx.at[s],
                              isem.at[s]).wait()
        pltpu.make_async_copy(dst_hbm.at[pl.ds(off, CHUNK)], didx.at[s],
                              isem.at[s]).wait()

    def start_gather(c, b):
        s = lax.rem(c, NSLOT)
        pltpu.async_copy(x_hbm.at[sidx.at[s]], rows.at[b], gsem.at[b])

    def wait_gather(c, b):
        s = lax.rem(c, NSLOT)
        pltpu.make_async_copy(x_hbm.at[sidx.at[s]], rows.at[b],
                              gsem.at[b]).wait()

    def start_scatter(c, b):
        s = lax.rem(c, NSLOT)
        pltpu.async_copy(rows.at[b], acc.at[didx.at[s]], ssem.at[b], add=True)

    def wait_scatter(c, b):
        s = lax.rem(c, NSLOT)
        pltpu.make_async_copy(rows.at[b], acc.at[didx.at[s]],
                              ssem.at[b]).wait()

    for c in range(6):
        start_idx(c, c % NSLOT)
    for c in range(3):
        wait_idx(c, c)
        start_gather(c, c)

    def body(c, _):
        b = lax.rem(c, NBUF)

        @pl.when(c >= 2)
        def _drain():
            wait_scatter(c - 2, lax.rem(c - 2, NBUF))

        @pl.when(c + 6 < NUM_CHUNKS)
        def _prefetch():
            start_idx(c + 6, lax.rem(c + 6, NSLOT))

        wait_idx(c + 3, lax.rem(c + 3, NSLOT))
        start_gather(c + 3, lax.rem(c + 3, NBUF))
        wait_gather(c, b)
        start_scatter(c, b)
        return ()

    lax.fori_loop(0, NUM_CHUNKS - 3, body, ())

    for c in range(NUM_CHUNKS - 3, NUM_CHUNKS):
        wait_scatter(c - 2, (c - 2) % NBUF)
        wait_gather(c, c % NBUF)
        start_scatter(c, c % NBUF)
    wait_scatter(NUM_CHUNKS - 2, (NUM_CHUNKS - 2) % NBUF)
    wait_scatter(NUM_CHUNKS - 1, (NUM_CHUNKS - 1) % NBUF)
    plsc.subcore_barrier()

    pltpu.sync_copy(acc.at[pl.ds(row0, ROWS_PER_TILE)],
                    out_hbm.at[cid, pl.ds(row0, ROWS_PER_TILE)])

    @pl.when(sid == NUM_SUBCORES - 1)
    def _out_tail():
        pltpu.sync_copy(acc.at[pl.ds(TAIL0, TAIL_ROWS)],
                        out_hbm.at[cid, pl.ds(TAIL0, TAIL_ROWS)])


_layer_call = functools.partial(
    pl.kernel,
    out_type=jax.ShapeDtypeStruct((NUM_CORES, N_NODES, D_FEAT), jnp.float32),
    mesh=plsc.VectorSubcoreMesh(core_axis_name="c", subcore_axis_name="s"),
    scratch_types=[
        pltpu.VMEM((NSLOT, CHUNK), jnp.int32),
        pltpu.VMEM((NSLOT, CHUNK), jnp.int32),
        pltpu.VMEM((NBUF, CHUNK, D_FEAT), jnp.float32),
        pltpu.VMEM_SHARED((ACC_ROWS, D_FEAT), jnp.float32),
        pltpu.SemaphoreType.DMA((NSLOT,)),
        pltpu.SemaphoreType.DMA((NBUF,)),
        pltpu.SemaphoreType.DMA((NBUF,)),
    ],
)(_sc_layer)


def _combine_body(p_ref, o_ref, *, relu):
    s = p_ref[0] + p_ref[1]
    o_ref[...] = jnp.maximum(s, 0.0) if relu else s


def _combine(partials, relu):
    blk = 2000
    return pl.pallas_call(
        functools.partial(_combine_body, relu=relu),
        out_shape=jax.ShapeDtypeStruct((N_NODES, D_FEAT), jnp.float32),
        grid=(N_NODES // blk,),
        in_specs=[pl.BlockSpec((NUM_CORES, blk, D_FEAT), lambda i: (0, i, 0))],
        out_specs=pl.BlockSpec((blk, D_FEAT), lambda i: (i, 0)),
    )(partials)


def kernel(x, edge_index):
    src = edge_index[0].astype(jnp.int32).reshape(NUM_WORKERS, EDGES_PER_WORKER)
    dst = edge_index[1].astype(jnp.int32).reshape(NUM_WORKERS, EDGES_PER_WORKER)
    pad = EPW_PAD - EDGES_PER_WORKER
    src_pad = jnp.pad(src, ((0, 0), (0, pad))).reshape(-1)
    dst_pad = jnp.pad(dst, ((0, 0), (0, pad)),
                      constant_values=TRASH_ROW).reshape(-1)
    zeros = jnp.zeros((N_NODES, D_FEAT), jnp.float32)

    p1 = _layer_call(x, src_pad, dst_pad, zeros)
    h = _combine(p1, relu=True)
    p2 = _layer_call(h, src_pad, dst_pad, zeros)
    return _combine(p2, relu=False)

# --- scband reference (transcript-rebuilt; emitter-appended) ---
"""Pipeline reference for scband-light-gcn-32040456028632 (READ-ONLY COPY).

The authoritative reference and input builder live on the scoring server;
editing this copy changes nothing except your own understanding.
"""

import jax, jax.numpy as jnp
import numpy as np

N_NODES = 10000
N_EDGES = 320000
D_FEAT = 128

def setup_inputs(seed: int = 0) -> dict:
    key = jax.random.key(seed)
    kx, ke = jax.random.split(key)
    x = jax.random.normal(kx, (N_NODES, D_FEAT), dtype=jnp.float32)
    edge_index = jax.random.randint(ke, (2, N_EDGES), 0, N_NODES, dtype=jnp.int64)
    return {"x": x, "edge_index": edge_index}

def reference(x, edge_index):
    # LightGCN: two parameterless aggregation layers (scatter-add of source
    # features to destination nodes), with a ReLU in between.
    src = edge_index[0]
    dst = edge_index[1]
    n = x.shape[0]
    # conv1: propagate with message = x_j, aggr='add'
    h = jax.ops.segment_sum(jnp.take(x, src, axis=0), dst, num_segments=n)
    h = jax.nn.relu(h)
    # conv2
    out = jax.ops.segment_sum(jnp.take(h, src, axis=0), dst, num_segments=n)
    return out

if __name__ == "__main__":
    import jax
    _d = setup_inputs()
    print(jax.jit(kernel)(*tuple(_d.values())))

</pallas_src>

<mosaic_0001>
#map = affine_map<(d0, d1) -> (0, 0)>
#map1 = affine_map<(d0, d1) -> (0)>
#map2 = affine_map<(d0, d1) -> (0, 0, 0)>
module attributes {stable_mosaic.version = 14 : i64} {
  func.func @_sc_layer(%arg0: i32, %arg1: i32, %arg2: memref<10000x128xf32, #tpu.memory_space<hbm>>, %arg3: memref<320768xi32, #tpu.memory_space<hbm>>, %arg4: memref<320768xi32, #tpu.memory_space<hbm>>, %arg5: memref<10000x128xf32, #tpu.memory_space<hbm>>, %arg6: memref<2x10000x128xf32, #tpu.memory_space<hbm>>, %arg7: memref<8x56xi32, #tpu.memory_space<vmem>>, %arg8: memref<8x56xi32, #tpu.memory_space<vmem>>, %arg9: memref<5x56x128xf32, #tpu.memory_space<vmem>>, %arg10: memref<10008x128xf32, #tpu.memory_space<vmem_shared>>, %arg11: memref<8x!tpu.dma_semaphore, #tpu.memory_space<semaphore_mem>>, %arg12: memref<5x!tpu.dma_semaphore, #tpu.memory_space<semaphore_mem>>, %arg13: memref<5x!tpu.dma_semaphore, #tpu.memory_space<semaphore_mem>>) attributes {dimension_semantics = [#tpu.dimension_semantics<core_parallel>, #tpu.dimension_semantics<subcore_parallel>], iteration_bounds = array<i64: 2, 16>, scalar_prefetch = 0 : i64, scratch_operands = 7 : i64, tpu.core_type = #tpu.core_type<sc_vector_subcore>, window_params = [{transform_indices = #map}, {transform_indices = #map1}, {transform_indices = #map1}, {transform_indices = #map}, {transform_indices = #map2}]} {
    %mul3A = arith.constant 2 : i32
    %mul3A_0 = arith.muli %arg1, %mul3A : i32
    %add3A = arith.addi %mul3A_0, %arg0 : i32
    %mul3A_1 = arith.constant 624 : i32
    %mul3A_2 = arith.muli %arg1, %mul3A_1 : i32
    "tpu.region"() ({
      %run_scoped3A = tpu.sem_alloc : memref<!tpu.dma_semaphore, #tpu.memory_space<semaphore_mem>>
      %dma_start3A_486 = arith.constant 0 : i32
      %dma_start3A_487 = tpu.memref_slice %arg10[%mul3A_2, %dma_start3A_486] : memref<10008x128xf32, #tpu.memory_space<vmem_shared>> -> memref<624x128xf32, #tpu.memory_space<vmem_shared>>
      %dma_start3A_488 = arith.constant 0 : i32
      %dma_start3A_489 = tpu.memref_slice %arg5[%mul3A_2, %dma_start3A_488] : memref<10000x128xf32, #tpu.memory_space<hbm>> -> memref<624x128xf32, #tpu.memory_space<hbm>>
      tpu.enqueue_dma source(%dma_start3A_489 : memref<624x128xf32, #tpu.memory_space<hbm>>) target(%dma_start3A_487 : memref<624x128xf32, #tpu.memory_space<vmem_shared>>) target_semaphore(%run_scoped3A : memref<!tpu.dma_semaphore, #tpu.memory_space<semaphore_mem>>)
      %dma_wait3A_490 = arith.constant 0 : i32
      %dma_wait3A_491 = tpu.memref_slice %arg10[%mul3A_2, %dma_wait3A_490] : memref<10008x128xf32, #tpu.memory_space<vmem_shared>> -> memref<624x128xf32, #tpu.memory_space<vmem_shared>>
      %dma_wait3A_492 = arith.constant 0 : i32
      %dma_wait3A_493 = tpu.memref_slice %arg5[%mul3A_2, %dma_wait3A_492] : memref<10000x128xf32, #tpu.memory_space<hbm>> -> memref<624x128xf32, #tpu.memory_space<hbm>>
      tpu.wait_dma2 semaphore(%run_scoped3A : memref<!tpu.dma_semaphore, #tpu.memory_space<semaphore_mem>>) src(%dma_wait3A_493 : memref<624x128xf32, #tpu.memory_space<hbm>>) dst(%dma_wait3A_491 : memref<624x128xf32, #tpu.memory_space<vmem_shared>>)
      tpu.yield
    }) : () -> ()
    %eq3A = arith.constant 15 : i32
    %eq3A_3 = arith.cmpi eq, %arg1, %eq3A : i32
    %convert_element_type3A = arith.extui %eq3A_3 : i1 to i32
    %cond3A = arith.constant 0 : i32
    %cond3A_4 = arith.cmpi ne, %convert_element_type3A, %cond3A : i32
    scf.if %cond3A_4 {
      "tpu.region"() ({
        %run_scoped3A = tpu.sem_alloc : memref<!tpu.dma_semaphore, #tpu.memory_space<semaphore_mem>>
        %dma_start3A_486 = arith.constant 9984 : i32
        %dma_start3A_487 = arith.constant 0 : i32
        %dma_start3A_488 = tpu.memref_slice %arg10[%dma_start3A_486, %dma_start3A_487] : memref<10008x128xf32, #tpu.memory_space<vmem_shared>> -> memref<16x128xf32, #tpu.memory_space<vmem_shared>>
        %dma_start3A_489 = arith.constant 9984 : i32
        %dma_start3A_490 = arith.constant 0 : i32
        %dma_start3A_491 = tpu.memref_slice %arg5[%dma_start3A_489, %dma_start3A_490] : memref<10000x128xf32, #tpu.memory_space<hbm>> -> memref<16x128xf32, #tpu.memory_space<hbm>>
        tpu.enqueue_dma source(%dma_start3A_491 : memref<16x128xf32, #tpu.memory_space<hbm>>) target(%dma_start3A_488 : memref<16x128xf32, #tpu.memory_space<vmem_shared>>) target_semaphore(%run_scoped3A : memref<!tpu.dma_semaphore, #tpu.memory_space<semaphore_mem>>)
        %dma_wait3A_492 = arith.constant 9984 : i32
        %dma_wait3A_493 = arith.constant 0 : i32
        %dma_wait3A_494 = tpu.memref_slice %arg10[%dma_wait3A_492, %dma_wait3A_493] : memref<10008x128xf32, #tpu.memory_space<vmem_shared>> -> memref<16x128xf32, #tpu.memory_space<vmem_shared>>
        %dma_wait3A_495 = arith.constant 9984 : i32
        %dma_wait3A_496 = arith.constant 0 : i32
        %dma_wait3A_497 = tpu.memref_slice %arg5[%dma_wait3A_495, %dma_wait3A_496] : memref<10000x128xf32, #tpu.memory_space<hbm>> -> memref<16x128xf32, #tpu.memory_space<hbm>>
        tpu.wait_dma2 semaphore(%run_scoped3A : memref<!tpu.dma_semaphore, #tpu.memory_space<semaphore_mem>>) src(%dma_wait3A_497 : memref<16x128xf32, #tpu.memory_space<hbm>>) dst(%dma_wait3A_494 : memref<16x128xf32, #tpu.memory_space<vmem_shared>>)
        tpu.yield
      }) : () -> ()
    } else {
    }
    %barrier3A = arith.constant 0 : index
    tpu.barrier barrier_id(%barrier3A)
    %mul3A_5 = arith.constant 10024 : i32
    %mul3A_6 = arith.muli %add3A, %mul3A_5 : i32
    %add3A_7 = arith.constant 0 : i32
    %add3A_8 = arith.addi %mul3A_6, %add3A_7 : i32
    %dma_start3A = arith.constant 0 : i32
    %dma_start3A_9 = arith.constant 0 : i32
    %dma_start3A_10 = arith.constant 0 : i32
    %dma_start3A_11 = tpu.memref_slice %arg7[%dma_start3A, %dma_start3A_10] : memref<8x56xi32, #tpu.memory_space<vmem>> -> memref<1x56xi32, #tpu.memory_space<vmem>>
    %dma_start3A_12 = tpu.memref_squeeze %dma_start3A_11 : memref<1x56xi32, #tpu.memory_space<vmem>> -> memref<56xi32, #tpu.memory_space<vmem>>
    %dma_start3A_13 = tpu.memref_slice %arg3[%add3A_8] : memref<320768xi32, #tpu.memory_space<hbm>> -> memref<56xi32, #tpu.memory_space<hbm>>
    %dma_start3A_14 = tpu.memref_slice %arg11[%dma_start3A_9] : memref<8x!tpu.dma_semaphore, #tpu.memory_space<semaphore_mem>> -> memref<1x!tpu.dma_semaphore, #tpu.memory_space<semaphore_mem>>
    %dma_start3A_15 = tpu.memref_squeeze %dma_start3A_14 : memref<1x!tpu.dma_semaphore, #tpu.memory_space<semaphore_mem>> -> memref<!tpu.dma_semaphore, #tpu.memory_space<semaphore_mem>>
    %dma_start3A_16 = arith.constant 0 : i32
    %dma_start3A_17 = tpu.memref_slice %arg7[%dma_start3A, %dma_start3A_16] : memref<8x56xi32, #tpu.memory_space<vmem>> -> memref<1x56xi32, #tpu.memory_space<vmem>>
    %dma_start3A_18 = tpu.memref_squeeze %dma_start3A_17 : memref<1x56xi32, #tpu.memory_space<vmem>> -> memref<56xi32, #tpu.memory_space<vmem>>
    %dma_start3A_19 = tpu.memref_slice %arg3[%add3A_8] : memref<320768xi32, #tpu.memory_space<hbm>> -> memref<56xi32, #tpu.memory_space<hbm>>
    tpu.enqueue_dma source(%dma_start3A_19 : memref<56xi32, #tpu.memory_space<hbm>>) target(%dma_start3A_18 : memref<56xi32, #tpu.memory_space<vmem>>) target_semaphore(%dma_start3A_15 : memref<!tpu.dma_semaphore, #tpu.memory_space<semaphore_mem>>)
    %dma_start3A_20 = arith.constant 0 : i32
    %dma_start3A_21 = arith.constant 0 : i32
    %dma_start3A_22 = arith.constant 0 : i32
    %dma_start3A_23 = tpu.memref_slice %arg8[%dma_start3A_20, %dma_start3A_22] : memref<8x56xi32, #tpu.memory_space<vmem>> -> memref<1x56xi32, #tpu.memory_space<vmem>>
    %dma_start3A_24 = tpu.memref_squeeze %dma_start3A_23 : memref<1x56xi32, #tpu.memory_space<vmem>> -> memref<56xi32, #tpu.memory_space<vmem>>
    %dma_start3A_25 = tpu.memref_slice %arg4[%add3A_8] : memref<320768xi32, #tpu.memory_space<hbm>> -> memref<56xi32, #tpu.memory_space<hbm>>
    %dma_start3A_26 = tpu.memref_slice %arg11[%dma_start3A_21] : memref<8x!tpu.dma_semaphore, #tpu.memory_space<semaphore_mem>> -> memref<1x!tpu.dma_semaphore, #tpu.memory_space<semaphore_mem>>
    %dma_start3A_27 = tpu.memref_squeeze %dma_start3A_26 : memref<1x!tpu.dma_semaphore, #tpu.memory_space<semaphore_mem>> -> memref<!tpu.dma_semaphore, #tpu.memory_space<semaphore_mem>>
    %dma_start3A_28 = arith.constant 0 : i32
    %dma_start3A_29 = tpu.memref_slice %arg8[%dma_start3A_20, %dma_start3A_28] : memref<8x56xi32, #tpu.memory_space<vmem>> -> memref<1x56xi32, #tpu.memory_space<vmem>>
    %dma_start3A_30 = tpu.memref_squeeze %dma_start3A_29 : memref<1x56xi32, #tpu.memory_space<vmem>> -> memref<56xi32, #tpu.memory_space<vmem>>
    %dma_start3A_31 = tpu.memref_slice %arg4[%add3A_8] : memref<320768xi32, #tpu.memory_space<hbm>> -> memref<56xi32, #tpu.memory_space<hbm>>
    tpu.enqueue_dma source(%dma_start3A_31 : memref<56xi32, #tpu.memory_space<hbm>>) target(%dma_start3A_30 : memref<56xi32, #tpu.memory_space<vmem>>) target_semaphore(%dma_start3A_27 : memref<!tpu.dma_semaphore, #tpu.memory_space<semaphore_mem>>)
    %add3A_32 = arith.constant 56 : i32
    %add3A_33 = arith.addi %mul3A_6, %add3A_32 : i32
    %dma_start3A_34 = arith.constant 1 : i32
    %dma_start3A_35 = arith.constant 1 : i32
    %dma_start3A_36 = arith.constant 0 : i32
    %dma_start3A_37 = tpu.memref_slice %arg7[%dma_start3A_34, %dma_start3A_36] : memref<8x56xi32, #tpu.memory_space<vmem>> -> memref<1x56xi32, #tpu.memory_space<vmem>>
    %dma_start3A_38 = tpu.memref_squeeze %dma_start3A_37 : memref<1x56xi32, #tpu.memory_space<vmem>> -> memref<56xi32, #tpu.memory_space<vmem>>
    %dma_start3A_39 = tpu.memref_slice %arg3[%add3A_33] : memref<320768xi32, #tpu.memory_space<hbm>> -> memref<56xi32, #tpu.memory_space<hbm>>
    %dma_start3A_40 = tpu.memref_slice %arg11[%dma_start3A_35] : memref<8x!tpu.dma_semaphore, #tpu.memory_space<semaphore_mem>> -> memref<1x!tpu.dma_semaphore, #tpu.memory_space<semaphore_mem>>
    %dma_start3A_41 = tpu.memref_squeeze %dma_start3A_40 : memref<1x!tpu.dma_semaphore, #tpu.memory_space<semaphore_mem>> -> memref<!tpu.dma_semaphore, #tpu.memory_space<semaphore_mem>>
    %dma_start3A_42 = arith.constant 0 : i32
    %dma_start3A_43 = tpu.memref_slice %arg7[%dma_start3A_34, %dma_start3A_42] : memref<8x56xi32, #tpu.memory_space<vmem>> -> memref<1x56xi32, #tpu.memory_space<vmem>>
    %dma_start3A_44 = tpu.memref_squeeze %dma_start3A_43 : memref<1x56xi32, #tpu.memory_space<vmem>> -> memref<56xi32, #tpu.memory_space<vmem>>
    %dma_start3A_45 = tpu.memref_slice %arg3[%add3A_33] : memref<320768xi32, #tpu.memory_space<hbm>> -> memref<56xi32, #tpu.memory_space<hbm>>
    tpu.enqueue_dma source(%dma_start3A_45 : memref<56xi32, #tpu.memory_space<hbm>>) target(%dma_start3A_44 : memref<56xi32, #tpu.memory_space<vmem>>) target_semaphore(%dma_start3A_41 : memref<!tpu.dma_semaphore, #tpu.memory_space<semaphore_mem>>)
    %dma_start3A_46 = arith.constant 1 : i32
    %dma_start3A_47 = arith.constant 1 : i32
    %dma_start3A_48 = arith.constant 0 : i32
    %dma_start3A_49 = tpu.memref_slice %arg8[%dma_start3A_46, %dma_start3A_48] : memref<8x56xi32, #tpu.memory_space<vmem>> -> memref<1x56xi32, #tpu.memory_space<vmem>>
    %dma_start3A_50 = tpu.memref_squeeze %dma_start3A_49 : memref<1x56xi32, #tpu.memory_space<vmem>> -> memref<56xi32, #tpu.memory_space<vmem>>
    %dma_start3A_51 = tpu.memref_slice %arg4[%add3A_33] : memref<320768xi32, #tpu.memory_space<hbm>> -> memref<56xi32, #tpu.memory_space<hbm>>
    %dma_start3A_52 = tpu.memref_slice %arg11[%dma_start3A_47] : memref<8x!tpu.dma_semaphore, #tpu.memory_space<semaphore_mem>> -> memref<1x!tpu.dma_semaphore, #tpu.memory_space<semaphore_mem>>
    %dma_start3A_53 = tpu.memref_squeeze %dma_start3A_52 : memref<1x!tpu.dma_semaphore, #tpu.memory_space<semaphore_mem>> -> memref<!tpu.dma_semaphore, #tpu.memory_space<semaphore_mem>>
    %dma_start3A_54 = arith.constant 0 : i32
    %dma_start3A_55 = tpu.memref_slice %arg8[%dma_start3A_46, %dma_start3A_54] : memref<8x56xi32, #tpu.memory_space<vmem>> -> memref<1x56xi32, #tpu.memory_space<vmem>>
    %dma_start3A_56 = tpu.memref_squeeze %dma_start3A_55 : memref<1x56xi32, #tpu.memory_space<vmem>> -> memref<56xi32, #tpu.memory_space<vmem>>
    %dma_start3A_57 = tpu.memref_slice %arg4[%add3A_33] : memref<320768xi32, #tpu.memory_space<hbm>> -> memref<56xi32, #tpu.memory_space<hbm>>
    tpu.enqueue_dma source(%dma_start3A_57 : memref<56xi32, #tpu.memory_space<hbm>>) target(%dma_start3A_56 : memref<56xi32, #tpu.memory_space<vmem>>) target_semaphore(%dma_start3A_53 : memref<!tpu.dma_semaphore, #tpu.memory_space<semaphore_mem>>)
    %add3A_58 = arith.constant 112 : i32
    %add3A_59 = arith.addi %mul3A_6, %add3A_58 : i32
    %dma_start3A_60 = arith.constant 2 : i32
    %dma_start3A_61 = arith.constant 2 : i32
    %dma_start3A_62 = arith.constant 0 : i32
    %dma_start3A_63 = tpu.memref_slice %arg7[%dma_start3A_60, %dma_start3A_62] : memref<8x56xi32, #tpu.memory_space<vmem>> -> memref<1x56xi32, #tpu.memory_space<vmem>>
    %dma_start3A_64 = tpu.memref_squeeze %dma_start3A_63 : memref<1x56xi32, #tpu.memory_space<vmem>> -> memref<56xi32, #tpu.memory_space<vmem>>
    %dma_start3A_65 = tpu.memref_slice %arg3[%add3A_59] : memref<320768xi32, #tpu.memory_space<hbm>> -> memref<56xi32, #tpu.memory_space<hbm>>
    %dma_start3A_66 = tpu.memref_slice %arg11[%dma_start3A_61] : memref<8x!tpu.dma_semaphore, #tpu.memory_space<semaphore_mem>> -> memref<1x!tpu.dma_semaphore, #tpu.memory_space<semaphore_mem>>
    %dma_start3A_67 = tpu.memref_squeeze %dma_start3A_66 : memref<1x!tpu.dma_semaphore, #tpu.memory_space<semaphore_mem>> -> memref<!tpu.dma_semaphore, #tpu.memory_space<semaphore_mem>>
    %dma_start3A_68 = arith.constant 0 : i32
    %dma_start3A_69 = tpu.memref_slice %arg7[%dma_start3A_60, %dma_start3A_68] : memref<8x56xi32, #tpu.memory_space<vmem>> -> memref<1x56xi32, #tpu.memory_space<vmem>>
    %dma_start3A_70 = tpu.memref_squeeze %dma_start3A_69 : memref<1x56xi32, #tpu.memory_space<vmem>> -> memref<56xi32, #tpu.memory_space<vmem>>
    %dma_start3A_71 = tpu.memref_slice %arg3[%add3A_59] : memref<320768xi32, #tpu.memory_space<hbm>> -> memref<56xi32, #tpu.memory_space<hbm>>
    tpu.enqueue_dma source(%dma_start3A_71 : memref<56xi32, #tpu.memory_space<hbm>>) target(%dma_start3A_70 : memref<56xi32, #tpu.memory_space<vmem>>) target_semaphore(%dma_start3A_67 : memref<!tpu.dma_semaphore, #tpu.memory_space<semaphore_mem>>)
    %dma_start3A_72 = arith.constant 2 : i32
    %dma_start3A_73 = arith.constant 2 : i32
    %dma_start3A_74 = arith.constant 0 : i32
    %dma_start3A_75 = tpu.memref_slice %arg8[%dma_start3A_72, %dma_start3A_74] : memref<8x56xi32, #tpu.memory_space<vmem>> -> memref<1x56xi32, #tpu.memory_space<vmem>>
    %dma_start3A_76 = tpu.memref_squeeze %dma_start3A_75 : memref<1x56xi32, #tpu.memory_space<vmem>> -> memref<56xi32, #tpu.memory_space<vmem>>
    %dma_start3A_77 = tpu.memref_slice %arg4[%add3A_59] : memref<320768xi32, #tpu.memory_space<hbm>> -> memref<56xi32, #tpu.memory_space<hbm>>
    %dma_start3A_78 = tpu.memref_slice %arg11[%dma_start3A_73] : memref<8x!tpu.dma_semaphore, #tpu.memory_space<semaphore_mem>> -> memref<1x!tpu.dma_semaphore, #tpu.memory_space<semaphore_mem>>
    %dma_start3A_79 = tpu.memref_squeeze %dma_start3A_78 : memref<1x!tpu.dma_semaphore, #tpu.memory_space<semaphore_mem>> -> memref<!tpu.dma_semaphore, #tpu.memory_space<semaphore_mem>>
    %dma_start3A_80 = arith.constant 0 : i32
    %dma_start3A_81 = tpu.memref_slice %arg8[%dma_start3A_72, %dma_start3A_80] : memref<8x56xi32, #tpu.memory_space<vmem>> -> memref<1x56xi32, #tpu.memory_space<vmem>>
    %dma_start3A_82 = tpu.memref_squeeze %dma_start3A_81 : memref<1x56xi32, #tpu.memory_space<vmem>> -> memref<56xi32, #tpu.memory_space<vmem>>
    %dma_start3A_83 = tpu.memref_slice %arg4[%add3A_59] : memref<320768xi32, #tpu.memory_space<hbm>> -> memref<56xi32, #tpu.memory_space<hbm>>
    tpu.enqueue_dma source(%dma_start3A_83 : memref<56xi32, #tpu.memory_space<hbm>>) target(%dma_start3A_82 : memref<56xi32, #tpu.memory_space<vmem>>) target_semaphore(%dma_start3A_79 : memref<!tpu.dma_semaphore, #tpu.memory_space<semaphore_mem>>)
    %add3A_84 = arith.constant 168 : i32
    %add3A_85 = arith.addi %mul3A_6, %add3A_84 : i32
    %dma_start3A_86 = arith.constant 3 : i32
    %dma_start3A_87 = arith.constant 3 : i32
    %dma_start3A_88 = arith.constant 0 : i32
    %dma_start3A_89 = tpu.memref_slice %arg7[%dma_start3A_86, %dma_start3A_88] : memref<8x56xi32, #tpu.memory_space<vmem>> -> memref<1x56xi32, #tpu.memory_space<vmem>>
    %dma_start3A_90 = tpu.memref_squeeze %dma_start3A_89 : memref<1x56xi32, #tpu.memory_space<vmem>> -> memref<56xi32, #tpu.memory_space<vmem>>
    %dma_start3A_91 = tpu.memref_slice %arg3[%add3A_85] : memref<320768xi32, #tpu.memory_space<hbm>> -> memref<56xi32, #tpu.memory_space<hbm>>
    %dma_start3A_92 = tpu.memref_slice %arg11[%dma_start3A_87] : memref<8x!tpu.dma_semaphore, #tpu.memory_space<semaphore_mem>> -> memref<1x!tpu.dma_semaphore, #tpu.memory_space<semaphore_mem>>
    %dma_start3A_93 = tpu.memref_squeeze %dma_start3A_92 : memref<1x!tpu.dma_semaphore, #tpu.memory_space<semaphore_mem>> -> memref<!tpu.dma_semaphore, #tpu.memory_space<semaphore_mem>>
    %dma_start3A_94 = arith.constant 0 : i32
    %dma_start3A_95 = tpu.memref_slice %arg7[%dma_start3A_86, %dma_start3A_94] : memref<8x56xi32, #tpu.memory_space<vmem>> -> memref<1x56xi32, #tpu.memory_space<vmem>>
    %dma_start3A_96 = tpu.memref_squeeze %dma_start3A_95 : memref<1x56xi32, #tpu.memory_space<vmem>> -> memref<56xi32, #tpu.memory_space<vmem>>
    %dma_start3A_97 = tpu.memref_slice %arg3[%add3A_85] : memref<320768xi32, #tpu.memory_space<hbm>> -> memref<56xi32, #tpu.memory_space<hbm>>
    tpu.enqueue_dma source(%dma_start3A_97 : memref<56xi32, #tpu.memory_space<hbm>>) target(%dma_start3A_96 : memref<56xi32, #tpu.memory_space<vmem>>) target_semaphore(%dma_start3A_93 : memref<!tpu.dma_semaphore, #tpu.memory_space<semaphore_mem>>)
    %dma_start3A_98 = arith.constant 3 : i32
    %dma_start3A_99 = arith.constant 3 : i32
    %dma_start3A_100 = arith.constant 0 : i32
    %dma_start3A_101 = tpu.memref_slice %arg8[%dma_start3A_98, %dma_start3A_100] : memref<8x56xi32, #tpu.memory_space<vmem>> -> memref<1x56xi32, #tpu.memory_space<vmem>>
    %dma_start3A_102 = tpu.memref_squeeze %dma_start3A_101 : memref<1x56xi32, #tpu.memory_space<vmem>> -> memref<56xi32, #tpu.memory_space<vmem>>
    %dma_start3A_103 = tpu.memref_slice %arg4[%add3A_85] : memref<320768xi32, #tpu.memory_space<hbm>> -> memref<56xi32, #tpu.memory_space<hbm>>
    %dma_start3A_104 = tpu.memref_slice %arg11[%dma_start3A_99] : memref<8x!tpu.dma_semaphore, #tpu.memory_space<semaphore_mem>> -> memref<1x!tpu.dma_semaphore, #tpu.memory_space<semaphore_mem>>
    %dma_start3A_105 = tpu.memref_squeeze %dma_start3A_104 : memref<1x!tpu.dma_semaphore, #tpu.memory_space<semaphore_mem>> -> memref<!tpu.dma_semaphore, #tpu.memory_space<semaphore_mem>>
    %dma_start3A_106 = arith.constant 0 : i32
    %dma_start3A_107 = tpu.memref_slice %arg8[%dma_start3A_98, %dma_start3A_106] : memref<8x56xi32, #tpu.memory_space<vmem>> -> memref<1x56xi32, #tpu.memory_space<vmem>>
    %dma_start3A_108 = tpu.memref_squeeze %dma_start3A_107 : memref<1x56xi32, #tpu.memory_space<vmem>> -> memref<56xi32, #tpu.memory_space<vmem>>
    %dma_start3A_109 = tpu.memref_slice %arg4[%add3A_85] : memref<320768xi32, #tpu.memory_space<hbm>> -> memref<56xi32, #tpu.memory_space<hbm>>
    tpu.enqueue_dma source(%dma_start3A_109 : memref<56xi32, #tpu.memory_space<hbm>>) target(%dma_start3A_108 : memref<56xi32, #tpu.memory_space<vmem>>) target_semaphore(%dma_start3A_105 : memref<!tpu.dma_semaphore, #tpu.memory_space<semaphore_mem>>)
    %add3A_110 = arith.constant 224 : i32
    %add3A_111 = arith.addi %mul3A_6, %add3A_110 : i32
    %dma_start3A_112 = arith.constant 4 : i32
    %dma_start3A_113 = arith.constant 4 : i32
    %dma_start3A_114 = arith.constant 0 : i32
    %dma_start3A_115 = tpu.memref_slice %arg7[%dma_start3A_112, %dma_start3A_114] : memref<8x56xi32, #tpu.memory_space<vmem>> -> memref<1x56xi32, #tpu.memory_space<vmem>>
    %dma_start3A_116 = tpu.memref_squeeze %dma_start3A_115 : memref<1x56xi32, #tpu.memory_space<vmem>> -> memref<56xi32, #tpu.memory_space<vmem>>
    %dma_start3A_117 = tpu.memref_slice %arg3[%add3A_111] : memref<320768xi32, #tpu.memory_space<hbm>> -> memref<56xi32, #tpu.memory_space<hbm>>
    %dma_start3A_118 = tpu.memref_slice %arg11[%dma_start3A_113] : memref<8x!tpu.dma_semaphore, #tpu.memory_space<semaphore_mem>> -> memref<1x!tpu.dma_semaphore, #tpu.memory_space<semaphore_mem>>
    %dma_start3A_119 = tpu.memref_squeeze %dma_start3A_118 : memref<1x!tpu.dma_semaphore, #tpu.memory_space<semaphore_mem>> -> memref<!tpu.dma_semaphore, #tpu.memory_space<semaphore_mem>>
    %dma_start3A_120 = arith.constant 0 : i32
    %dma_start3A_121 = tpu.memref_slice %arg7[%dma_start3A_112, %dma_start3A_120] : memref<8x56xi32, #tpu.memory_space<vmem>> -> memref<1x56xi32, #tpu.memory_space<vmem>>
    %dma_start3A_122 = tpu.memref_squeeze %dma_start3A_121 : memref<1x56xi32, #tpu.memory_space<vmem>> -> memref<56xi32, #tpu.memory_space<vmem>>
    %dma_start3A_123 = tpu.memref_slice %arg3[%add3A_111] : memref<320768xi32, #tpu.memory_space<hbm>> -> memref<56xi32, #tpu.memory_space<hbm>>
    tpu.enqueue_dma source(%dma_start3A_123 : memref<56xi32, #tpu.memory_space<hbm>>) target(%dma_start3A_122 : memref<56xi32, #tpu.memory_space<vmem>>) target_semaphore(%dma_start3A_119 : memref<!tpu.dma_semaphore, #tpu.memory_space<semaphore_mem>>)
    %dma_start3A_124 = arith.constant 4 : i32
    %dma_start3A_125 = arith.constant 4 : i32
    %dma_start3A_126 = arith.constant 0 : i32
    %dma_start3A_127 = tpu.memref_slice %arg8[%dma_start3A_124, %dma_start3A_126] : memref<8x56xi32, #tpu.memory_space<vmem>> -> memref<1x56xi32, #tpu.memory_space<vmem>>
    %dma_start3A_128 = tpu.memref_squeeze %dma_start3A_127 : memref<1x56xi32, #tpu.memory_space<vmem>> -> memref<56xi32, #tpu.memory_space<vmem>>
    %dma_start3A_129 = tpu.memref_slice %arg4[%add3A_111] : memref<320768xi32, #tpu.memory_space<hbm>> -> memref<56xi32, #tpu.memory_space<hbm>>
    %dma_start3A_130 = tpu.memref_slice %arg11[%dma_start3A_125] : memref<8x!tpu.dma_semaphore, #tpu.memory_space<semaphore_mem>> -> memref<1x!tpu.dma_semaphore, #tpu.memory_space<semaphore_mem>>
    %dma_start3A_131 = tpu.memref_squeeze %dma_start3A_130 : memref<1x!tpu.dma_semaphore, #tpu.memory_space<semaphore_mem>> -> memref<!tpu.dma_semaphore, #tpu.memory_space<semaphore_mem>>
    %dma_start3A_132 = arith.constant 0 : i32
    %dma_start3A_133 = tpu.memref_slice %arg8[%dma_start3A_124, %dma_start3A_132] : memref<8x56xi32, #tpu.memory_space<vmem>> -> memref<1x56xi32, #tpu.memory_space<vmem>>
    %dma_start3A_134 = tpu.memref_squeeze %dma_start3A_133 : memref<1x56xi32, #tpu.memory_space<vmem>> -> memref<56xi32, #tpu.memory_space<vmem>>
    %dma_start3A_135 = tpu.memref_slice %arg4[%add3A_111] : memref<320768xi32, #tpu.memory_space<hbm>> -> memref<56xi32, #tpu.memory_space<hbm>>
    tpu.enqueue_dma source(%dma_start3A_135 : memref<56xi32, #tpu.memory_space<hbm>>) target(%dma_start3A_134 : memref<56xi32, #tpu.memory_space<vmem>>) target_semaphore(%dma_start3A_131 : memref<!tpu.dma_semaphore, #tpu.memory_space<semaphore_mem>>)
    %add3A_136 = arith.constant 280 : i32
    %add3A_137 = arith.addi %mul3A_6, %add3A_136 : i32
    %dma_start3A_138 = arith.constant 5 : i32
    %dma_start3A_139 = arith.constant 5 : i32
    %dma_start3A_140 = arith.constant 0 : i32
    %dma_start3A_141 = tpu.memref_slice %arg7[%dma_start3A_138, %dma_start3A_140] : memref<8x56xi32, #tpu.memory_space<vmem>> -> memref<1x56xi32, #tpu.memory_space<vmem>>
    %dma_start3A_142 = tpu.memref_squeeze %dma_start3A_141 : memref<1x56xi32, #tpu.memory_space<vmem>> -> memref<56xi32, #tpu.memory_space<vmem>>
    %dma_start3A_143 = tpu.memref_slice %arg3[%add3A_137] : memref<320768xi32, #tpu.memory_space<hbm>> -> memref<56xi32, #tpu.memory_space<hbm>>
    %dma_start3A_144 = tpu.memref_slice %arg11[%dma_start3A_139] : memref<8x!tpu.dma_semaphore, #tpu.memory_space<semaphore_mem>> -> memref<1x!tpu.dma_semaphore, #tpu.memory_space<semaphore_mem>>
    %dma_start3A_145 = tpu.memref_squeeze %dma_start3A_144 : memref<1x!tpu.dma_semaphore, #tpu.memory_space<semaphore_mem>> -> memref<!tpu.dma_semaphore, #tpu.memory_space<semaphore_mem>>
    %dma_start3A_146 = arith.constant 0 : i32
    %dma_start3A_147 = tpu.memref_slice %arg7[%dma_start3A_138, %dma_start3A_146] : memref<8x56xi32, #tpu.memory_space<vmem>> -> memref<1x56xi32, #tpu.memory_space<vmem>>
    %dma_start3A_148 = tpu.memref_squeeze %dma_start3A_147 : memref<1x56xi32, #tpu.memory_space<vmem>> -> memref<56xi32, #tpu.memory_space<vmem>>
    %dma_start3A_149 = tpu.memref_slice %arg3[%add3A_137] : memref<320768xi32, #tpu.memory_space<hbm>> -> memref<56xi32, #tpu.memory_space<hbm>>
    tpu.enqueue_dma source(%dma_start3A_149 : memref<56xi32, #tpu.memory_space<hbm>>) target(%dma_start3A_148 : memref<56xi32, #tpu.memory_space<vmem>>) target_semaphore(%dma_start3A_145 : memref<!tpu.dma_semaphore, #tpu.memory_space<semaphore_mem>>)
    %dma_start3A_150 = arith.constant 5 : i32
    %dma_start3A_151 = arith.constant 5 : i32
    %dma_start3A_152 = arith.constant 0 : i32
    %dma_start3A_153 = tpu.memref_slice %arg8[%dma_start3A_150, %dma_start3A_152] : memref<8x56xi32, #tpu.memory_space<vmem>> -> memref<1x56xi32, #tpu.memory_space<vmem>>
    %dma_start3A_154 = tpu.memref_squeeze %dma_start3A_153 : memref<1x56xi32, #tpu.memory_space<vmem>> -> memref<56xi32, #tpu.memory_space<vmem>>
    %dma_start3A_155 = tpu.memref_slice %arg4[%add3A_137] : memref<320768xi32, #tpu.memory_space<hbm>> -> memref<56xi32, #tpu.memory_space<hbm>>
    %dma_start3A_156 = tpu.memref_slice %arg11[%dma_start3A_151] : memref<8x!tpu.dma_semaphore, #tpu.memory_space<semaphore_mem>> -> memref<1x!tpu.dma_semaphore, #tpu.memory_space<semaphore_mem>>
    %dma_start3A_157 = tpu.memref_squeeze %dma_start3A_156 : memref<1x!tpu.dma_semaphore, #tpu.memory_space<semaphore_mem>> -> memref<!tpu.dma_semaphore, #tpu.memory_space<semaphore_mem>>
    %dma_start3A_158 = arith.constant 0 : i32
    %dma_start3A_159 = tpu.memref_slice %arg8[%dma_start3A_150, %dma_start3A_158] : memref<8x56xi32, #tpu.memory_space<vmem>> -> memref<1x56xi32, #tpu.memory_space<vmem>>
    %dma_start3A_160 = tpu.memref_squeeze %dma_start3A_159 : memref<1x56xi32, #tpu.memory_space<vmem>> -> memref<56xi32, #tpu.memory_space<vmem>>
    %dma_start3A_161 = tpu.memref_slice %arg4[%add3A_137] : memref<320768xi32, #tpu.memory_space<hbm>> -> memref<56xi32, #tpu.memory_space<hbm>>
    tpu.enqueue_dma source(%dma_start3A_161 : memref<56xi32, #tpu.memory_space<hbm>>) target(%dma_start3A_160 : memref<56xi32, #tpu.memory_space<vmem>>) target_semaphore(%dma_start3A_157 : memref<!tpu.dma_semaphore, #tpu.memory_space<semaphore_mem>>)
    %add3A_162 = arith.constant 0 : i32
    %add3A_163 = arith.addi %mul3A_6, %add3A_162 : i32
    %dma_wait3A = arith.constant 0 : i32
    %dma_wait3A_164 = arith.constant 0 : i32
    %dma_wait3A_165 = arith.constant 0 : i32
    %dma_wait3A_166 = tpu.memref_slice %arg7[%dma_wait3A, %dma_wait3A_165] : memref<8x56xi32, #tpu.memory_space<vmem>> -> memref<1x56xi32, #tpu.memory_space<vmem>>
    %dma_wait3A_167 = tpu.memref_squeeze %dma_wait3A_166 : memref<1x56xi32, #tpu.memory_space<vmem>> -> memref<56xi32, #tpu.memory_space<vmem>>
    %dma_wait3A_168 = tpu.memref_slice %arg3[%add3A_163] : memref<320768xi32, #tpu.memory_space<hbm>> -> memref<56xi32, #tpu.memory_space<hbm>>
    %dma_wait3A_169 = tpu.memref_slice %arg11[%dma_wait3A_164] : memref<8x!tpu.dma_semaphore, #tpu.memory_space<semaphore_mem>> -> memref<1x!tpu.dma_semaphore, #tpu.memory_space<semaphore_mem>>
    %dma_wait3A_170 = tpu.memref_squeeze %dma_wait3A_169 : memref<1x!tpu.dma_semaphore, #tpu.memory_space<semaphore_mem>> -> memref<!tpu.dma_semaphore, #tpu.memory_space<semaphore_mem>>
    %dma_wait3A_171 = arith.constant 0 : i32
    %dma_wait3A_172 = tpu.memref_slice %arg7[%dma_wait3A, %dma_wait3A_171] : memref<8x56xi32, #tpu.memory_space<vmem>> -> memref<1x56xi32, #tpu.memory_space<vmem>>
    %dma_wait3A_173 = tpu.memref_squeeze %dma_wait3A_172 : memref<1x56xi32, #tpu.memory_space<vmem>> -> memref<56xi32, #tpu.memory_space<vmem>>
    %dma_wait3A_174 = tpu.memref_slice %arg3[%add3A_163] : memref<320768xi32, #tpu.memory_space<hbm>> -> memref<56xi32, #tpu.memory_space<hbm>>
    tpu.wait_dma2 semaphore(%dma_wait3A_170 : memref<!tpu.dma_semaphore, #tpu.memory_space<semaphore_mem>>) src(%dma_wait3A_174 : memref<56xi32, #tpu.memory_space<hbm>>) dst(%dma_wait3A_173 : memref<56xi32, #tpu.memory_space<vmem>>)
    %dma_wait3A_175 = arith.constant 0 : i32
    %dma_wait3A_176 = arith.constant 0 : i32
    %dma_wait3A_177 = arith.constant 0 : i32
    %dma_wait3A_178 = tpu.memref_slice %arg8[%dma_wait3A_175, %dma_wait3A_177] : memref<8x56xi32, #tpu.memory_space<vmem>> -> memref<1x56xi32, #tpu.memory_space<vmem>>
    %dma_wait3A_179 = tpu.memref_squeeze %dma_wait3A_178 : memref<1x56xi32, #tpu.memory_space<vmem>> -> memref<56xi32, #tpu.memory_space<vmem>>
    %dma_wait3A_180 = tpu.memref_slice %arg4[%add3A_163] : memref<320768xi32, #tpu.memory_space<hbm>> -> memref<56xi32, #tpu.memory_space<hbm>>
    %dma_wait3A_181 = tpu.memref_slice %arg11[%dma_wait3A_176] : memref<8x!tpu.dma_semaphore, #tpu.memory_space<semaphore_mem>> -> memref<1x!tpu.dma_semaphore, #tpu.memory_space<semaphore_mem>>
    %dma_wait3A_182 = tpu.memref_squeeze %dma_wait3A_181 : memref<1x!tpu.dma_semaphore, #tpu.memory_space<semaphore_mem>> -> memref<!tpu.dma_semaphore, #tpu.memory_space<semaphore_mem>>
    %dma_wait3A_183 = arith.constant 0 : i32
    %dma_wait3A_184 = tpu.memref_slice %arg8[%dma_wait3A_175, %dma_wait3A_183] : memref<8x56xi32, #tpu.memory_space<vmem>> -> memref<1x56xi32, #tpu.memory_space<vmem>>
    %dma_wait3A_185 = tpu.memref_squeeze %dma_wait3A_184 : memref<1x56xi32, #tpu.memory_space<vmem>> -> memref<56xi32, #tpu.memory_space<vmem>>
    %dma_wait3A_186 = tpu.memref_slice %arg4[%add3A_163] : memref<320768xi32, #tpu.memory_space<hbm>> -> memref<56xi32, #tpu.memory_space<hbm>>
    tpu.wait_dma2 semaphore(%dma_wait3A_182 : memref<!tpu.dma_semaphore, #tpu.memory_space<semaphore_mem>>) src(%dma_wait3A_186 : memref<56xi32, #tpu.memory_space<hbm>>) dst(%dma_wait3A_185 : memref<56xi32, #tpu.memory_space<vmem>>)
    %rem3A = arith.constant 0 : i32
    %rem3A_187 = arith.constant 8 : i32
    %rem3A_188 = arith.remsi %rem3A, %rem3A_187 : i32
    %dma_start3A_189 = arith.constant 0 : i32
    %dma_start3A_190 = arith.constant 0 : i32
    %dma_start3A_191 = arith.constant 0 : i32
    %dma_start3A_192 = arith.constant 0 : i32
    %dma_start3A_193 = tpu.memref_slice %arg9[%dma_start3A_189, %dma_start3A_191, %dma_start3A_192] : memref<5x56x128xf32, #tpu.memory_space<vmem>> -> memref<1x56x128xf32, #tpu.memory_space<vmem>>
    %dma_start3A_194 = tpu.memref_squeeze %dma_start3A_193 : memref<1x56x128xf32, #tpu.memory_space<vmem>> -> memref<56x128xf32, #tpu.memory_space<vmem>>
    %dma_start3A_195 = arith.constant 0 : i32
    %dma_start3A_196 = tpu.memref_slice %arg7[%rem3A_188, %dma_start3A_195] : memref<8x56xi32, #tpu.memory_space<vmem>> -> memref<1x56xi32, #tpu.memory_space<vmem>>
    %dma_start3A_197 = tpu.memref_squeeze %dma_start3A_196 : memref<1x56xi32, #tpu.memory_space<vmem>> -> memref<56xi32, #tpu.memory_space<vmem>>
    %dma_start3A_198 = arith.constant 0 : i32
    %dma_start3A_199 = arith.constant 0 : i32
    %dma_start3A_200 = tpu.memref_slice %arg2[%dma_start3A_198, %dma_start3A_199] : memref<10000x128xf32, #tpu.memory_space<hbm>> -> memref<10000x128xf32, #tpu.memory_space<hbm>>
    %dma_start3A_201 = tpu.memref_slice %arg12[%dma_start3A_190] : memref<5x!tpu.dma_semaphore, #tpu.memory_space<semaphore_mem>> -> memref<1x!tpu.dma_semaphore, #tpu.memory_space<semaphore_mem>>
    %dma_start3A_202 = tpu.memref_squeeze %dma_start3A_201 : memref<1x!tpu.dma_semaphore, #tpu.memory_space<semaphore_mem>> -> memref<!tpu.dma_semaphore, #tpu.memory_space<semaphore_mem>>
    tpu.enqueue_indirect_dma source(%dma_start3A_200 : memref<10000x128xf32, #tpu.memory_space<hbm>>) target(%dma_start3A_194 : memref<56x128xf32, #tpu.memory_space<vmem>>) offsets(%dma_start3A_197 : memref<56xi32, #tpu.memory_space<vmem>>) semaphore(%dma_start3A_202 : memref<!tpu.dma_semaphore, #tpu.memory_space<semaphore_mem>>)
    %add3A_203 = arith.constant 56 : i32
    %add3A_204 = arith.addi %mul3A_6, %add3A_203 : i32
    %dma_wait3A_205 = arith.constant 1 : i32
    %dma_wait3A_206 = arith.constant 1 : i32
    %dma_wait3A_207 = arith.constant 0 : i32
    %dma_wait3A_208 = tpu.memref_slice %arg7[%dma_wait3A_205, %dma_wait3A_207] : memref<8x56xi32, #tpu.memory_space<vmem>> -> memref<1x56xi32, #tpu.memory_space<vmem>>
    %dma_wait3A_209 = tpu.memref_squeeze %dma_wait3A_208 : memref<1x56xi32, #tpu.memory_space<vmem>> -> memref<56xi32, #tpu.memory_space<vmem>>
    %dma_wait3A_210 = tpu.memref_slice %arg3[%add3A_204] : memref<320768xi32, #tpu.memory_space<hbm>> -> memref<56xi32, #tpu.memory_space<hbm>>
    %dma_wait3A_211 = tpu.memref_slice %arg11[%dma_wait3A_206] : memref<8x!tpu.dma_semaphore, #tpu.memory_space<semaphore_mem>> -> memref<1x!tpu.dma_semaphore, #tpu.memory_space<semaphore_mem>>
    %dma_wait3A_212 = tpu.memref_squeeze %dma_wait3A_211 : memref<1x!tpu.dma_semaphore, #tpu.memory_space<semaphore_mem>> -> memref<!tpu.dma_semaphore, #tpu.memory_space<semaphore_mem>>
    %dma_wait3A_213 = arith.constant 0 : i32
    %dma_wait3A_214 = tpu.memref_slice %arg7[%dma_wait3A_205, %dma_wait3A_213] : memref<8x56xi32, #tpu.memory_space<vmem>> -> memref<1x56xi32, #tpu.memory_space<vmem>>
    %dma_wait3A_215 = tpu.memref_squeeze %dma_wait3A_214 : memref<1x56xi32, #tpu.memory_space<vmem>> -> memref<56xi32, #tpu.memory_space<vmem>>
    %dma_wait3A_216 = tpu.memref_slice %arg3[%add3A_204] : memref<320768xi32, #tpu.memory_space<hbm>> -> memref<56xi32, #tpu.memory_space<hbm>>
    tpu.wait_dma2 semaphore(%dma_wait3A_212 : memref<!tpu.dma_semaphore, #tpu.memory_space<semaphore_mem>>) src(%dma_wait3A_216 : memref<56xi32, #tpu.memory_space<hbm>>) dst(%dma_wait3A_215 : memref<56xi32, #tpu.memory_space<vmem>>)
    %dma_wait3A_217 = arith.constant 1 : i32
    %dma_wait3A_218 = arith.constant 1 : i32
    %dma_wait3A_219 = arith.constant 0 : i32
    %dma_wait3A_220 = tpu.memref_slice %arg8[%dma_wait3A_217, %dma_wait3A_219] : memref<8x56xi32, #tpu.memory_space<vmem>> -> memref<1x56xi32, #tpu.memory_space<vmem>>
    %dma_wait3A_221 = tpu.memref_squeeze %dma_wait3A_220 : memref<1x56xi32, #tpu.memory_space<vmem>> -> memref<56xi32, #tpu.memory_space<vmem>>
    %dma_wait3A_222 = tpu.memref_slice %arg4[%add3A_204] : memref<320768xi32, #tpu.memory_space<hbm>> -> memref<56xi32, #tpu.memory_space<hbm>>
    %dma_wait3A_223 = tpu.memref_slice %arg11[%dma_wait3A_218] : memref<8x!tpu.dma_semaphore, #tpu.memory_space<semaphore_mem>> -> memref<1x!tpu.dma_semaphore, #tpu.memory_space<semaphore_mem>>
    %dma_wait3A_224 = tpu.memref_squeeze %dma_wait3A_223 : memref<1x!tpu.dma_semaphore, #tpu.memory_space<semaphore_mem>> -> memref<!tpu.dma_semaphore, #tpu.memory_space<semaphore_mem>>
    %dma_wait3A_225 = arith.constant 0 : i32
    %dma_wait3A_226 = tpu.memref_slice %arg8[%dma_wait3A_217, %dma_wait3A_225] : memref<8x56xi32, #tpu.memory_space<vmem>> -> memref<1x56xi32, #tpu.memory_space<vmem>>
    %dma_wait3A_227 = tpu.memref_squeeze %dma_wait3A_226 : memref<1x56xi32, #tpu.memory_space<vmem>> -> memref<56xi32, #tpu.memory_space<vmem>>
    %dma_wait3A_228 = tpu.memref_slice %arg4[%add3A_204] : memref<320768xi32, #tpu.memory_space<hbm>> -> memref<56xi32, #tpu.memory_space<hbm>>
    tpu.wait_dma2 semaphore(%dma_wait3A_224 : memref<!tpu.dma_semaphore, #tpu.memory_space<semaphore_mem>>) src(%dma_wait3A_228 : memref<56xi32, #tpu.memory_space<hbm>>) dst(%dma_wait3A_227 : memref<56xi32, #tpu.memory_space<vmem>>)
    %rem3A_229 = arith.constant 1 : i32
    %rem3A_230 = arith.constant 8 : i32
    %rem3A_231 = arith.remsi %rem3A_229, %rem3A_230 : i32
    %dma_start3A_232 = arith.constant 1 : i32
    %dma_start3A_233 = arith.constant 1 : i32
    %dma_start3A_234 = arith.constant 0 : i32
    %dma_start3A_235 = arith.constant 0 : i32
    %dma_start3A_236 = tpu.memref_slice %arg9[%dma_start3A_232, %dma_start3A_234, %dma_start3A_235] : memref<5x56x128xf32, #tpu.memory_space<vmem>> -> memref<1x56x128xf32, #tpu.memory_space<vmem>>
    %dma_start3A_237 = tpu.memref_squeeze %dma_start3A_236 : memref<1x56x128xf32, #tpu.memory_space<vmem>> -> memref<56x128xf32, #tpu.memory_space<vmem>>
    %dma_start3A_238 = arith.constant 0 : i32
    %dma_start3A_239 = tpu.memref_slice %arg7[%rem3A_231, %dma_start3A_238] : memref<8x56xi32, #tpu.memory_space<vmem>> -> memref<1x56xi32, #tpu.memory_space<vmem>>
    %dma_start3A_240 = tpu.memref_squeeze %dma_start3A_239 : memref<1x56xi32, #tpu.memory_space<vmem>> -> memref<56xi32, #tpu.memory_space<vmem>>
    %dma_start3A_241 = arith.constant 0 : i32
    %dma_start3A_242 = arith.constant 0 : i32
    %dma_start3A_243 = tpu.memref_slice %arg2[%dma_start3A_241, %dma_start3A_242] : memref<10000x128xf32, #tpu.memory_space<hbm>> -> memref<10000x128xf32, #tpu.memory_space<hbm>>
    %dma_start3A_244 = tpu.memref_slice %arg12[%dma_start3A_233] : memref<5x!tpu.dma_semaphore, #tpu.memory_space<semaphore_mem>> -> memref<1x!tpu.dma_semaphore, #tpu.memory_space<semaphore_mem>>
    %dma_start3A_245 = tpu.memref_squeeze %dma_start3A_244 : memref<1x!tpu.dma_semaphore, #tpu.memory_space<semaphore_mem>> -> memref<!tpu.dma_semaphore, #tpu.memory_space<semaphore_mem>>
    tpu.enqueue_indirect_dma source(%dma_start3A_243 : memref<10000x128xf32, #tpu.memory_space<hbm>>) target(%dma_start3A_237 : memref<56x128xf32, #tpu.memory_space<vmem>>) offsets(%dma_start3A_240 : memref<56xi32, #tpu.memory_space<vmem>>) semaphore(%dma_start3A_245 : memref<!tpu.dma_semaphore, #tpu.memory_space<semaphore_mem>>)
    %add3A_246 = arith.constant 112 : i32
    %add3A_247 = arith.addi %mul3A_6, %add3A_246 : i32
    %dma_wait3A_248 = arith.constant 2 : i32
    %dma_wait3A_249 = arith.constant 2 : i32
    %dma_wait3A_250 = arith.constant 0 : i32
    %dma_wait3A_251 = tpu.memref_slice %arg7[%dma_wait3A_248, %dma_wait3A_250] : memref<8x56xi32, #tpu.memory_space<vmem>> -> memref<1x56xi32, #tpu.memory_space<vmem>>
    %dma_wait3A_252 = tpu.memref_squeeze %dma_wait3A_251 : memref<1x56xi32, #tpu.memory_space<vmem>> -> memref<56xi32, #tpu.memory_space<vmem>>
    %dma_wait3A_253 = tpu.memref_slice %arg3[%add3A_247] : memref<320768xi32, #tpu.memory_space<hbm>> -> memref<56xi32, #tpu.memory_space<hbm>>
    %dma_wait3A_254 = tpu.memref_slice %arg11[%dma_wait3A_249] : memref<8x!tpu.dma_semaphore, #tpu.memory_space<semaphore_mem>> -> memref<1x!tpu.dma_semaphore, #tpu.memory_space<semaphore_mem>>
    %dma_wait3A_255 = tpu.memref_squeeze %dma_wait3A_254 : memref<1x!tpu.dma_semaphore, #tpu.memory_space<semaphore_mem>> -> memref<!tpu.dma_semaphore, #tpu.memory_space<semaphore_mem>>
    %dma_wait3A_256 = arith.constant 0 : i32
    %dma_wait3A_257 = tpu.memref_slice %arg7[%dma_wait3A_248, %dma_wait3A_256] : memref<8x56xi32, #tpu.memory_space<vmem>> -> memref<1x56xi32, #tpu.memory_space<vmem>>
    %dma_wait3A_258 = tpu.memref_squeeze %dma_wait3A_257 : memref<1x56xi32, #tpu.memory_space<vmem>> -> memref<56xi32, #tpu.memory_space<vmem>>
    %dma_wait3A_259 = tpu.memref_slice %arg3[%add3A_247] : memref<320768xi32, #tpu.memory_space<hbm>> -> memref<56xi32, #tpu.memory_space<hbm>>
    tpu.wait_dma2 semaphore(%dma_wait3A_255 : memref<!tpu.dma_semaphore, #tpu.memory_space<semaphore_mem>>) src(%dma_wait3A_259 : memref<56xi32, #tpu.memory_space<hbm>>) dst(%dma_wait3A_258 : memref<56xi32, #tpu.memory_space<vmem>>)
    %dma_wait3A_260 = arith.constant 2 : i32
    %dma_wait3A_261 = arith.constant 2 : i32
    %dma_wait3A_262 = arith.constant 0 : i32
    %dma_wait3A_263 = tpu.memref_slice %arg8[%dma_wait3A_260, %dma_wait3A_262] : memref<8x56xi32, #tpu.memory_space<vmem>> -> memref<1x56xi32, #tpu.memory_space<vmem>>
    %dma_wait3A_264 = tpu.memref_squeeze %dma_wait3A_263 : memref<1x56xi32, #tpu.memory_space<vmem>> -> memref<56xi32, #tpu.memory_space<vmem>>
    %dma_wait3A_265 = tpu.memref_slice %arg4[%add3A_247] : memref<320768xi32, #tpu.memory_space<hbm>> -> memref<56xi32, #tpu.memory_space<hbm>>
    %dma_wait3A_266 = tpu.memref_slice %arg11[%dma_wait3A_261] : memref<8x!tpu.dma_semaphore, #tpu.memory_space<semaphore_mem>> -> memref<1x!tpu.dma_semaphore, #tpu.memory_space<semaphore_mem>>
    %dma_wait3A_267 = tpu.memref_squeeze %dma_wait3A_266 : memref<1x!tpu.dma_semaphore, #tpu.memory_space<semaphore_mem>> -> memref<!tpu.dma_semaphore, #tpu.memory_space<semaphore_mem>>
    %dma_wait3A_268 = arith.constant 0 : i32
    %dma_wait3A_269 = tpu.memref_slice %arg8[%dma_wait3A_260, %dma_wait3A_268] : memref<8x56xi32, #tpu.memory_space<vmem>> -> memref<1x56xi32, #tpu.memory_space<vmem>>
    %dma_wait3A_270 = tpu.memref_squeeze %dma_wait3A_269 : memref<1x56xi32, #tpu.memory_space<vmem>> -> memref<56xi32, #tpu.memory_space<vmem>>
    %dma_wait3A_271 = tpu.memref_slice %arg4[%add3A_247] : memref<320768xi32, #tpu.memory_space<hbm>> -> memref<56xi32, #tpu.memory_space<hbm>>
    tpu.wait_dma2 semaphore(%dma_wait3A_267 : memref<!tpu.dma_semaphore, #tpu.memory_space<semaphore_mem>>) src(%dma_wait3A_271 : memref<56xi32, #tpu.memory_space<hbm>>) dst(%dma_wait3A_270 : memref<56xi32, #tpu.memory_space<vmem>>)
    %rem3A_272 = arith.constant 2 : i32
    %rem3A_273 = arith.constant 8 : i32
    %rem3A_274 = arith.remsi %rem3A_272, %rem3A_273 : i32
    %dma_start3A_275 = arith.constant 2 : i32
    %dma_start3A_276 = arith.constant 2 : i32
    %dma_start3A_277 = arith.constant 0 : i32
    %dma_start3A_278 = arith.constant 0 : i32
    %dma_start3A_279 = tpu.memref_slice %arg9[%dma_start3A_275, %dma_start3A_277, %dma_start3A_278] : memref<5x56x128xf32, #tpu.memory_space<vmem>> -> memref<1x56x128xf32, #tpu.memory_space<vmem>>
    %dma_start3A_280 = tpu.memref_squeeze %dma_start3A_279 : memref<1x56x128xf32, #tpu.memory_space<vmem>> -> memref<56x128xf32, #tpu.memory_space<vmem>>
    %dma_start3A_281 = arith.constant 0 : i32
    %dma_start3A_282 = tpu.memref_slice %arg7[%rem3A_274, %dma_start3A_281] : memref<8x56xi32, #tpu.memory_space<vmem>> -> memref<1x56xi32, #tpu.memory_space<vmem>>
    %dma_start3A_283 = tpu.memref_squeeze %dma_start3A_282 : memref<1x56xi32, #tpu.memory_space<vmem>> -> memref<56xi32, #tpu.memory_space<vmem>>
    %dma_start3A_284 = arith.constant 0 : i32
    %dma_start3A_285 = arith.constant 0 : i32
    %dma_start3A_286 = tpu.memref_slice %arg2[%dma_start3A_284, %dma_start3A_285] : memref<10000x128xf32, #tpu.memory_space<hbm>> -> memref<10000x128xf32, #tpu.memory_space<hbm>>
    %dma_start3A_287 = tpu.memref_slice %arg12[%dma_start3A_276] : memref<5x!tpu.dma_semaphore, #tpu.memory_space<semaphore_mem>> -> memref<1x!tpu.dma_semaphore, #tpu.memory_space<semaphore_mem>>
    %dma_start3A_288 = tpu.memref_squeeze %dma_start3A_287 : memref<1x!tpu.dma_semaphore, #tpu.memory_space<semaphore_mem>> -> memref<!tpu.dma_semaphore, #tpu.memory_space<semaphore_mem>>
    tpu.enqueue_indirect_dma source(%dma_start3A_286 : memref<10000x128xf32, #tpu.memory_space<hbm>>) target(%dma_start3A_280 : memref<56x128xf32, #tpu.memory_space<vmem>>) offsets(%dma_start3A_283 : memref<56xi32, #tpu.memory_space<vmem>>) semaphore(%dma_start3A_288 : memref<!tpu.dma_semaphore, #tpu.memory_space<semaphore_mem>>)
    %scan3A = arith.constant 0 : i32
    %scan3A_289 = arith.constant 176 : i32
    %scan3A_290 = arith.addi %scan3A, %scan3A_289 : i32
    %scan3A_291 = arith.constant 1 : i32
    scf.for %scan3A_486 = %scan3A to %scan3A_290 step %scan3A_291  : i32 {
      %rem3A_487 = arith.constant 5 : i32
      %rem3A_488 = arith.remsi %scan3A_486, %rem3A_487 : i32
      %ge3A = arith.constant 2 : i32
      %ge3A_489 = arith.cmpi sge, %scan3A_486, %ge3A : i32
      %convert_element_type3A_490 = arith.extui %ge3A_489 : i1 to i32
      %cond3A_491 = arith.constant 0 : i32
      %cond3A_492 = arith.cmpi ne, %convert_element_type3A_490, %cond3A_491 : i32
      scf.if %cond3A_492 {
        %sub3A = arith.constant 2 : i32
        %sub3A_576 = arith.subi %scan3A_486, %sub3A : i32
        %sub3A_577 = arith.constant 2 : i32
        %sub3A_578 = arith.subi %scan3A_486, %sub3A_577 : i32
        %rem3A_579 = arith.constant 5 : i32
        %rem3A_580 = arith.remsi %sub3A_578, %rem3A_579 : i32
        %rem3A_581 = arith.constant 8 : i32
        %rem3A_582 = arith.remsi %sub3A_576, %rem3A_581 : i32
        %dma_wait3A_583 = arith.constant 0 : i32
        %dma_wait3A_584 = arith.constant 0 : i32
        %dma_wait3A_585 = tpu.memref_slice %arg9[%rem3A_580, %dma_wait3A_583, %dma_wait3A_584] : memref<5x56x128xf32, #tpu.memory_space<vmem>> -> memref<1x56x128xf32, #tpu.memory_space<vmem>>
        %dma_wait3A_586 = tpu.memref_squeeze %dma_wait3A_585 : memref<1x56x128xf32, #tpu.memory_space<vmem>> -> memref<56x128xf32, #tpu.memory_space<vmem>>
        %dma_wait3A_587 = arith.constant 0 : i32
        %dma_wait3A_588 = tpu.memref_slice %arg8[%rem3A_582, %dma_wait3A_587] : memref<8x56xi32, #tpu.memory_space<vmem>> -> memref<1x56xi32, #tpu.memory_space<vmem>>
        %dma_wait3A_589 = tpu.memref_squeeze %dma_wait3A_588 : memref<1x56xi32, #tpu.memory_space<vmem>> -> memref<56xi32, #tpu.memory_space<vmem>>
        %dma_wait3A_590 = arith.constant 0 : i32
        %dma_wait3A_591 = arith.constant 0 : i32
        %dma_wait3A_592 = tpu.memref_slice %arg10[%dma_wait3A_590, %dma_wait3A_591] : memref<10008x128xf32, #tpu.memory_space<vmem_shared>> -> memref<10008x128xf32, #tpu.memory_space<vmem_shared>>
        %dma_wait3A_593 = tpu.memref_slice %arg13[%rem3A_580] : memref<5x!tpu.dma_semaphore, #tpu.memory_space<semaphore_mem>> -> memref<1x!tpu.dma_semaphore, #tpu.memory_space<semaphore_mem>>
        %dma_wait3A_594 = tpu.memref_squeeze %dma_wait3A_593 : memref<1x!tpu.dma_semaphore, #tpu.memory_space<semaphore_mem>> -> memref<!tpu.dma_semaphore, #tpu.memory_space<semaphore_mem>>
        tpu.wait_indirect_dma semaphore(%dma_wait3A_594 : memref<!tpu.dma_semaphore, #tpu.memory_space<semaphore_mem>>) src(%dma_wait3A_586 : memref<56x128xf32, #tpu.memory_space<vmem>>) dst(%dma_wait3A_592 : memref<10008x128xf32, #tpu.memory_space<vmem_shared>>)
      } else {
      }
      %add3A_493 = arith.constant 6 : i32
      %add3A_494 = arith.addi %scan3A_486, %add3A_493 : i32
      %lt3A = arith.constant 179 : i32
      %lt3A_495 = arith.cmpi slt, %add3A_494, %lt3A : i32
      %convert_element_type3A_496 = arith.extui %lt3A_495 : i1 to i32
      %cond3A_497 = arith.constant 0 : i32
      %cond3A_498 = arith.cmpi ne, %convert_element_type3A_496, %cond3A_497 : i32
      scf.if %cond3A_498 {
        %add3A_576 = arith.constant 6 : i32
        %add3A_577 = arith.addi %scan3A_486, %add3A_576 : i32
        %add3A_578 = arith.constant 6 : i32
        %add3A_579 = arith.addi %scan3A_486, %add3A_578 : i32
        %rem3A_580 = arith.constant 8 : i32
        %rem3A_581 = arith.remsi %add3A_579, %rem3A_580 : i32
        %mul3A_582 = arith.constant 56 : i32
        %mul3A_583 = arith.muli %add3A_577, %mul3A_582 : i32
        %add3A_584 = arith.addi %mul3A_6, %mul3A_583 : i32
        %dma_start3A_585 = arith.constant 0 : i32
        %dma_start3A_586 = tpu.memref_slice %arg7[%rem3A_581, %dma_start3A_585] : memref<8x56xi32, #tpu.memory_space<vmem>> -> memref<1x56xi32, #tpu.memory_space<vmem>>
        %dma_start3A_587 = tpu.memref_squeeze %dma_start3A_586 : memref<1x56xi32, #tpu.memory_space<vmem>> -> memref<56xi32, #tpu.memory_space<vmem>>
        %dma_start3A_588 = tpu.memref_slice %arg3[%add3A_584] : memref<320768xi32, #tpu.memory_space<hbm>> -> memref<56xi32, #tpu.memory_space<hbm>>
        %dma_start3A_589 = tpu.memref_slice %arg11[%rem3A_581] : memref<8x!tpu.dma_semaphore, #tpu.memory_space<semaphore_mem>> -> memref<1x!tpu.dma_semaphore, #tpu.memory_space<semaphore_mem>>
        %dma_start3A_590 = tpu.memref_squeeze %dma_start3A_589 : memref<1x!tpu.dma_semaphore, #tpu.memory_space<semaphore_mem>> -> memref<!tpu.dma_semaphore, #tpu.memory_space<semaphore_mem>>
        %dma_start3A_591 = arith.constant 0 : i32
        %dma_start3A_592 = tpu.memref_slice %arg7[%rem3A_581, %dma_start3A_591] : memref<8x56xi32, #tpu.memory_space<vmem>> -> memref<1x56xi32, #tpu.memory_space<vmem>>
        %dma_start3A_593 = tpu.memref_squeeze %dma_start3A_592 : memref<1x56xi32, #tpu.memory_space<vmem>> -> memref<56xi32, #tpu.memory_space<vmem>>
        %dma_start3A_594 = tpu.memref_slice %arg3[%add3A_584] : memref<320768xi32, #tpu.memory_space<hbm>> -> memref<56xi32, #tpu.memory_space<hbm>>
        tpu.enqueue_dma source(%dma_start3A_594 : memref<56xi32, #tpu.memory_space<hbm>>) target(%dma_start3A_593 : memref<56xi32, #tpu.memory_space<vmem>>) target_semaphore(%dma_start3A_590 : memref<!tpu.dma_semaphore, #tpu.memory_space<semaphore_mem>>)
        %dma_start3A_595 = arith.constant 0 : i32
        %dma_start3A_596 = tpu.memref_slice %arg8[%rem3A_581, %dma_start3A_595] : memref<8x56xi32, #tpu.memory_space<vmem>> -> memref<1x56xi32, #tpu.memory_space<vmem>>
        %dma_start3A_597 = tpu.memref_squeeze %dma_start3A_596 : memref<1x56xi32, #tpu.memory_space<vmem>> -> memref<56xi32, #tpu.memory_space<vmem>>
        %dma_start3A_598 = tpu.memref_slice %arg4[%add3A_584] : memref<320768xi32, #tpu.memory_space<hbm>> -> memref<56xi32, #tpu.memory_space<hbm>>
        %dma_start3A_599 = tpu.memref_slice %arg11[%rem3A_581] : memref<8x!tpu.dma_semaphore, #tpu.memory_space<semaphore_mem>> -> memref<1x!tpu.dma_semaphore, #tpu.memory_space<semaphore_mem>>
        %dma_start3A_600 = tpu.memref_squeeze %dma_start3A_599 : memref<1x!tpu.dma_semaphore, #tpu.memory_space<semaphore_mem>> -> memref<!tpu.dma_semaphore, #tpu.memory_space<semaphore_mem>>
        %dma_start3A_601 = arith.constant 0 : i32
        %dma_start3A_602 = tpu.memref_slice %arg8[%rem3A_581, %dma_start3A_601] : memref<8x56xi32, #tpu.memory_space<vmem>> -> memref<1x56xi32, #tpu.memory_space<vmem>>
        %dma_start3A_603 = tpu.memref_squeeze %dma_start3A_602 : memref<1x56xi32, #tpu.memory_space<vmem>> -> memref<56xi32, #tpu.memory_space<vmem>>
        %dma_start3A_604 = tpu.memref_slice %arg4[%add3A_584] : memref<320768xi32, #tpu.memory_space<hbm>> -> memref<56xi32, #tpu.memory_space<hbm>>
        tpu.enqueue_dma source(%dma_start3A_604 : memref<56xi32, #tpu.memory_space<hbm>>) target(%dma_start3A_603 : memref<56xi32, #tpu.memory_space<vmem>>) target_semaphore(%dma_start3A_600 : memref<!tpu.dma_semaphore, #tpu.memory_space<semaphore_mem>>)
      } else {
      }
      %add3A_499 = arith.constant 3 : i32
      %add3A_500 = arith.addi %scan3A_486, %add3A_499 : i32
      %add3A_501 = arith.constant 3 : i32
      %add3A_502 = arith.addi %scan3A_486, %add3A_501 : i32
      %rem3A_503 = arith.constant 8 : i32
      %rem3A_504 = arith.remsi %add3A_502, %rem3A_503 : i32
      %mul3A_505 = arith.constant 56 : i32
      %mul3A_506 = arith.muli %add3A_500, %mul3A_505 : i32
      %add3A_507 = arith.addi %mul3A_6, %mul3A_506 : i32
      %dma_wait3A_508 = arith.constant 0 : i32
      %dma_wait3A_509 = tpu.memref_slice %arg7[%rem3A_504, %dma_wait3A_508] : memref<8x56xi32, #tpu.memory_space<vmem>> -> memref<1x56xi32, #tpu.memory_space<vmem>>
      %dma_wait3A_510 = tpu.memref_squeeze %dma_wait3A_509 : memref<1x56xi32, #tpu.memory_space<vmem>> -> memref<56xi32, #tpu.memory_space<vmem>>
      %dma_wait3A_511 = tpu.memref_slice %arg3[%add3A_507] : memref<320768xi32, #tpu.memory_space<hbm>> -> memref<56xi32, #tpu.memory_space<hbm>>
      %dma_wait3A_512 = tpu.memref_slice %arg11[%rem3A_504] : memref<8x!tpu.dma_semaphore, #tpu.memory_space<semaphore_mem>> -> memref<1x!tpu.dma_semaphore, #tpu.memory_space<semaphore_mem>>
      %dma_wait3A_513 = tpu.memref_squeeze %dma_wait3A_512 : memref<1x!tpu.dma_semaphore, #tpu.memory_space<semaphore_mem>> -> memref<!tpu.dma_semaphore, #tpu.memory_space<semaphore_mem>>
      %dma_wait3A_514 = arith.constant 0 : i32
      %dma_wait3A_515 = tpu.memref_slice %arg7[%rem3A_504, %dma_wait3A_514] : memref<8x56xi32, #tpu.memory_space<vmem>> -> memref<1x56xi32, #tpu.memory_space<vmem>>
      %dma_wait3A_516 = tpu.memref_squeeze %dma_wait3A_515 : memref<1x56xi32, #tpu.memory_space<vmem>> -> memref<56xi32, #tpu.memory_space<vmem>>
      %dma_wait3A_517 = tpu.memref_slice %arg3[%add3A_507] : memref<320768xi32, #tpu.memory_space<hbm>> -> memref<56xi32, #tpu.memory_space<hbm>>
      tpu.wait_dma2 semaphore(%dma_wait3A_513 : memref<!tpu.dma_semaphore, #tpu.memory_space<semaphore_mem>>) src(%dma_wait3A_517 : memref<56xi32, #tpu.memory_space<hbm>>) dst(%dma_wait3A_516 : memref<56xi32, #tpu.memory_space<vmem>>)
      %dma_wait3A_518 = arith.constant 0 : i32
      %dma_wait3A_519 = tpu.memref_slice %arg8[%rem3A_504, %dma_wait3A_518] : memref<8x56xi32, #tpu.memory_space<vmem>> -> memref<1x56xi32, #tpu.memory_space<vmem>>
      %dma_wait3A_520 = tpu.memref_squeeze %dma_wait3A_519 : memref<1x56xi32, #tpu.memory_space<vmem>> -> memref<56xi32, #tpu.memory_space<vmem>>
      %dma_wait3A_521 = tpu.memref_slice %arg4[%add3A_507] : memref<320768xi32, #tpu.memory_space<hbm>> -> memref<56xi32, #tpu.memory_space<hbm>>
      %dma_wait3A_522 = tpu.memref_slice %arg11[%rem3A_504] : memref<8x!tpu.dma_semaphore, #tpu.memory_space<semaphore_mem>> -> memref<1x!tpu.dma_semaphore, #tpu.memory_space<semaphore_mem>>
      %dma_wait3A_523 = tpu.memref_squeeze %dma_wait3A_522 : memref<1x!tpu.dma_semaphore, #tpu.memory_space<semaphore_mem>> -> memref<!tpu.dma_semaphore, #tpu.memory_space<semaphore_mem>>
      %dma_wait3A_524 = arith.constant 0 : i32
      %dma_wait3A_525 = tpu.memref_slice %arg8[%rem3A_504, %dma_wait3A_524] : memref<8x56xi32, #tpu.memory_space<vmem>> -> memref<1x56xi32, #tpu.memory_space<vmem>>
      %dma_wait3A_526 = tpu.memref_squeeze %dma_wait3A_525 : memref<1x56xi32, #tpu.memory_space<vmem>> -> memref<56xi32, #tpu.memory_space<vmem>>
      %dma_wait3A_527 = tpu.memref_slice %arg4[%add3A_507] : memref<320768xi32, #tpu.memory_space<hbm>> -> memref<56xi32, #tpu.memory_space<hbm>>
      tpu.wait_dma2 semaphore(%dma_wait3A_523 : memref<!tpu.dma_semaphore, #tpu.memory_space<semaphore_mem>>) src(%dma_wait3A_527 : memref<56xi32, #tpu.memory_space<hbm>>) dst(%dma_wait3A_526 : memref<56xi32, #tpu.memory_space<vmem>>)
      %add3A_528 = arith.constant 3 : i32
      %add3A_529 = arith.addi %scan3A_486, %add3A_528 : i32
      %add3A_530 = arith.constant 3 : i32
      %add3A_531 = arith.addi %scan3A_486, %add3A_530 : i32
      %rem3A_532 = arith.constant 5 : i32
      %rem3A_533 = arith.remsi %add3A_531, %rem3A_532 : i32
      %rem3A_534 = arith.constant 8 : i32
      %rem3A_535 = arith.remsi %add3A_529, %rem3A_534 : i32
      %dma_start3A_536 = arith.constant 0 : i32
      %dma_start3A_537 = arith.constant 0 : i32
      %dma_start3A_538 = tpu.memref_slice %arg9[%rem3A_533, %dma_start3A_536, %dma_start3A_537] : memref<5x56x128xf32, #tpu.memory_space<vmem>> -> memref<1x56x128xf32, #tpu.memory_space<vmem>>
      %dma_start3A_539 = tpu.memref_squeeze %dma_start3A_538 : memref<1x56x128xf32, #tpu.memory_space<vmem>> -> memref<56x128xf32, #tpu.memory_space<vmem>>
      %dma_start3A_540 = arith.constant 0 : i32
      %dma_start3A_541 = tpu.memref_slice %arg7[%rem3A_535, %dma_start3A_540] : memref<8x56xi32, #tpu.memory_space<vmem>> -> memref<1x56xi32, #tpu.memory_space<vmem>>
      %dma_start3A_542 = tpu.memref_squeeze %dma_start3A_541 : memref<1x56xi32, #tpu.memory_space<vmem>> -> memref<56xi32, #tpu.memory_space<vmem>>
      %dma_start3A_543 = arith.constant 0 : i32
      %dma_start3A_544 = arith.constant 0 : i32
      %dma_start3A_545 = tpu.memref_slice %arg2[%dma_start3A_543, %dma_start3A_544] : memref<10000x128xf32, #tpu.memory_space<hbm>> -> memref<10000x128xf32, #tpu.memory_space<hbm>>
      %dma_start3A_546 = tpu.memref_slice %arg12[%rem3A_533] : memref<5x!tpu.dma_semaphore, #tpu.memory_space<semaphore_mem>> -> memref<1x!tpu.dma_semaphore, #tpu.memory_space<semaphore_mem>>
      %dma_start3A_547 = tpu.memref_squeeze %dma_start3A_546 : memref<1x!tpu.dma_semaphore, #tpu.memory_space<semaphore_mem>> -> memref<!tpu.dma_semaphore, #tpu.memory_space<semaphore_mem>>
      tpu.enqueue_indirect_dma source(%dma_start3A_545 : memref<10000x128xf32, #tpu.memory_space<hbm>>) target(%dma_start3A_539 : memref<56x128xf32, #tpu.memory_space<vmem>>) offsets(%dma_start3A_542 : memref<56xi32, #tpu.memory_space<vmem>>) semaphore(%dma_start3A_547 : memref<!tpu.dma_semaphore, #tpu.memory_space<semaphore_mem>>)
      %rem3A_548 = arith.constant 8 : i32
      %rem3A_549 = arith.remsi %scan3A_486, %rem3A_548 : i32
      %dma_wait3A_550 = arith.constant 0 : i32
      %dma_wait3A_551 = arith.constant 0 : i32
      %dma_wait3A_552 = tpu.memref_slice %arg9[%rem3A_488, %dma_wait3A_550, %dma_wait3A_551] : memref<5x56x128xf32, #tpu.memory_space<vmem>> -> memref<1x56x128xf32, #tpu.memory_space<vmem>>
      %dma_wait3A_553 = tpu.memref_squeeze %dma_wait3A_552 : memref<1x56x128xf32, #tpu.memory_space<vmem>> -> memref<56x128xf32, #tpu.memory_space<vmem>>
      %dma_wait3A_554 = arith.constant 0 : i32
      %dma_wait3A_555 = tpu.memref_slice %arg7[%rem3A_549, %dma_wait3A_554] : memref<8x56xi32, #tpu.memory_space<vmem>> -> memref<1x56xi32, #tpu.memory_space<vmem>>
      %dma_wait3A_556 = tpu.memref_squeeze %dma_wait3A_555 : memref<1x56xi32, #tpu.memory_space<vmem>> -> memref<56xi32, #tpu.memory_space<vmem>>
      %dma_wait3A_557 = arith.constant 0 : i32
      %dma_wait3A_558 = arith.constant 0 : i32
      %dma_wait3A_559 = tpu.memref_slice %arg2[%dma_wait3A_557, %dma_wait3A_558] : memref<10000x128xf32, #tpu.memory_space<hbm>> -> memref<10000x128xf32, #tpu.memory_space<hbm>>
      %dma_wait3A_560 = tpu.memref_slice %arg12[%rem3A_488] : memref<5x!tpu.dma_semaphore, #tpu.memory_space<semaphore_mem>> -> memref<1x!tpu.dma_semaphore, #tpu.memory_space<semaphore_mem>>
      %dma_wait3A_561 = tpu.memref_squeeze %dma_wait3A_560 : memref<1x!tpu.dma_semaphore, #tpu.memory_space<semaphore_mem>> -> memref<!tpu.dma_semaphore, #tpu.memory_space<semaphore_mem>>
      tpu.wait_indirect_dma semaphore(%dma_wait3A_561 : memref<!tpu.dma_semaphore, #tpu.memory_space<semaphore_mem>>) src(%dma_wait3A_559 : memref<10000x128xf32, #tpu.memory_space<hbm>>) dst(%dma_wait3A_553 : memref<56x128xf32, #tpu.memory_space<vmem>>)
      %rem3A_562 = arith.constant 8 : i32
      %rem3A_563 = arith.remsi %scan3A_486, %rem3A_562 : i32
      %dma_start3A_564 = arith.constant 0 : i32
      %dma_start3A_565 = arith.constant 0 : i32
      %dma_start3A_566 = tpu.memref_slice %arg9[%rem3A_488, %dma_start3A_564, %dma_start3A_565] : memref<5x56x128xf32, #tpu.memory_space<vmem>> -> memref<1x56x128xf32, #tpu.memory_space<vmem>>
      %dma_start3A_567 = tpu.memref_squeeze %dma_start3A_566 : memref<1x56x128xf32, #tpu.memory_space<vmem>> -> memref<56x128xf32, #tpu.memory_space<vmem>>
      %dma_start3A_568 = arith.constant 0 : i32
      %dma_start3A_569 = tpu.memref_slice %arg8[%rem3A_563, %dma_start3A_568] : memref<8x56xi32, #tpu.memory_space<vmem>> -> memref<1x56xi32, #tpu.memory_space<vmem>>
      %dma_start3A_570 = tpu.memref_squeeze %dma_start3A_569 : memref<1x56xi32, #tpu.memory_space<vmem>> -> memref<56xi32, #tpu.memory_space<vmem>>
      %dma_start3A_571 = arith.constant 0 : i32
      %dma_start3A_572 = arith.constant 0 : i32
      %dma_start3A_573 = tpu.memref_slice %arg10[%dma_start3A_571, %dma_start3A_572] : memref<10008x128xf32, #tpu.memory_space<vmem_shared>> -> memref<10008x128xf32, #tpu.memory_space<vmem_shared>>
      %dma_start3A_574 = tpu.memref_slice %arg13[%rem3A_488] : memref<5x!tpu.dma_semaphore, #tpu.memory_space<semaphore_mem>> -> memref<1x!tpu.dma_semaphore, #tpu.memory_space<semaphore_mem>>
      %dma_start3A_575 = tpu.memref_squeeze %dma_start3A_574 : memref<1x!tpu.dma_semaphore, #tpu.memory_space<semaphore_mem>> -> memref<!tpu.dma_semaphore, #tpu.memory_space<semaphore_mem>>
      tpu.enqueue_indirect_dma source(%dma_start3A_567 : memref<56x128xf32, #tpu.memory_space<vmem>>) target(%dma_start3A_573 : memref<10008x128xf32, #tpu.memory_space<vmem_shared>>) offsets(%dma_start3A_570 : memref<56xi32, #tpu.memory_space<vmem>>) semaphore(%dma_start3A_575 : memref<!tpu.dma_semaphore, #tpu.memory_space<semaphore_mem>>) {add = true}
    }
    %scan3A_292 = arith.constant 176 : i32
    %rem3A_293 = arith.constant 174 : i32
    %rem3A_294 = arith.constant 8 : i32
    %rem3A_295 = arith.remsi %rem3A_293, %rem3A_294 : i32
    %dma_wait3A_296 = arith.constant 4 : i32
    %dma_wait3A_297 = arith.constant 4 : i32
    %dma_wait3A_298 = arith.constant 0 : i32
    %dma_wait3A_299 = arith.constant 0 : i32
    %dma_wait3A_300 = tpu.memref_slice %arg9[%dma_wait3A_296, %dma_wait3A_298, %dma_wait3A_299] : memref<5x56x128xf32, #tpu.memory_space<vmem>> -> memref<1x56x128xf32, #tpu.memory_space<vmem>>
    %dma_wait3A_301 = tpu.memref_squeeze %dma_wait3A_300 : memref<1x56x128xf32, #tpu.memory_space<vmem>> -> memref<56x128xf32, #tpu.memory_space<vmem>>
    %dma_wait3A_302 = arith.constant 0 : i32
    %dma_wait3A_303 = tpu.memref_slice %arg8[%rem3A_295, %dma_wait3A_302] : memref<8x56xi32, #tpu.memory_space<vmem>> -> memref<1x56xi32, #tpu.memory_space<vmem>>
    %dma_wait3A_304 = tpu.memref_squeeze %dma_wait3A_303 : memref<1x56xi32, #tpu.memory_space<vmem>> -> memref<56xi32, #tpu.memory_space<vmem>>
    %dma_wait3A_305 = arith.constant 0 : i32
    %dma_wait3A_306 = arith.constant 0 : i32
    %dma_wait3A_307 = tpu.memref_slice %arg10[%dma_wait3A_305, %dma_wait3A_306] : memref<10008x128xf32, #tpu.memory_space<vmem_shared>> -> memref<10008x128xf32, #tpu.memory_space<vmem_shared>>
    %dma_wait3A_308 = tpu.memref_slice %arg13[%dma_wait3A_297] : memref<5x!tpu.dma_semaphore, #tpu.memory_space<semaphore_mem>> -> memref<1x!tpu.dma_semaphore, #tpu.memory_space<semaphore_mem>>
    %dma_wait3A_309 = tpu.memref_squeeze %dma_wait3A_308 : memref<1x!tpu.dma_semaphore, #tpu.memory_space<semaphore_mem>> -> memref<!tpu.dma_semaphore, #tpu.memory_space<semaphore_mem>>
    tpu.wait_indirect_dma semaphore(%dma_wait3A_309 : memref<!tpu.dma_semaphore, #tpu.memory_space<semaphore_mem>>) src(%dma_wait3A_301 : memref<56x128xf32, #tpu.memory_space<vmem>>) dst(%dma_wait3A_307 : memref<10008x128xf32, #tpu.memory_space<vmem_shared>>)
    %rem3A_310 = arith.constant 176 : i32
    %rem3A_311 = arith.constant 8 : i32
    %rem3A_312 = arith.remsi %rem3A_310, %rem3A_311 : i32
    %dma_wait3A_313 = arith.constant 1 : i32
    %dma_wait3A_314 = arith.constant 1 : i32
    %dma_wait3A_315 = arith.constant 0 : i32
    %dma_wait3A_316 = arith.constant 0 : i32
    %dma_wait3A_317 = tpu.memref_slice %arg9[%dma_wait3A_313, %dma_wait3A_315, %dma_wait3A_316] : memref<5x56x128xf32, #tpu.memory_space<vmem>> -> memref<1x56x128xf32, #tpu.memory_space<vmem>>
    %dma_wait3A_318 = tpu.memref_squeeze %dma_wait3A_317 : memref<1x56x128xf32, #tpu.memory_space<vmem>> -> memref<56x128xf32, #tpu.memory_space<vmem>>
    %dma_wait3A_319 = arith.constant 0 : i32
    %dma_wait3A_320 = tpu.memref_slice %arg7[%rem3A_312, %dma_wait3A_319] : memref<8x56xi32, #tpu.memory_space<vmem>> -> memref<1x56xi32, #tpu.memory_space<vmem>>
    %dma_wait3A_321 = tpu.memref_squeeze %dma_wait3A_320 : memref<1x56xi32, #tpu.memory_space<vmem>> -> memref<56xi32, #tpu.memory_space<vmem>>
    %dma_wait3A_322 = arith.constant 0 : i32
    %dma_wait3A_323 = arith.constant 0 : i32
    %dma_wait3A_324 = tpu.memref_slice %arg2[%dma_wait3A_322, %dma_wait3A_323] : memref<10000x128xf32, #tpu.memory_space<hbm>> -> memref<10000x128xf32, #tpu.memory_space<hbm>>
    %dma_wait3A_325 = tpu.memref_slice %arg12[%dma_wait3A_314] : memref<5x!tpu.dma_semaphore, #tpu.memory_space<semaphore_mem>> -> memref<1x!tpu.dma_semaphore, #tpu.memory_space<semaphore_mem>>
    %dma_wait3A_326 = tpu.memref_squeeze %dma_wait3A_325 : memref<1x!tpu.dma_semaphore, #tpu.memory_space<semaphore_mem>> -> memref<!tpu.dma_semaphore, #tpu.memory_space<semaphore_mem>>
    tpu.wait_indirect_dma semaphore(%dma_wait3A_326 : memref<!tpu.dma_semaphore, #tpu.memory_space<semaphore_mem>>) src(%dma_wait3A_324 : memref<10000x128xf32, #tpu.memory_space<hbm>>) dst(%dma_wait3A_318 : memref<56x128xf32, #tpu.memory_space<vmem>>)
    %rem3A_327 = arith.constant 176 : i32
    %rem3A_328 = arith.constant 8 : i32
    %rem3A_329 = arith.remsi %rem3A_327, %rem3A_328 : i32
    %dma_start3A_330 = arith.constant 1 : i32
    %dma_start3A_331 = arith.constant 1 : i32
    %dma_start3A_332 = arith.constant 0 : i32
    %dma_start3A_333 = arith.constant 0 : i32
    %dma_start3A_334 = tpu.memref_slice %arg9[%dma_start3A_330, %dma_start3A_332, %dma_start3A_333] : memref<5x56x128xf32, #tpu.memory_space<vmem>> -> memref<1x56x128xf32, #tpu.memory_space<vmem>>
    %dma_start3A_335 = tpu.memref_squeeze %dma_start3A_334 : memref<1x56x128xf32, #tpu.memory_space<vmem>> -> memref<56x128xf32, #tpu.memory_space<vmem>>
    %dma_start3A_336 = arith.constant 0 : i32
    %dma_start3A_337 = tpu.memref_slice %arg8[%rem3A_329, %dma_start3A_336] : memref<8x56xi32, #tpu.memory_space<vmem>> -> memref<1x56xi32, #tpu.memory_space<vmem>>
    %dma_start3A_338 = tpu.memref_squeeze %dma_start3A_337 : memref<1x56xi32, #tpu.memory_space<vmem>> -> memref<56xi32, #tpu.memory_space<vmem>>
    %dma_start3A_339 = arith.constant 0 : i32
    %dma_start3A_340 = arith.constant 0 : i32
    %dma_start3A_341 = tpu.memref_slice %arg10[%dma_start3A_339, %dma_start3A_340] : memref<10008x128xf32, #tpu.memory_space<vmem_shared>> -> memref<10008x128xf32, #tpu.memory_space<vmem_shared>>
    %dma_start3A_342 = tpu.memref_slice %arg13[%dma_start3A_331] : memref<5x!tpu.dma_semaphore, #tpu.memory_space<semaphore_mem>> -> memref<1x!tpu.dma_semaphore, #tpu.memory_space<semaphore_mem>>
    %dma_start3A_343 = tpu.memref_squeeze %dma_start3A_342 : memref<1x!tpu.dma_semaphore, #tpu.memory_space<semaphore_mem>> -> memref<!tpu.dma_semaphore, #tpu.memory_space<semaphore_mem>>
    tpu.enqueue_indirect_dma source(%dma_start3A_335 : memref<56x128xf32, #tpu.memory_space<vmem>>) target(%dma_start3A_341 : memref<10008x128xf32, #tpu.memory_space<vmem_shared>>) offsets(%dma_start3A_338 : memref<56xi32, #tpu.memory_space<vmem>>) semaphore(%dma_start3A_343 : memref<!tpu.dma_semaphore, #tpu.memory_space<semaphore_mem>>) {add = true}
    %rem3A_344 = arith.constant 175 : i32
    %rem3A_345 = arith.constant 8 : i32
    %rem3A_346 = arith.remsi %rem3A_344, %rem3A_345 : i32
    %dma_wait3A_347 = arith.constant 0 : i32
    %dma_wait3A_348 = arith.constant 0 : i32
    %dma_wait3A_349 = arith.constant 0 : i32
    %dma_wait3A_350 = arith.constant 0 : i32
    %dma_wait3A_351 = tpu.memref_slice %arg9[%dma_wait3A_347, %dma_wait3A_349, %dma_wait3A_350] : memref<5x56x128xf32, #tpu.memory_space<vmem>> -> memref<1x56x128xf32, #tpu.memory_space<vmem>>
    %dma_wait3A_352 = tpu.memref_squeeze %dma_wait3A_351 : memref<1x56x128xf32, #tpu.memory_space<vmem>> -> memref<56x128xf32, #tpu.memory_space<vmem>>
    %dma_wait3A_353 = arith.constant 0 : i32
    %dma_wait3A_354 = tpu.memref_slice %arg8[%rem3A_346, %dma_wait3A_353] : memref<8x56xi32, #tpu.memory_space<vmem>> -> memref<1x56xi32, #tpu.memory_space<vmem>>
    %dma_wait3A_355 = tpu.memref_squeeze %dma_wait3A_354 : memref<1x56xi32, #tpu.memory_space<vmem>> -> memref<56xi32, #tpu.memory_space<vmem>>
    %dma_wait3A_356 = arith.constant 0 : i32
    %dma_wait3A_357 = arith.constant 0 : i32
    %dma_wait3A_358 = tpu.memref_slice %arg10[%dma_wait3A_356, %dma_wait3A_357] : memref<10008x128xf32, #tpu.memory_space<vmem_shared>> -> memref<10008x128xf32, #tpu.memory_space<vmem_shared>>
    %dma_wait3A_359 = tpu.memref_slice %arg13[%dma_wait3A_348] : memref<5x!tpu.dma_semaphore, #tpu.memory_space<semaphore_mem>> -> memref<1x!tpu.dma_semaphore, #tpu.memory_space<semaphore_mem>>
    %dma_wait3A_360 = tpu.memref_squeeze %dma_wait3A_359 : memref<1x!tpu.dma_semaphore, #tpu.memory_space<semaphore_mem>> -> memref<!tpu.dma_semaphore, #tpu.memory_space<semaphore_mem>>
    tpu.wait_indirect_dma semaphore(%dma_wait3A_360 : memref<!tpu.dma_semaphore, #tpu.memory_space<semaphore_mem>>) src(%dma_wait3A_352 : memref<56x128xf32, #tpu.memory_space<vmem>>) dst(%dma_wait3A_358 : memref<10008x128xf32, #tpu.memory_space<vmem_shared>>)
    %rem3A_361 = arith.constant 177 : i32
    %rem3A_362 = arith.constant 8 : i32
    %rem3A_363 = arith.remsi %rem3A_361, %rem3A_362 : i32
    %dma_wait3A_364 = arith.constant 2 : i32
    %dma_wait3A_365 = arith.constant 2 : i32
    %dma_wait3A_366 = arith.constant 0 : i32
    %dma_wait3A_367 = arith.constant 0 : i32
    %dma_wait3A_368 = tpu.memref_slice %arg9[%dma_wait3A_364, %dma_wait3A_366, %dma_wait3A_367] : memref<5x56x128xf32, #tpu.memory_space<vmem>> -> memref<1x56x128xf32, #tpu.memory_space<vmem>>
    %dma_wait3A_369 = tpu.memref_squeeze %dma_wait3A_368 : memref<1x56x128xf32, #tpu.memory_space<vmem>> -> memref<56x128xf32, #tpu.memory_space<vmem>>
    %dma_wait3A_370 = arith.constant 0 : i32
    %dma_wait3A_371 = tpu.memref_slice %arg7[%rem3A_363, %dma_wait3A_370] : memref<8x56xi32, #tpu.memory_space<vmem>> -> memref<1x56xi32, #tpu.memory_space<vmem>>
    %dma_wait3A_372 = tpu.memref_squeeze %dma_wait3A_371 : memref<1x56xi32, #tpu.memory_space<vmem>> -> memref<56xi32, #tpu.memory_space<vmem>>
    %dma_wait3A_373 = arith.constant 0 : i32
    %dma_wait3A_374 = arith.constant 0 : i32
    %dma_wait3A_375 = tpu.memref_slice %arg2[%dma_wait3A_373, %dma_wait3A_374] : memref<10000x128xf32, #tpu.memory_space<hbm>> -> memref<10000x128xf32, #tpu.memory_space<hbm>>
    %dma_wait3A_376 = tpu.memref_slice %arg12[%dma_wait3A_365] : memref<5x!tpu.dma_semaphore, #tpu.memory_space<semaphore_mem>> -> memref<1x!tpu.dma_semaphore, #tpu.memory_space<semaphore_mem>>
    %dma_wait3A_377 = tpu.memref_squeeze %dma_wait3A_376 : memref<1x!tpu.dma_semaphore, #tpu.memory_space<semaphore_mem>> -> memref<!tpu.dma_semaphore, #tpu.memory_space<semaphore_mem>>
    tpu.wait_indirect_dma semaphore(%dma_wait3A_377 : memref<!tpu.dma_semaphore, #tpu.memory_space<semaphore_mem>>) src(%dma_wait3A_375 : memref<10000x128xf32, #tpu.memory_space<hbm>>) dst(%dma_wait3A_369 : memref<56x128xf32, #tpu.memory_space<vmem>>)
    %rem3A_378 = arith.constant 177 : i32
    %rem3A_379 = arith.constant 8 : i32
    %rem3A_380 = arith.remsi %rem3A_378, %rem3A_379 : i32
    %dma_start3A_381 = arith.constant 2 : i32
    %dma_start3A_382 = arith.constant 2 : i32
    %dma_start3A_383 = arith.constant 0 : i32
    %dma_start3A_384 = arith.constant 0 : i32
    %dma_start3A_385 = tpu.memref_slice %arg9[%dma_start3A_381, %dma_start3A_383, %dma_start3A_384] : memref<5x56x128xf32, #tpu.memory_space<vmem>> -> memref<1x56x128xf32, #tpu.memory_space<vmem>>
    %dma_start3A_386 = tpu.memref_squeeze %dma_start3A_385 : memref<1x56x128xf32, #tpu.memory_space<vmem>> -> memref<56x128xf32, #tpu.memory_space<vmem>>
    %dma_start3A_387 = arith.constant 0 : i32
    %dma_start3A_388 = tpu.memref_slice %arg8[%rem3A_380, %dma_start3A_387] : memref<8x56xi32, #tpu.memory_space<vmem>> -> memref<1x56xi32, #tpu.memory_space<vmem>>
    %dma_start3A_389 = tpu.memref_squeeze %dma_start3A_388 : memref<1x56xi32, #tpu.memory_space<vmem>> -> memref<56xi32, #tpu.memory_space<vmem>>
    %dma_start3A_390 = arith.constant 0 : i32
    %dma_start3A_391 = arith.constant 0 : i32
    %dma_start3A_392 = tpu.memref_slice %arg10[%dma_start3A_390, %dma_start3A_391] : memref<10008x128xf32, #tpu.memory_space<vmem_shared>> -> memref<10008x128xf32, #tpu.memory_space<vmem_shared>>
    %dma_start3A_393 = tpu.memref_slice %arg13[%dma_start3A_382] : memref<5x!tpu.dma_semaphore, #tpu.memory_space<semaphore_mem>> -> memref<1x!tpu.dma_semaphore, #tpu.memory_space<semaphore_mem>>
    %dma_start3A_394 = tpu.memref_squeeze %dma_start3A_393 : memref<1x!tpu.dma_semaphore, #tpu.memory_space<semaphore_mem>> -> memref<!tpu.dma_semaphore, #tpu.memory_space<semaphore_mem>>
    tpu.enqueue_indirect_dma source(%dma_start3A_386 : memref<56x128xf32, #tpu.memory_space<vmem>>) target(%dma_start3A_392 : memref<10008x128xf32, #tpu.memory_space<vmem_shared>>) offsets(%dma_start3A_389 : memref<56xi32, #tpu.memory_space<vmem>>) semaphore(%dma_start3A_394 : memref<!tpu.dma_semaphore, #tpu.memory_space<semaphore_mem>>) {add = true}
    %rem3A_395 = arith.constant 176 : i32
    %rem3A_396 = arith.constant 8 : i32
    %rem3A_397 = arith.remsi %rem3A_395, %rem3A_396 : i32
    %dma_wait3A_398 = arith.constant 1 : i32
    %dma_wait3A_399 = arith.constant 1 : i32
    %dma_wait3A_400 = arith.constant 0 : i32
    %dma_wait3A_401 = arith.constant 0 : i32
    %dma_wait3A_402 = tpu.memref_slice %arg9[%dma_wait3A_398, %dma_wait3A_400, %dma_wait3A_401] : memref<5x56x128xf32, #tpu.memory_space<vmem>> -> memref<1x56x128xf32, #tpu.memory_space<vmem>>
    %dma_wait3A_403 = tpu.memref_squeeze %dma_wait3A_402 : memref<1x56x128xf32, #tpu.memory_space<vmem>> -> memref<56x128xf32, #tpu.memory_space<vmem>>
    %dma_wait3A_404 = arith.constant 0 : i32
    %dma_wait3A_405 = tpu.memref_slice %arg8[%rem3A_397, %dma_wait3A_404] : memref<8x56xi32, #tpu.memory_space<vmem>> -> memref<1x56xi32, #tpu.memory_space<vmem>>
    %dma_wait3A_406 = tpu.memref_squeeze %dma_wait3A_405 : memref<1x56xi32, #tpu.memory_space<vmem>> -> memref<56xi32, #tpu.memory_space<vmem>>
    %dma_wait3A_407 = arith.constant 0 : i32
    %dma_wait3A_408 = arith.constant 0 : i32
    %dma_wait3A_409 = tpu.memref_slice %arg10[%dma_wait3A_407, %dma_wait3A_408] : memref<10008x128xf32, #tpu.memory_space<vmem_shared>> -> memref<10008x128xf32, #tpu.memory_space<vmem_shared>>
    %dma_wait3A_410 = tpu.memref_slice %arg13[%dma_wait3A_399] : memref<5x!tpu.dma_semaphore, #tpu.memory_space<semaphore_mem>> -> memref<1x!tpu.dma_semaphore, #tpu.memory_space<semaphore_mem>>
    %dma_wait3A_411 = tpu.memref_squeeze %dma_wait3A_410 : memref<1x!tpu.dma_semaphore, #tpu.memory_space<semaphore_mem>> -> memref<!tpu.dma_semaphore, #tpu.memory_space<semaphore_mem>>
    tpu.wait_indirect_dma semaphore(%dma_wait3A_411 : memref<!tpu.dma_semaphore, #tpu.memory_space<semaphore_mem>>) src(%dma_wait3A_403 : memref<56x128xf32, #tpu.memory_space<vmem>>) dst(%dma_wait3A_409 : memref<10008x128xf32, #tpu.memory_space<vmem_shared>>)
    %rem3A_412 = arith.constant 178 : i32
    %rem3A_413 = arith.constant 8 : i32
    %rem3A_414 = arith.remsi %rem3A_412, %rem3A_413 : i32
    %dma_wait3A_415 = arith.constant 3 : i32
    %dma_wait3A_416 = arith.constant 3 : i32
    %dma_wait3A_417 = arith.constant 0 : i32
    %dma_wait3A_418 = arith.constant 0 : i32
    %dma_wait3A_419 = tpu.memref_slice %arg9[%dma_wait3A_415, %dma_wait3A_417, %dma_wait3A_418] : memref<5x56x128xf32, #tpu.memory_space<vmem>> -> memref<1x56x128xf32, #tpu.memory_space<vmem>>
    %dma_wait3A_420 = tpu.memref_squeeze %dma_wait3A_419 : memref<1x56x128xf32, #tpu.memory_space<vmem>> -> memref<56x128xf32, #tpu.memory_space<vmem>>
    %dma_wait3A_421 = arith.constant 0 : i32
    %dma_wait3A_422 = tpu.memref_slice %arg7[%rem3A_414, %dma_wait3A_421] : memref<8x56xi32, #tpu.memory_space<vmem>> -> memref<1x56xi32, #tpu.memory_space<vmem>>
    %dma_wait3A_423 = tpu.memref_squeeze %dma_wait3A_422 : memref<1x56xi32, #tpu.memory_space<vmem>> -> memref<56xi32, #tpu.memory_space<vmem>>
    %dma_wait3A_424 = arith.constant 0 : i32
    %dma_wait3A_425 = arith.constant 0 : i32
    %dma_wait3A_426 = tpu.memref_slice %arg2[%dma_wait3A_424, %dma_wait3A_425] : memref<10000x128xf32, #tpu.memory_space<hbm>> -> memref<10000x128xf32, #tpu.memory_space<hbm>>
    %dma_wait3A_427 = tpu.memref_slice %arg12[%dma_wait3A_416] : memref<5x!tpu.dma_semaphore, #tpu.memory_space<semaphore_mem>> -> memref<1x!tpu.dma_semaphore, #tpu.memory_space<semaphore_mem>>
    %dma_wait3A_428 = tpu.memref_squeeze %dma_wait3A_427 : memref<1x!tpu.dma_semaphore, #tpu.memory_space<semaphore_mem>> -> memref<!tpu.dma_semaphore, #tpu.memory_space<semaphore_mem>>
    tpu.wait_indirect_dma semaphore(%dma_wait3A_428 : memref<!tpu.dma_semaphore, #tpu.memory_space<semaphore_mem>>) src(%dma_wait3A_426 : memref<10000x128xf32, #tpu.memory_space<hbm>>) dst(%dma_wait3A_420 : memref<56x128xf32, #tpu.memory_space<vmem>>)
    %rem3A_429 = arith.constant 178 : i32
    %rem3A_430 = arith.constant 8 : i32
    %rem3A_431 = arith.remsi %rem3A_429, %rem3A_430 : i32
    %dma_start3A_432 = arith.constant 3 : i32
    %dma_start3A_433 = arith.constant 3 : i32
    %dma_start3A_434 = arith.constant 0 : i32
    %dma_start3A_435 = arith.constant 0 : i32
    %dma_start3A_436 = tpu.memref_slice %arg9[%dma_start3A_432, %dma_start3A_434, %dma_start3A_435] : memref<5x56x128xf32, #tpu.memory_space<vmem>> -> memref<1x56x128xf32, #tpu.memory_space<vmem>>
    %dma_start3A_437 = tpu.memref_squeeze %dma_start3A_436 : memref<1x56x128xf32, #tpu.memory_space<vmem>> -> memref<56x128xf32, #tpu.memory_space<vmem>>
    %dma_start3A_438 = arith.constant 0 : i32
    %dma_start3A_439 = tpu.memref_slice %arg8[%rem3A_431, %dma_start3A_438] : memref<8x56xi32, #tpu.memory_space<vmem>> -> memref<1x56xi32, #tpu.memory_space<vmem>>
    %dma_start3A_440 = tpu.memref_squeeze %dma_start3A_439 : memref<1x56xi32, #tpu.memory_space<vmem>> -> memref<56xi32, #tpu.memory_space<vmem>>
    %dma_start3A_441 = arith.constant 0 : i32
    %dma_start3A_442 = arith.constant 0 : i32
    %dma_start3A_443 = tpu.memref_slice %arg10[%dma_start3A_441, %dma_start3A_442] : memref<10008x128xf32, #tpu.memory_space<vmem_shared>> -> memref<10008x128xf32, #tpu.memory_space<vmem_shared>>
    %dma_start3A_444 = tpu.memref_slice %arg13[%dma_start3A_433] : memref<5x!tpu.dma_semaphore, #tpu.memory_space<semaphore_mem>> -> memref<1x!tpu.dma_semaphore, #tpu.memory_space<semaphore_mem>>
    %dma_start3A_445 = tpu.memref_squeeze %dma_start3A_444 : memref<1x!tpu.dma_semaphore, #tpu.memory_space<semaphore_mem>> -> memref<!tpu.dma_semaphore, #tpu.memory_space<semaphore_mem>>
    tpu.enqueue_indirect_dma source(%dma_start3A_437 : memref<56x128xf32, #tpu.memory_space<vmem>>) target(%dma_start3A_443 : memref<10008x128xf32, #tpu.memory_space<vmem_shared>>) offsets(%dma_start3A_440 : memref<56xi32, #tpu.memory_space<vmem>>) semaphore(%dma_start3A_445 : memref<!tpu.dma_semaphore, #tpu.memory_space<semaphore_mem>>) {add = true}
    %rem3A_446 = arith.constant 177 : i32
    %rem3A_447 = arith.constant 8 : i32
    %rem3A_448 = arith.remsi %rem3A_446, %rem3A_447 : i32
    %dma_wait3A_449 = arith.constant 2 : i32
    %dma_wait3A_450 = arith.constant 2 : i32
    %dma_wait3A_451 = arith.constant 0 : i32
    %dma_wait3A_452 = arith.constant 0 : i32
    %dma_wait3A_453 = tpu.memref_slice %arg9[%dma_wait3A_449, %dma_wait3A_451, %dma_wait3A_452] : memref<5x56x128xf32, #tpu.memory_space<vmem>> -> memref<1x56x128xf32, #tpu.memory_space<vmem>>
    %dma_wait3A_454 = tpu.memref_squeeze %dma_wait3A_453 : memref<1x56x128xf32, #tpu.memory_space<vmem>> -> memref<56x128xf32, #tpu.memory_space<vmem>>
    %dma_wait3A_455 = arith.constant 0 : i32
    %dma_wait3A_456 = tpu.memref_slice %arg8[%rem3A_448, %dma_wait3A_455] : memref<8x56xi32, #tpu.memory_space<vmem>> -> memref<1x56xi32, #tpu.memory_space<vmem>>
    %dma_wait3A_457 = tpu.memref_squeeze %dma_wait3A_456 : memref<1x56xi32, #tpu.memory_space<vmem>> -> memref<56xi32, #tpu.memory_space<vmem>>
    %dma_wait3A_458 = arith.constant 0 : i32
    %dma_wait3A_459 = arith.constant 0 : i32
    %dma_wait3A_460 = tpu.memref_slice %arg10[%dma_wait3A_458, %dma_wait3A_459] : memref<10008x128xf32, #tpu.memory_space<vmem_shared>> -> memref<10008x128xf32, #tpu.memory_space<vmem_shared>>
    %dma_wait3A_461 = tpu.memref_slice %arg13[%dma_wait3A_450] : memref<5x!tpu.dma_semaphore, #tpu.memory_space<semaphore_mem>> -> memref<1x!tpu.dma_semaphore, #tpu.memory_space<semaphore_mem>>
    %dma_wait3A_462 = tpu.memref_squeeze %dma_wait3A_461 : memref<1x!tpu.dma_semaphore, #tpu.memory_space<semaphore_mem>> -> memref<!tpu.dma_semaphore, #tpu.memory_space<semaphore_mem>>
    tpu.wait_indirect_dma semaphore(%dma_wait3A_462 : memref<!tpu.dma_semaphore, #tpu.memory_space<semaphore_mem>>) src(%dma_wait3A_454 : memref<56x128xf32, #tpu.memory_space<vmem>>) dst(%dma_wait3A_460 : memref<10008x128xf32, #tpu.memory_space<vmem_shared>>)
    %rem3A_463 = arith.constant 178 : i32
    %rem3A_464 = arith.constant 8 : i32
    %rem3A_465 = arith.remsi %rem3A_463, %rem3A_464 : i32
    %dma_wait3A_466 = arith.constant 3 : i32
    %dma_wait3A_467 = arith.constant 3 : i32
    %dma_wait3A_468 = arith.constant 0 : i32
    %dma_wait3A_469 = arith.constant 0 : i32
    %dma_wait3A_470 = tpu.memref_slice %arg9[%dma_wait3A_466, %dma_wait3A_468, %dma_wait3A_469] : memref<5x56x128xf32, #tpu.memory_space<vmem>> -> memref<1x56x128xf32, #tpu.memory_space<vmem>>
    %dma_wait3A_471 = tpu.memref_squeeze %dma_wait3A_470 : memref<1x56x128xf32, #tpu.memory_space<vmem>> -> memref<56x128xf32, #tpu.memory_space<vmem>>
    %dma_wait3A_472 = arith.constant 0 : i32
    %dma_wait3A_473 = tpu.memref_slice %arg8[%rem3A_465, %dma_wait3A_472] : memref<8x56xi32, #tpu.memory_space<vmem>> -> memref<1x56xi32, #tpu.memory_space<vmem>>
    %dma_wait3A_474 = tpu.memref_squeeze %dma_wait3A_473 : memref<1x56xi32, #tpu.memory_space<vmem>> -> memref<56xi32, #tpu.memory_space<vmem>>
    %dma_wait3A_475 = arith.constant 0 : i32
    %dma_wait3A_476 = arith.constant 0 : i32
    %dma_wait3A_477 = tpu.memref_slice %arg10[%dma_wait3A_475, %dma_wait3A_476] : memref<10008x128xf32, #tpu.memory_space<vmem_shared>> -> memref<10008x128xf32, #tpu.memory_space<vmem_shared>>
    %dma_wait3A_478 = tpu.memref_slice %arg13[%dma_wait3A_467] : memref<5x!tpu.dma_semaphore, #tpu.memory_space<semaphore_mem>> -> memref<1x!tpu.dma_semaphore, #tpu.memory_space<semaphore_mem>>
    %dma_wait3A_479 = tpu.memref_squeeze %dma_wait3A_478 : memref<1x!tpu.dma_semaphore, #tpu.memory_space<semaphore_mem>> -> memref<!tpu.dma_semaphore, #tpu.memory_space<semaphore_mem>>
    tpu.wait_indirect_dma semaphore(%dma_wait3A_479 : memref<!tpu.dma_semaphore, #tpu.memory_space<semaphore_mem>>) src(%dma_wait3A_471 : memref<56x128xf32, #tpu.memory_space<vmem>>) dst(%dma_wait3A_477 : memref<10008x128xf32, #tpu.memory_space<vmem_shared>>)
    %barrier3A_480 = arith.constant 0 : index
    tpu.barrier barrier_id(%barrier3A_480)
    "tpu.region"() ({
      %run_scoped3A = tpu.sem_alloc : memref<!tpu.dma_semaphore, #tpu.memory_space<semaphore_mem>>
      %dma_start3A_486 = arith.constant 0 : i32
      %dma_start3A_487 = tpu.memref_slice %arg6[%arg0, %mul3A_2, %dma_start3A_486] : memref<2x10000x128xf32, #tpu.memory_space<hbm>> -> memref<1x624x128xf32, #tpu.memory_space<hbm>>
      %dma_start3A_488 = tpu.memref_squeeze %dma_start3A_487 : memref<1x624x128xf32, #tpu.memory_space<hbm>> -> memref<624x128xf32, #tpu.memory_space<hbm>>
      %dma_start3A_489 = arith.constant 0 : i32
      %dma_start3A_490 = tpu.memref_slice %arg10[%mul3A_2, %dma_start3A_489] : memref<10008x128xf32, #tpu.memory_space<vmem_shared>> -> memref<624x128xf32, #tpu.memory_space<vmem_shared>>
      tpu.enqueue_dma source(%dma_start3A_490 : memref<624x128xf32, #tpu.memory_space<vmem_shared>>) target(%dma_start3A_488 : memref<624x128xf32, #tpu.memory_space<hbm>>) target_semaphore(%run_scoped3A : memref<!tpu.dma_semaphore, #tpu.memory_space<semaphore_mem>>)
      %dma_wait3A_491 = arith.constant 0 : i32
      %dma_wait3A_492 = tpu.memref_slice %arg6[%arg0, %mul3A_2, %dma_wait3A_491] : memref<2x10000x128xf32, #tpu.memory_space<hbm>> -> memref<1x624x128xf32, #tpu.memory_space<hbm>>
      %dma_wait3A_493 = tpu.memref_squeeze %dma_wait3A_492 : memref<1x624x128xf32, #tpu.memory_space<hbm>> -> memref<624x128xf32, #tpu.memory_space<hbm>>
      %dma_wait3A_494 = arith.constant 0 : i32
      %dma_wait3A_495 = tpu.memref_slice %arg10[%mul3A_2, %dma_wait3A_494] : memref<10008x128xf32, #tpu.memory_space<vmem_shared>> -> memref<624x128xf32, #tpu.memory_space<vmem_shared>>
      tpu.wait_dma2 semaphore(%run_scoped3A : memref<!tpu.dma_semaphore, #tpu.memory_space<semaphore_mem>>) src(%dma_wait3A_495 : memref<624x128xf32, #tpu.memory_space<vmem_shared>>) dst(%dma_wait3A_493 : memref<624x128xf32, #tpu.memory_space<hbm>>)
      tpu.yield
    }) : () -> ()
    %eq3A_481 = arith.constant 15 : i32
    %eq3A_482 = arith.cmpi eq, %arg1, %eq3A_481 : i32
    %convert_element_type3A_483 = arith.extui %eq3A_482 : i1 to i32
    %cond3A_484 = arith.constant 0 : i32
    %cond3A_485 = arith.cmpi ne, %convert_element_type3A_483, %cond3A_484 : i32
    scf.if %cond3A_485 {
      "tpu.region"() ({
        %run_scoped3A = tpu.sem_alloc : memref<!tpu.dma_semaphore, #tpu.memory_space<semaphore_mem>>
        %dma_start3A_486 = arith.constant 9984 : i32
        %dma_start3A_487 = arith.constant 0 : i32
        %dma_start3A_488 = tpu.memref_slice %arg6[%arg0, %dma_start3A_486, %dma_start3A_487] : memref<2x10000x128xf32, #tpu.memory_space<hbm>> -> memref<1x16x128xf32, #tpu.memory_space<hbm>>
        %dma_start3A_489 = tpu.memref_squeeze %dma_start3A_488 : memref<1x16x128xf32, #tpu.memory_space<hbm>> -> memref<16x128xf32, #tpu.memory_space<hbm>>
        %dma_start3A_490 = arith.constant 9984 : i32
        %dma_start3A_491 = arith.constant 0 : i32
        %dma_start3A_492 = tpu.memref_slice %arg10[%dma_start3A_490, %dma_start3A_491] : memref<10008x128xf32, #tpu.memory_space<vmem_shared>> -> memref<16x128xf32, #tpu.memory_space<vmem_shared>>
        tpu.enqueue_dma source(%dma_start3A_492 : memref<16x128xf32, #tpu.memory_space<vmem_shared>>) target(%dma_start3A_489 : memref<16x128xf32, #tpu.memory_space<hbm>>) target_semaphore(%run_scoped3A : memref<!tpu.dma_semaphore, #tpu.memory_space<semaphore_mem>>)
        %dma_wait3A_493 = arith.constant 9984 : i32
        %dma_wait3A_494 = arith.constant 0 : i32
        %dma_wait3A_495 = tpu.memref_slice %arg6[%arg0, %dma_wait3A_493, %dma_wait3A_494] : memref<2x10000x128xf32, #tpu.memory_space<hbm>> -> memref<1x16x128xf32, #tpu.memory_space<hbm>>
        %dma_wait3A_496 = tpu.memref_squeeze %dma_wait3A_495 : memref<1x16x128xf32, #tpu.memory_space<hbm>> -> memref<16x128xf32, #tpu.memory_space<hbm>>
        %dma_wait3A_497 = arith.constant 9984 : i32
        %dma_wait3A_498 = arith.constant 0 : i32
        %dma_wait3A_499 = tpu.memref_slice %arg10[%dma_wait3A_497, %dma_wait3A_498] : memref<10008x128xf32, #tpu.memory_space<vmem_shared>> -> memref<16x128xf32, #tpu.memory_space<vmem_shared>>
        tpu.wait_dma2 semaphore(%run_scoped3A : memref<!tpu.dma_semaphore, #tpu.memory_space<semaphore_mem>>) src(%dma_wait3A_499 : memref<16x128xf32, #tpu.memory_space<vmem_shared>>) dst(%dma_wait3A_496 : memref<16x128xf32, #tpu.memory_space<hbm>>)
        tpu.yield
      }) : () -> ()
    } else {
    }
    return
  }
}

#map = affine_map<(d0, d1) -> (0, 0)>
#map1 = affine_map<(d0, d1) -> (0)>
#map2 = affine_map<(d0, d1) -> (0, 0, 0)>
module attributes {stable_mosaic.version = 14 : i64} {
  func.func @_sc_layer(%arg0: i32, %arg1: i32, %arg2: memref<10000x128xf32, #tpu.memory_space<hbm>>, %arg3: memref<320768xi32, #tpu.memory_space<hbm>>, %arg4: memref<320768xi32, #tpu.memory_space<hbm>>, %arg5: memref<10000x128xf32, #tpu.memory_space<hbm>>, %arg6: memref<2x10000x128xf32, #tpu.memory_space<hbm>>, %arg7: memref<8x56xi32, #tpu.memory_space<vmem>>, %arg8: memref<8x56xi32, #tpu.memory_space<vmem>>, %arg9: memref<5x56x128xf32, #tpu.memory_space<vmem>>, %arg10: memref<10008x128xf32, #tpu.memory_space<vmem_shared>>, %arg11: memref<8x!tpu.dma_semaphore, #tpu.memory_space<semaphore_mem>>, %arg12: memref<5x!tpu.dma_semaphore, #tpu.memory_space<semaphore_mem>>, %arg13: memref<5x!tpu.dma_semaphore, #tpu.memory_space<semaphore_mem>>) attributes {dimension_semantics = [#tpu.dimension_semantics<core_parallel>, #tpu.dimension_semantics<subcore_parallel>], iteration_bounds = array<i64: 2, 16>, scalar_prefetch = 0 : i64, scratch_operands = 7 : i64, tpu.core_type = #tpu.core_type<sc_vector_subcore>, window_params = [{transform_indices = #map}, {transform_indices = #map1}, {transform_indices = #map1}, {transform_indices = #map}, {transform_indices = #map2}]} {
    %mul3A = arith.constant 2 : i32
    %mul3A_0 = arith.muli %arg1, %mul3A : i32
    %add3A = arith.addi %mul3A_0, %arg0 : i32
    %mul3A_1 = arith.constant 624 : i32
    %mul3A_2 = arith.muli %arg1, %mul3A_1 : i32
    "tpu.region"() ({
      %run_scoped3A = tpu.sem_alloc : memref<!tpu.dma_semaphore, #tpu.memory_space<semaphore_mem>>
      %dma_start3A_486 = arith.constant 0 : i32
      %dma_start3A_487 = tpu.memref_slice %arg10[%mul3A_2, %dma_start3A_486] : memref<10008x128xf32, #tpu.memory_space<vmem_shared>> -> memref<624x128xf32, #tpu.memory_space<vmem_shared>>
      %dma_start3A_488 = arith.constant 0 : i32
      %dma_start3A_489 = tpu.memref_slice %arg5[%mul3A_2, %dma_start3A_488] : memref<10000x128xf32, #tpu.memory_space<hbm>> -> memref<624x128xf32, #tpu.memory_space<hbm>>
      tpu.enqueue_dma source(%dma_start3A_489 : memref<624x128xf32, #tpu.memory_space<hbm>>) target(%dma_start3A_487 : memref<624x128xf32, #tpu.memory_space<vmem_shared>>) target_semaphore(%run_scoped3A : memref<!tpu.dma_semaphore, #tpu.memory_space<semaphore_mem>>)
      %dma_wait3A_490 = arith.constant 0 : i32
      %dma_wait3A_491 = tpu.memref_slice %arg10[%mul3A_2, %dma_wait3A_490] : memref<10008x128xf32, #tpu.memory_space<vmem_shared>> -> memref<624x128xf32, #tpu.memory_space<vmem_shared>>
      %dma_wait3A_492 = arith.constant 0 : i32
      %dma_wait3A_493 = tpu.memref_slice %arg5[%mul3A_2, %dma_wait3A_492] : memref<10000x128xf32, #tpu.memory_space<hbm>> -> memref<624x128xf32, #tpu.memory_space<hbm>>
      tpu.wait_dma2 semaphore(%run_scoped3A : memref<!tpu.dma_semaphore, #tpu.memory_space<semaphore_mem>>) src(%dma_wait3A_493 : memref<624x128xf32, #tpu.memory_space<hbm>>) dst(%dma_wait3A_491 : memref<624x128xf32, #tpu.memory_space<vmem_shared>>)
      tpu.yield
    }) : () -> ()
    %eq3A = arith.constant 15 : i32
    %eq3A_3 = arith.cmpi eq, %arg1, %eq3A : i32
    %convert_element_type3A = arith.extui %eq3A_3 : i1 to i32
    %cond3A = arith.constant 0 : i32
    %cond3A_4 = arith.cmpi ne, %convert_element_type3A, %cond3A : i32
    scf.if %cond3A_4 {
      "tpu.region"() ({
        %run_scoped3A = tpu.sem_alloc : memref<!tpu.dma_semaphore, #tpu.memory_space<semaphore_mem>>
        %dma_start3A_486 = arith.constant 9984 : i32
        %dma_start3A_487 = arith.constant 0 : i32
        %dma_start3A_488 = tpu.memref_slice %arg10[%dma_start3A_486, %dma_start3A_487] : memref<10008x128xf32, #tpu.memory_space<vmem_shared>> -> memref<16x128xf32, #tpu.memory_space<vmem_shared>>
        %dma_start3A_489 = arith.constant 9984 : i32
        %dma_start3A_490 = arith.constant 0 : i32
        %dma_start3A_491 = tpu.memref_slice %arg5[%dma_start3A_489, %dma_start3A_490] : memref<10000x128xf32, #tpu.memory_space<hbm>> -> memref<16x128xf32, #tpu.memory_space<hbm>>
        tpu.enqueue_dma source(%dma_start3A_491 : memref<16x128xf32, #tpu.memory_space<hbm>>) target(%dma_start3A_488 : memref<16x128xf32, #tpu.memory_space<vmem_shared>>) target_semaphore(%run_scoped3A : memref<!tpu.dma_semaphore, #tpu.memory_space<semaphore_mem>>)
        %dma_wait3A_492 = arith.constant 9984 : i32
        %dma_wait3A_493 = arith.constant 0 : i32
        %dma_wait3A_494 = tpu.memref_slice %arg10[%dma_wait3A_492, %dma_wait3A_493] : memref<10008x128xf32, #tpu.memory_space<vmem_shared>> -> memref<16x128xf32, #tpu.memory_space<vmem_shared>>
        %dma_wait3A_495 = arith.constant 9984 : i32
        %dma_wait3A_496 = arith.constant 0 : i32
        %dma_wait3A_497 = tpu.memref_slice %arg5[%dma_wait3A_495, %dma_wait3A_496] : memref<10000x128xf32, #tpu.memory_space<hbm>> -> memref<16x128xf32, #tpu.memory_space<hbm>>
        tpu.wait_dma2 semaphore(%run_scoped3A : memref<!tpu.dma_semaphore, #tpu.memory_space<semaphore_mem>>) src(%dma_wait3A_497 : memref<16x128xf32, #tpu.memory_space<hbm>>) dst(%dma_wait3A_494 : memref<16x128xf32, #tpu.memory_space<vmem_shared>>)
        tpu.yield
      }) : () -> ()
    } else {
    }
    %barrier3A = arith.constant 0 : index
    tpu.barrier barrier_id(%barrier3A)
    %mul3A_5 = arith.constant 10024 : i32
    %mul3A_6 = arith.muli %add3A, %mul3A_5 : i32
    %add3A_7 = arith.constant 0 : i32
    %add3A_8 = arith.addi %mul3A_6, %add3A_7 : i32
    %dma_start3A = arith.constant 0 : i32
    %dma_start3A_9 = arith.constant 0 : i32
    %dma_start3A_10 = arith.constant 0 : i32
    %dma_start3A_11 = tpu.memref_slice %arg7[%dma_start3A, %dma_start3A_10] : memref<8x56xi32, #tpu.memory_space<vmem>> -> memref<1x56xi32, #tpu.memory_space<vmem>>
    %dma_start3A_12 = tpu.memref_squeeze %dma_start3A_11 : memref<1x56xi32, #tpu.memory_space<vmem>> -> memref<56xi32, #tpu.memory_space<vmem>>
    %dma_start3A_13 = tpu.memref_slice %arg3[%add3A_8] : memref<320768xi32, #tpu.memory_space<hbm>> -> memref<56xi32, #tpu.memory_space<hbm>>
    %dma_start3A_14 = tpu.memref_slice %arg11[%dma_start3A_9] : memref<8x!tpu.dma_semaphore, #tpu.memory_space<semaphore_mem>> -> memref<1x!tpu.dma_semaphore, #tpu.memory_space<semaphore_mem>>
    %dma_start3A_15 = tpu.memref_squeeze %dma_start3A_14 : memref<1x!tpu.dma_semaphore, #tpu.memory_space<semaphore_mem>> -> memref<!tpu.dma_semaphore, #tpu.memory_space<semaphore_mem>>
    %dma_start3A_16 = arith.constant 0 : i32
    %dma_start3A_17 = tpu.memref_slice %arg7[%dma_start3A, %dma_start3A_16] : memref<8x56xi32, #tpu.memory_space<vmem>> -> memref<1x56xi32, #tpu.memory_space<vmem>>
    %dma_start3A_18 = tpu.memref_squeeze %dma_start3A_17 : memref<1x56xi32, #tpu.memory_space<vmem>> -> memref<56xi32, #tpu.memory_space<vmem>>
    %dma_start3A_19 = tpu.memref_slice %arg3[%add3A_8] : memref<320768xi32, #tpu.memory_space<hbm>> -> memref<56xi32, #tpu.memory_space<hbm>>
    tpu.enqueue_dma source(%dma_start3A_19 : memref<56xi32, #tpu.memory_space<hbm>>) target(%dma_start3A_18 : memref<56xi32, #tpu.memory_space<vmem>>) target_semaphore(%dma_start3A_15 : memref<!tpu.dma_semaphore, #tpu.memory_space<semaphore_mem>>)
    %dma_start3A_20 = arith.constant 0 : i32
    %dma_start3A_21 = arith.constant 0 : i32
    %dma_start3A_22 = arith.constant 0 : i32
    %dma_start3A_23 = tpu.memref_slice %arg8[%dma_start3A_20, %dma_start3A_22] : memref<8x56xi32, #tpu.memory_space<vmem>> -> memref<1x56xi32, #tpu.memory_space<vmem>>
    %dma_start3A_24 = tpu.memref_squeeze %dma_start3A_23 : memref<1x56xi32, #tpu.memory_space<vmem>> -> memref<56xi32, #tpu.memory_space<vmem>>
    %dma_start3A_25 = tpu.memref_slice %arg4[%add3A_8] : memref<320768xi32, #tpu.memory_space<hbm>> -> memref<56xi32, #tpu.memory_space<hbm>>
    %dma_start3A_26 = tpu.memref_slice %arg11[%dma_start3A_21] : memref<8x!tpu.dma_semaphore, #tpu.memory_space<semaphore_mem>> -> memref<1x!tpu.dma_semaphore, #tpu.memory_space<semaphore_mem>>
    %dma_start3A_27 = tpu.memref_squeeze %dma_start3A_26 : memref<1x!tpu.dma_semaphore, #tpu.memory_space<semaphore_mem>> -> memref<!tpu.dma_semaphore, #tpu.memory_space<semaphore_mem>>
    %dma_start3A_28 = arith.constant 0 : i32
    %dma_start3A_29 = tpu.memref_slice %arg8[%dma_start3A_20, %dma_start3A_28] : memref<8x56xi32, #tpu.memory_space<vmem>> -> memref<1x56xi32, #tpu.memory_space<vmem>>
    %dma_start3A_30 = tpu.memref_squeeze %dma_start3A_29 : memref<1x56xi32, #tpu.memory_space<vmem>> -> memref<56xi32, #tpu.memory_space<vmem>>
    %dma_start3A_31 = tpu.memref_slice %arg4[%add3A_8] : memref<320768xi32, #tpu.memory_space<hbm>> -> memref<56xi32, #tpu.memory_space<hbm>>
    tpu.enqueue_dma source(%dma_start3A_31 : memref<56xi32, #tpu.memory_space<hbm>>) target(%dma_start3A_30 : memref<56xi32, #tpu.memory_space<vmem>>) target_semaphore(%dma_start3A_27 : memref<!tpu.dma_semaphore, #tpu.memory_space<semaphore_mem>>)
    %add3A_32 = arith.constant 56 : i32
    %add3A_33 = arith.addi %mul3A_6, %add3A_32 : i32
    %dma_start3A_34 = arith.constant 1 : i32
    %dma_start3A_35 = arith.constant 1 : i32
    %dma_start3A_36 = arith.constant 0 : i32
    %dma_start3A_37 = tpu.memref_slice %arg7[%dma_start3A_34, %dma_start3A_36] : memref<8x56xi32, #tpu.memory_space<vmem>> -> memref<1x56xi32, #tpu.memory_space<vmem>>
    %dma_start3A_38 = tpu.memref_squeeze %dma_start3A_37 : memref<1x56xi32, #tpu.memory_space<vmem>> -> memref<56xi32, #tpu.memory_space<vmem>>
    %dma_start3A_39 = tpu.memref_slice %arg3[%add3A_33] : memref<320768xi32, #tpu.memory_space<hbm>> -> memref<56xi32, #tpu.memory_space<hbm>>
    %dma_start3A_40 = tpu.memref_slice %arg11[%dma_start3A_35] : memref<8x!tpu.dma_semaphore, #tpu.memory_space<semaphore_mem>> -> memref<1x!tpu.dma_semaphore, #tpu.memory_space<semaphore_mem>>
    %dma_start3A_41 = tpu.memref_squeeze %dma_start3A_40 : memref<1x!tpu.dma_semaphore, #tpu.memory_space<semaphore_mem>> -> memref<!tpu.dma_semaphore, #tpu.memory_space<semaphore_mem>>
    %dma_start3A_42 = arith.constant 0 : i32
    %dma_start3A_43 = tpu.memref_slice %arg7[%dma_start3A_34, %dma_start3A_42] : memref<8x56xi32, #tpu.memory_space<vmem>> -> memref<1x56xi32, #tpu.memory_space<vmem>>
    %dma_start3A_44 = tpu.memref_squeeze %dma_start3A_43 : memref<1x56xi32, #tpu.memory_space<vmem>> -> memref<56xi32, #tpu.memory_space<vmem>>
    %dma_start3A_45 = tpu.memref_slice %arg3[%add3A_33] : memref<320768xi32, #tpu.memory_space<hbm>> -> memref<56xi32, #tpu.memory_space<hbm>>
    tpu.enqueue_dma source(%dma_start3A_45 : memref<56xi32, #tpu.memory_space<hbm>>) target(%dma_start3A_44 : memref<56xi32, #tpu.memory_space<vmem>>) target_semaphore(%dma_start3A_41 : memref<!tpu.dma_semaphore, #tpu.memory_space<semaphore_mem>>)
    %dma_start3A_46 = arith.constant 1 : i32
    %dma_start3A_47 = arith.constant 1 : i32
    %dma_start3A_48 = arith.constant 0 : i32
    %dma_start3A_49 = tpu.memref_slice %arg8[%dma_start3A_46, %dma_start3A_48] : memref<8x56xi32, #tpu.memory_space<vmem>> -> memref<1x56xi32, #tpu.memory_space<vmem>>
    %dma_start3A_50 = tpu.memref_squeeze %dma_start3A_49 : memref<1x56xi32, #tpu.memory_space<vmem>> -> memref<56xi32, #tpu.memory_space<vmem>>
    %dma_start3A_51 = tpu.memref_slice %arg4[%add3A_33] : memref<320768xi32, #tpu.memory_space<hbm>> -> memref<56xi32, #tpu.memory_space<hbm>>
    %dma_start3A_52 = tpu.memref_slice %arg11[%dma_start3A_47] : memref<8x!tpu.dma_semaphore, #tpu.memory_space<semaphore_mem>> -> memref<1x!tpu.dma_semaphore, #tpu.memory_space<semaphore_mem>>
    %dma_start3A_53 = tpu.memref_squeeze %dma_start3A_52 : memref<1x!tpu.dma_semaphore, #tpu.memory_space<semaphore_mem>> -> memref<!tpu.dma_semaphore, #tpu.memory_space<semaphore_mem>>
    %dma_start3A_54 = arith.constant 0 : i32
    %dma_start3A_55 = tpu.memref_slice %arg8[%dma_start3A_46, %dma_start3A_54] : memref<8x56xi32, #tpu.memory_space<vmem>> -> memref<1x56xi32, #tpu.memory_space<vmem>>
    %dma_start3A_56 = tpu.memref_squeeze %dma_start3A_55 : memref<1x56xi32, #tpu.memory_space<vmem>> -> memref<56xi32, #tpu.memory_space<vmem>>
    %dma_start3A_57 = tpu.memref_slice %arg4[%add3A_33] : memref<320768xi32, #tpu.memory_space<hbm>> -> memref<56xi32, #tpu.memory_space<hbm>>
    tpu.enqueue_dma source(%dma_start3A_57 : memref<56xi32, #tpu.memory_space<hbm>>) target(%dma_start3A_56 : memref<56xi32, #tpu.memory_space<vmem>>) target_semaphore(%dma_start3A_53 : memref<!tpu.dma_semaphore, #tpu.memory_space<semaphore_mem>>)
    %add3A_58 = arith.constant 112 : i32
    %add3A_59 = arith.addi %mul3A_6, %add3A_58 : i32
    %dma_start3A_60 = arith.constant 2 : i32
    %dma_start3A_61 = arith.constant 2 : i32
    %dma_start3A_62 = arith.constant 0 : i32
    %dma_start3A_63 = tpu.memref_slice %arg7[%dma_start3A_60, %dma_start3A_62] : memref<8x56xi32, #tpu.memory_space<vmem>> -> memref<1x56xi32, #tpu.memory_space<vmem>>
    %dma_start3A_64 = tpu.memref_squeeze %dma_start3A_63 : memref<1x56xi32, #tpu.memory_space<vmem>> -> memref<56xi32, #tpu.memory_space<vmem>>
    %dma_start3A_65 = tpu.memref_slice %arg3[%add3A_59] : memref<320768xi32, #tpu.memory_space<hbm>> -> memref<56xi32, #tpu.memory_space<hbm>>
    %dma_start3A_66 = tpu.memref_slice %arg11[%dma_start3A_61] : memref<8x!tpu.dma_semaphore, #tpu.memory_space<semaphore_mem>> -> memref<1x!tpu.dma_semaphore, #tpu.memory_space<semaphore_mem>>
    %dma_start3A_67 = tpu.memref_squeeze %dma_start3A_66 : memref<1x!tpu.dma_semaphore, #tpu.memory_space<semaphore_mem>> -> memref<!tpu.dma_semaphore, #tpu.memory_space<semaphore_mem>>
    %dma_start3A_68 = arith.constant 0 : i32
    %dma_start3A_69 = tpu.memref_slice %arg7[%dma_start3A_60, %dma_start3A_68] : memref<8x56xi32, #tpu.memory_space<vmem>> -> memref<1x56xi32, #tpu.memory_space<vmem>>
    %dma_start3A_70 = tpu.memref_squeeze %dma_start3A_69 : memref<1x56xi32, #tpu.memory_space<vmem>> -> memref<56xi32, #tpu.memory_space<vmem>>
    %dma_start3A_71 = tpu.memref_slice %arg3[%add3A_59] : memref<320768xi32, #tpu.memory_space<hbm>> -> memref<56xi32, #tpu.memory_space<hbm>>
    tpu.enqueue_dma source(%dma_start3A_71 : memref<56xi32, #tpu.memory_space<hbm>>) target(%dma_start3A_70 : memref<56xi32, #tpu.memory_space<vmem>>) target_semaphore(%dma_start3A_67 : memref<!tpu.dma_semaphore, #tpu.memory_space<semaphore_mem>>)
    %dma_start3A_72 = arith.constant 2 : i32
    %dma_start3A_73 = arith.constant 2 : i32
    %dma_start3A_74 = arith.constant 0 : i32
    %dma_start3A_75 = tpu.memref_slice %arg8[%dma_start3A_72, %dma_start3A_74] : memref<8x56xi32, #tpu.memory_space<vmem>> -> memref<1x56xi32, #tpu.memory_space<vmem>>
    %dma_start3A_76 = tpu.memref_squeeze %dma_start3A_75 : memref<1x56xi32, #tpu.memory_space<vmem>> -> memref<56xi32, #tpu.memory_space<vmem>>
    %dma_start3A_77 = tpu.memref_slice %arg4[%add3A_59] : memref<320768xi32, #tpu.memory_space<hbm>> -> memref<56xi32, #tpu.memory_space<hbm>>
    %dma_start3A_78 = tpu.memref_slice %arg11[%dma_start3A_73] : memref<8x!tpu.dma_semaphore, #tpu.memory_space<semaphore_mem>> -> memref<1x!tpu.dma_semaphore, #tpu.memory_space<semaphore_mem>>
    %dma_start3A_79 = tpu.memref_squeeze %dma_start3A_78 : memref<1x!tpu.dma_semaphore, #tpu.memory_space<semaphore_mem>> -> memref<!tpu.dma_semaphore, #tpu.memory_space<semaphore_mem>>
    %dma_start3A_80 = arith.constant 0 : i32
    %dma_start3A_81 = tpu.memref_slice %arg8[%dma_start3A_72, %dma_start3A_80] : memref<8x56xi32, #tpu.memory_space<vmem>> -> memref<1x56xi32, #tpu.memory_space<vmem>>
    %dma_start3A_82 = tpu.memref_squeeze %dma_start3A_81 : memref<1x56xi32, #tpu.memory_space<vmem>> -> memref<56xi32, #tpu.memory_space<vmem>>
    %dma_start3A_83 = tpu.memref_slice %arg4[%add3A_59] : memref<320768xi32, #tpu.memory_space<hbm>> -> memref<56xi32, #tpu.memory_space<hbm>>
    tpu.enqueue_dma source(%dma_start3A_83 : memref<56xi32, #tpu.memory_space<hbm>>) target(%dma_start3A_82 : memref<56xi32, #tpu.memory_space<vmem>>) target_semaphore(%dma_start3A_79 : memref<!tpu.dma_semaphore, #tpu.memory_space<semaphore_mem>>)
    %add3A_84 = arith.constant 168 : i32
    %add3A_85 = arith.addi %mul3A_6, %add3A_84 : i32
    %dma_start3A_86 = arith.constant 3 : i32
    %dma_start3A_87 = arith.constant 3 : i32
    %dma_start3A_88 = arith.constant 0 : i32
    %dma_start3A_89 = tpu.memref_slice %arg7[%dma_start3A_86, %dma_start3A_88] : memref<8x56xi32, #tpu.memory_space<vmem>> -> memref<1x56xi32, #tpu.memory_space<vmem>>
    %dma_start3A_90 = tpu.memref_squeeze %dma_start3A_89 : memref<1x56xi32, #tpu.memory_space<vmem>> -> memref<56xi32, #tpu.memory_space<vmem>>
    %dma_start3A_91 = tpu.memref_slice %arg3[%add3A_85] : memref<320768xi32, #tpu.memory_space<hbm>> -> memref<56xi32, #tpu.memory_space<hbm>>
    %dma_start3A_92 = tpu.memref_slice %arg11[%dma_start3A_87] : memref<8x!tpu.dma_semaphore, #tpu.memory_space<semaphore_mem>> -> memref<1x!tpu.dma_semaphore, #tpu.memory_space<semaphore_mem>>
    %dma_start3A_93 = tpu.memref_squeeze %dma_start3A_92 : memref<1x!tpu.dma_semaphore, #tpu.memory_space<semaphore_mem>> -> memref<!tpu.dma_semaphore, #tpu.memory_space<semaphore_mem>>
    %dma_start3A_94 = arith.constant 0 : i32
    %dma_start3A_95 = tpu.memref_slice %arg7[%dma_start3A_86, %dma_start3A_94] : memref<8x56xi32, #tpu.memory_space<vmem>> -> memref<1x56xi32, #tpu.memory_space<vmem>>
    %dma_start3A_96 = tpu.memref_squeeze %dma_start3A_95 : memref<1x56xi32, #tpu.memory_space<vmem>> -> memref<56xi32, #tpu.memory_space<vmem>>
    %dma_start3A_97 = tpu.memref_slice %arg3[%add3A_85] : memref<320768xi32, #tpu.memory_space<hbm>> -> memref<56xi32, #tpu.memory_space<hbm>>
    tpu.enqueue_dma source(%dma_start3A_97 : memref<56xi32, #tpu.memory_space<hbm>>) target(%dma_start3A_96 : memref<56xi32, #tpu.memory_space<vmem>>) target_semaphore(%dma_start3A_93 : memref<!tpu.dma_semaphore, #tpu.memory_space<semaphore_mem>>)
    %dma_start3A_98 = arith.constant 3 : i32
    %dma_start3A_99 = arith.constant 3 : i32
    %dma_start3A_100 = arith.constant 0 : i32
    %dma_start3A_101 = tpu.memref_slice %arg8[%dma_start3A_98, %dma_start3A_100] : memref<8x56xi32, #tpu.memory_space<vmem>> -> memref<1x56xi32, #tpu.memory_space<vmem>>
    %dma_start3A_102 = tpu.memref_squeeze %dma_start3A_101 : memref<1x56xi32, #tpu.memory_space<vmem>> -> memref<56xi32, #tpu.memory_space<vmem>>
    %dma_start3A_103 = tpu.memref_slice %arg4[%add3A_85] : memref<320768xi32, #tpu.memory_space<hbm>> -> memref<56xi32, #tpu.memory_space<hbm>>
    %dma_start3A_104 = tpu.memref_slice %arg11[%dma_start3A_99] : memref<8x!tpu.dma_semaphore, #tpu.memory_space<semaphore_mem>> -> memref<1x!tpu.dma_semaphore, #tpu.memory_space<semaphore_mem>>
    %dma_start3A_105 = tpu.memref_squeeze %dma_start3A_104 : memref<1x!tpu.dma_semaphore, #tpu.memory_space<semaphore_mem>> -> memref<!tpu.dma_semaphore, #tpu.memory_space<semaphore_mem>>
    %dma_start3A_106 = arith.constant 0 : i32
    %dma_start3A_107 = tpu.memref_slice %arg8[%dma_start3A_98, %dma_start3A_106] : memref<8x56xi32, #tpu.memory_space<vmem>> -> memref<1x56xi32, #tpu.memory_space<vmem>>
    %dma_start3A_108 = tpu.memref_squeeze %dma_start3A_107 : memref<1x56xi32, #tpu.memory_space<vmem>> -> memref<56xi32, #tpu.memory_space<vmem>>
    %dma_start3A_109 = tpu.memref_slice %arg4[%add3A_85] : memref<320768xi32, #tpu.memory_space<hbm>> -> memref<56xi32, #tpu.memory_space<hbm>>
    tpu.enqueue_dma source(%dma_start3A_109 : memref<56xi32, #tpu.memory_space<hbm>>) target(%dma_start3A_108 : memref<56xi32, #tpu.memory_space<vmem>>) target_semaphore(%dma_start3A_105 : memref<!tpu.dma_semaphore, #tpu.memory_space<semaphore_mem>>)
    %add3A_110 = arith.constant 224 : i32
    %add3A_111 = arith.addi %mul3A_6, %add3A_110 : i32
    %dma_start3A_112 = arith.constant 4 : i32
    %dma_start3A_113 = arith.constant 4 : i32
    %dma_start3A_114 = arith.constant 0 : i32
    %dma_start3A_115 = tpu.memref_slice %arg7[%dma_start3A_112, %dma_start3A_114] : memref<8x56xi32, #tpu.memory_space<vmem>> -> memref<1x56xi32, #tpu.memory_space<vmem>>
    %dma_start3A_116 = tpu.memref_squeeze %dma_start3A_115 : memref<1x56xi32, #tpu.memory_space<vmem>> -> memref<56xi32, #tpu.memory_space<vmem>>
    %dma_start3A_117 = tpu.memref_slice %arg3[%add3A_111] : memref<320768xi32, #tpu.memory_space<hbm>> -> memref<56xi32, #tpu.memory_space<hbm>>
    %dma_start3A_118 = tpu.memref_slice %arg11[%dma_start3A_113] : memref<8x!tpu.dma_semaphore, #tpu.memory_space<semaphore_mem>> -> memref<1x!tpu.dma_semaphore, #tpu.memory_space<semaphore_mem>>
    %dma_start3A_119 = tpu.memref_squeeze %dma_start3A_118 : memref<1x!tpu.dma_semaphore, #tpu.memory_space<semaphore_mem>> -> memref<!tpu.dma_semaphore, #tpu.memory_space<semaphore_mem>>
    %dma_start3A_120 = arith.constant 0 : i32
    %dma_start3A_121 = tpu.memref_slice %arg7[%dma_start3A_112, %dma_start3A_120] : memref<8x56xi32, #tpu.memory_space<vmem>> -> memref<1x56xi32, #tpu.memory_space<vmem>>
    %dma_start3A_122 = tpu.memref_squeeze %dma_start3A_121 : memref<1x56xi32, #tpu.memory_space<vmem>> -> memref<56xi32, #tpu.memory_space<vmem>>
    %dma_start3A_123 = tpu.memref_slice %arg3[%add3A_111] : memref<320768xi32, #tpu.memory_space<hbm>> -> memref<56xi32, #tpu.memory_space<hbm>>
    tpu.enqueue_dma source(%dma_start3A_123 : memref<56xi32, #tpu.memory_space<hbm>>) target(%dma_start3A_122 : memref<56xi32, #tpu.memory_space<vmem>>) target_semaphore(%dma_start3A_119 : memref<!tpu.dma_semaphore, #tpu.memory_space<semaphore_mem>>)
    %dma_start3A_124 = arith.constant 4 : i32
    %dma_start3A_125 = arith.constant 4 : i32
    %dma_start3A_126 = arith.constant 0 : i32
    %dma_start3A_127 = tpu.memref_slice %arg8[%dma_start3A_124, %dma_start3A_126] : memref<8x56xi32, #tpu.memory_space<vmem>> -> memref<1x56xi32, #tpu.memory_space<vmem>>
    %dma_start3A_128 = tpu.memref_squeeze %dma_start3A_127 : memref<1x56xi32, #tpu.memory_space<vmem>> -> memref<56xi32, #tpu.memory_space<vmem>>
    %dma_start3A_129 = tpu.memref_slice %arg4[%add3A_111] : memref<320768xi32, #tpu.memory_space<hbm>> -> memref<56xi32, #tpu.memory_space<hbm>>
    %dma_start3A_130 = tpu.memref_slice %arg11[%dma_start3A_125] : memref<8x!tpu.dma_semaphore, #tpu.memory_space<semaphore_mem>> -> memref<1x!tpu.dma_semaphore, #tpu.memory_space<semaphore_mem>>
    %dma_start3A_131 = tpu.memref_squeeze %dma_start3A_130 : memref<1x!tpu.dma_semaphore, #tpu.memory_space<semaphore_mem>> -> memref<!tpu.dma_semaphore, #tpu.memory_space<semaphore_mem>>
    %dma_start3A_132 = arith.constant 0 : i32
    %dma_start3A_133 = tpu.memref_slice %arg8[%dma_start3A_124, %dma_start3A_132] : memref<8x56xi32, #tpu.memory_space<vmem>> -> memref<1x56xi32, #tpu.memory_space<vmem>>
    %dma_start3A_134 = tpu.memref_squeeze %dma_start3A_133 : memref<1x56xi32, #tpu.memory_space<vmem>> -> memref<56xi32, #tpu.memory_space<vmem>>
    %dma_start3A_135 = tpu.memref_slice %arg4[%add3A_111] : memref<320768xi32, #tpu.memory_space<hbm>> -> memref<56xi32, #tpu.memory_space<hbm>>
    tpu.enqueue_dma source(%dma_start3A_135 : memref<56xi32, #tpu.memory_space<hbm>>) target(%dma_start3A_134 : memref<56xi32, #tpu.memory_space<vmem>>) target_semaphore(%dma_start3A_131 : memref<!tpu.dma_semaphore, #tpu.memory_space<semaphore_mem>>)
    %add3A_136 = arith.constant 280 : i32
    %add3A_137 = arith.addi %mul3A_6, %add3A_136 : i32
    %dma_start3A_138 = arith.constant 5 : i32
    %dma_start3A_139 = arith.constant 5 : i32
    %dma_start3A_140 = arith.constant 0 : i32
    %dma_start3A_141 = tpu.memref_slice %arg7[%dma_start3A_138, %dma_start3A_140] : memref<8x56xi32, #tpu.memory_space<vmem>> -> memref<1x56xi32, #tpu.memory_space<vmem>>
    %dma_start3A_142 = tpu.memref_squeeze %dma_start3A_141 : memref<1x56xi32, #tpu.memory_space<vmem>> -> memref<56xi32, #tpu.memory_space<vmem>>
    %dma_start3A_143 = tpu.memref_slice %arg3[%add3A_137] : memref<320768xi32, #tpu.memory_space<hbm>> -> memref<56xi32, #tpu.memory_space<hbm>>
    %dma_start3A_144 = tpu.memref_slice %arg11[%dma_start3A_139] : memref<8x!tpu.dma_semaphore, #tpu.memory_space<semaphore_mem>> -> memref<1x!tpu.dma_semaphore, #tpu.memory_space<semaphore_mem>>
    %dma_start3A_145 = tpu.memref_squeeze %dma_start3A_144 : memref<1x!tpu.dma_semaphore, #tpu.memory_space<semaphore_mem>> -> memref<!tpu.dma_semaphore, #tpu.memory_space<semaphore_mem>>
    %dma_start3A_146 = arith.constant 0 : i32
    %dma_start3A_147 = tpu.memref_slice %arg7[%dma_start3A_138, %dma_start3A_146] : memref<8x56xi32, #tpu.memory_space<vmem>> -> memref<1x56xi32, #tpu.memory_space<vmem>>
    %dma_start3A_148 = tpu.memref_squeeze %dma_start3A_147 : memref<1x56xi32, #tpu.memory_space<vmem>> -> memref<56xi32, #tpu.memory_space<vmem>>
    %dma_start3A_149 = tpu.memref_slice %arg3[%add3A_137] : memref<320768xi32, #tpu.memory_space<hbm>> -> memref<56xi32, #tpu.memory_space<hbm>>
    tpu.enqueue_dma source(%dma_start3A_149 : memref<56xi32, #tpu.memory_space<hbm>>) target(%dma_start3A_148 : memref<56xi32, #tpu.memory_space<vmem>>) target_semaphore(%dma_start3A_145 : memref<!tpu.dma_semaphore, #tpu.memory_space<semaphore_mem>>)
    %dma_start3A_150 = arith.constant 5 : i32
    %dma_start3A_151 = arith.constant 5 : i32
    %dma_start3A_152 = arith.constant 0 : i32
    %dma_start3A_153 = tpu.memref_slice %arg8[%dma_start3A_150, %dma_start3A_152] : memref<8x56xi32, #tpu.memory_space<vmem>> -> memref<1x56xi32, #tpu.memory_space<vmem>>
    %dma_start3A_154 = tpu.memref_squeeze %dma_start3A_153 : memref<1x56xi32, #tpu.memory_space<vmem>> -> memref<56xi32, #tpu.memory_space<vmem>>
    %dma_start3A_155 = tpu.memref_slice %arg4[%add3A_137] : memref<320768xi32, #tpu.memory_space<hbm>> -> memref<56xi32, #tpu.memory_space<hbm>>
    %dma_start3A_156 = tpu.memref_slice %arg11[%dma_start3A_151] : memref<8x!tpu.dma_semaphore, #tpu.memory_space<semaphore_mem>> -> memref<1x!tpu.dma_semaphore, #tpu.memory_space<semaphore_mem>>
    %dma_start3A_157 = tpu.memref_squeeze %dma_start3A_156 : memref<1x!tpu.dma_semaphore, #tpu.memory_space<semaphore_mem>> -> memref<!tpu.dma_semaphore, #tpu.memory_space<semaphore_mem>>
    %dma_start3A_158 = arith.constant 0 : i32
    %dma_start3A_159 = tpu.memref_slice %arg8[%dma_start3A_150, %dma_start3A_158] : memref<8x56xi32, #tpu.memory_space<vmem>> -> memref<1x56xi32, #tpu.memory_space<vmem>>
    %dma_start3A_160 = tpu.memref_squeeze %dma_start3A_159 : memref<1x56xi32, #tpu.memory_space<vmem>> -> memref<56xi32, #tpu.memory_space<vmem>>
    %dma_start3A_161 = tpu.memref_slice %arg4[%add3A_137] : memref<320768xi32, #tpu.memory_space<hbm>> -> memref<56xi32, #tpu.memory_space<hbm>>
    tpu.enqueue_dma source(%dma_start3A_161 : memref<56xi32, #tpu.memory_space<hbm>>) target(%dma_start3A_160 : memref<56xi32, #tpu.memory_space<vmem>>) target_semaphore(%dma_start3A_157 : memref<!tpu.dma_semaphore, #tpu.memory_space<semaphore_mem>>)
    %add3A_162 = arith.constant 0 : i32
    %add3A_163 = arith.addi %mul3A_6, %add3A_162 : i32
    %dma_wait3A = arith.constant 0 : i32
    %dma_wait3A_164 = arith.constant 0 : i32
    %dma_wait3A_165 = arith.constant 0 : i32
    %dma_wait3A_166 = tpu.memref_slice %arg7[%dma_wait3A, %dma_wait3A_165] : memref<8x56xi32, #tpu.memory_space<vmem>> -> memref<1x56xi32, #tpu.memory_space<vmem>>
    %dma_wait3A_167 = tpu.memref_squeeze %dma_wait3A_166 : memref<1x56xi32, #tpu.memory_space<vmem>> -> memref<56xi32, #tpu.memory_space<vmem>>
    %dma_wait3A_168 = tpu.memref_slice %arg3[%add3A_163] : memref<320768xi32, #tpu.memory_space<hbm>> -> memref<56xi32, #tpu.memory_space<hbm>>
    %dma_wait3A_169 = tpu.memref_slice %arg11[%dma_wait3A_164] : memref<8x!tpu.dma_semaphore, #tpu.memory_space<semaphore_mem>> -> memref<1x!tpu.dma_semaphore, #tpu.memory_space<semaphore_mem>>
    %dma_wait3A_170 = tpu.memref_squeeze %dma_wait3A_169 : memref<1x!tpu.dma_semaphore, #tpu.memory_space<semaphore_mem>> -> memref<!tpu.dma_semaphore, #tpu.memory_space<semaphore_mem>>
    %dma_wait3A_171 = arith.constant 0 : i32
    %dma_wait3A_172 = tpu.memref_slice %arg7[%dma_wait3A, %dma_wait3A_171] : memref<8x56xi32, #tpu.memory_space<vmem>> -> memref<1x56xi32, #tpu.memory_space<vmem>>
    %dma_wait3A_173 = tpu.memref_squeeze %dma_wait3A_172 : memref<1x56xi32, #tpu.memory_space<vmem>> -> memref<56xi32, #tpu.memory_space<vmem>>
    %dma_wait3A_174 = tpu.memref_slice %arg3[%add3A_163] : memref<320768xi32, #tpu.memory_space<hbm>> -> memref<56xi32, #tpu.memory_space<hbm>>
    tpu.wait_dma2 semaphore(%dma_wait3A_170 : memref<!tpu.dma_semaphore, #tpu.memory_space<semaphore_mem>>) src(%dma_wait3A_174 : memref<56xi32, #tpu.memory_space<hbm>>) dst(%dma_wait3A_173 : memref<56xi32, #tpu.memory_space<vmem>>)
    %dma_wait3A_175 = arith.constant 0 : i32
    %dma_wait3A_176 = arith.constant 0 : i32
    %dma_wait3A_177 = arith.constant 0 : i32
    %dma_wait3A_178 = tpu.memref_slice %arg8[%dma_wait3A_175, %dma_wait3A_177] : memref<8x56xi32, #tpu.memory_space<vmem>> -> memref<1x56xi32, #tpu.memory_space<vmem>>
    %dma_wait3A_179 = tpu.memref_squeeze %dma_wait3A_178 : memref<1x56xi32, #tpu.memory_space<vmem>> -> memref<56xi32, #tpu.memory_space<vmem>>
    %dma_wait3A_180 = tpu.memref_slice %arg4[%add3A_163] : memref<320768xi32, #tpu.memory_space<hbm>> -> memref<56xi32, #tpu.memory_space<hbm>>
    %dma_wait3A_181 = tpu.memref_slice %arg11[%dma_wait3A_176] : memref<8x!tpu.dma_semaphore, #tpu.memory_space<semaphore_mem>> -> memref<1x!tpu.dma_semaphore, #tpu.memory_space<semaphore_mem>>
    %dma_wait3A_182 = tpu.memref_squeeze %dma_wait3A_181 : memref<1x!tpu.dma_semaphore, #tpu.memory_space<semaphore_mem>> -> memref<!tpu.dma_semaphore, #tpu.memory_space<semaphore_mem>>
    %dma_wait3A_183 = arith.constant 0 : i32
    %dma_wait3A_184 = tpu.memref_slice %arg8[%dma_wait3A_175, %dma_wait3A_183] : memref<8x56xi32, #tpu.memory_space<vmem>> -> memref<1x56xi32, #tpu.memory_space<vmem>>
    %dma_wait3A_185 = tpu.memref_squeeze %dma_wait3A_184 : memref<1x56xi32, #tpu.memory_space<vmem>> -> memref<56xi32, #tpu.memory_space<vmem>>
    %dma_wait3A_186 = tpu.memref_slice %arg4[%add3A_163] : memref<320768xi32, #tpu.memory_space<hbm>> -> memref<56xi32, #tpu.memory_space<hbm>>
    tpu.wait_dma2 semaphore(%dma_wait3A_182 : memref<!tpu.dma_semaphore, #tpu.memory_space<semaphore_mem>>) src(%dma_wait3A_186 : memref<56xi32, #tpu.memory_space<hbm>>) dst(%dma_wait3A_185 : memref<56xi32, #tpu.memory_space<vmem>>)
    %rem3A = arith.constant 0 : i32
    %rem3A_187 = arith.constant 8 : i32
    %rem3A_188 = arith.remsi %rem3A, %rem3A_187 : i32
    %dma_start3A_189 = arith.constant 0 : i32
    %dma_start3A_190 = arith.constant 0 : i32
    %dma_start3A_191 = arith.constant 0 : i32
    %dma_start3A_192 = arith.constant 0 : i32
    %dma_start3A_193 = tpu.memref_slice %arg9[%dma_start3A_189, %dma_start3A_191, %dma_start3A_192] : memref<5x56x128xf32, #tpu.memory_space<vmem>> -> memref<1x56x128xf32, #tpu.memory_space<vmem>>
    %dma_start3A_194 = tpu.memref_squeeze %dma_start3A_193 : memref<1x56x128xf32, #tpu.memory_space<vmem>> -> memref<56x128xf32, #tpu.memory_space<vmem>>
    %dma_start3A_195 = arith.constant 0 : i32
    %dma_start3A_196 = tpu.memref_slice %arg7[%rem3A_188, %dma_start3A_195] : memref<8x56xi32, #tpu.memory_space<vmem>> -> memref<1x56xi32, #tpu.memory_space<vmem>>
    %dma_start3A_197 = tpu.memref_squeeze %dma_start3A_196 : memref<1x56xi32, #tpu.memory_space<vmem>> -> memref<56xi32, #tpu.memory_space<vmem>>
    %dma_start3A_198 = arith.constant 0 : i32
    %dma_start3A_199 = arith.constant 0 : i32
    %dma_start3A_200 = tpu.memref_slice %arg2[%dma_start3A_198, %dma_start3A_199] : memref<10000x128xf32, #tpu.memory_space<hbm>> -> memref<10000x128xf32, #tpu.memory_space<hbm>>
    %dma_start3A_201 = tpu.memref_slice %arg12[%dma_start3A_190] : memref<5x!tpu.dma_semaphore, #tpu.memory_space<semaphore_mem>> -> memref<1x!tpu.dma_semaphore, #tpu.memory_space<semaphore_mem>>
    %dma_start3A_202 = tpu.memref_squeeze %dma_start3A_201 : memref<1x!tpu.dma_semaphore, #tpu.memory_space<semaphore_mem>> -> memref<!tpu.dma_semaphore, #tpu.memory_space<semaphore_mem>>
    tpu.enqueue_indirect_dma source(%dma_start3A_200 : memref<10000x128xf32, #tpu.memory_space<hbm>>) target(%dma_start3A_194 : memref<56x128xf32, #tpu.memory_space<vmem>>) offsets(%dma_start3A_197 : memref<56xi32, #tpu.memory_space<vmem>>) semaphore(%dma_start3A_202 : memref<!tpu.dma_semaphore, #tpu.memory_space<semaphore_mem>>)
    %add3A_203 = arith.constant 56 : i32
    %add3A_204 = arith.addi %mul3A_6, %add3A_203 : i32
    %dma_wait3A_205 = arith.constant 1 : i32
    %dma_wait3A_206 = arith.constant 1 : i32
    %dma_wait3A_207 = arith.constant 0 : i32
    %dma_wait3A_208 = tpu.memref_slice %arg7[%dma_wait3A_205, %dma_wait3A_207] : memref<8x56xi32, #tpu.memory_space<vmem>> -> memref<1x56xi32, #tpu.memory_space<vmem>>
    %dma_wait3A_209 = tpu.memref_squeeze %dma_wait3A_208 : memref<1x56xi32, #tpu.memory_space<vmem>> -> memref<56xi32, #tpu.memory_space<vmem>>
    %dma_wait3A_210 = tpu.memref_slice %arg3[%add3A_204] : memref<320768xi32, #tpu.memory_space<hbm>> -> memref<56xi32, #tpu.memory_space<hbm>>
    %dma_wait3A_211 = tpu.memref_slice %arg11[%dma_wait3A_206] : memref<8x!tpu.dma_semaphore, #tpu.memory_space<semaphore_mem>> -> memref<1x!tpu.dma_semaphore, #tpu.memory_space<semaphore_mem>>
    %dma_wait3A_212 = tpu.memref_squeeze %dma_wait3A_211 : memref<1x!tpu.dma_semaphore, #tpu.memory_space<semaphore_mem>> -> memref<!tpu.dma_semaphore, #tpu.memory_space<semaphore_mem>>
    %dma_wait3A_213 = arith.constant 0 : i32
    %dma_wait3A_214 = tpu.memref_slice %arg7[%dma_wait3A_205, %dma_wait3A_213] : memref<8x56xi32, #tpu.memory_space<vmem>> -> memref<1x56xi32, #tpu.memory_space<vmem>>
    %dma_wait3A_215 = tpu.memref_squeeze %dma_wait3A_214 : memref<1x56xi32, #tpu.memory_space<vmem>> -> memref<56xi32, #tpu.memory_space<vmem>>
    %dma_wait3A_216 = tpu.memref_slice %arg3[%add3A_204] : memref<320768xi32, #tpu.memory_space<hbm>> -> memref<56xi32, #tpu.memory_space<hbm>>
    tpu.wait_dma2 semaphore(%dma_wait3A_212 : memref<!tpu.dma_semaphore, #tpu.memory_space<semaphore_mem>>) src(%dma_wait3A_216 : memref<56xi32, #tpu.memory_space<hbm>>) dst(%dma_wait3A_215 : memref<56xi32, #tpu.memory_space<vmem>>)
    %dma_wait3A_217 = arith.constant 1 : i32
    %dma_wait3A_218 = arith.constant 1 : i32
    %dma_wait3A_219 = arith.constant 0 : i32
    %dma_wait3A_220 = tpu.memref_slice %arg8[%dma_wait3A_217, %dma_wait3A_219] : memref<8x56xi32, #tpu.memory_space<vmem>> -> memref<1x56xi32, #tpu.memory_space<vmem>>
    %dma_wait3A_221 = tpu.memref_squeeze %dma_wait3A_220 : memref<1x56xi32, #tpu.memory_space<vmem>> -> memref<56xi32, #tpu.memory_space<vmem>>
    %dma_wait3A_222 = tpu.memref_slice %arg4[%add3A_204] : memref<320768xi32, #tpu.memory_space<hbm>> -> memref<56xi32, #tpu.memory_space<hbm>>
    %dma_wait3A_223 = tpu.memref_slice %arg11[%dma_wait3A_218] : memref<8x!tpu.dma_semaphore, #tpu.memory_space<semaphore_mem>> -> memref<1x!tpu.dma_semaphore, #tpu.memory_space<semaphore_mem>>
    %dma_wait3A_224 = tpu.memref_squeeze %dma_wait3A_223 : memref<1x!tpu.dma_semaphore, #tpu.memory_space<semaphore_mem>> -> memref<!tpu.dma_semaphore, #tpu.memory_space<semaphore_mem>>
    %dma_wait3A_225 = arith.constant 0 : i32
    %dma_wait3A_226 = tpu.memref_slice %arg8[%dma_wait3A_217, %dma_wait3A_225] : memref<8x56xi32, #tpu.memory_space<vmem>> -> memref<1x56xi32, #tpu.memory_space<vmem>>
    %dma_wait3A_227 = tpu.memref_squeeze %dma_wait3A_226 : memref<1x56xi32, #tpu.memory_space<vmem>> -> memref<56xi32, #tpu.memory_space<vmem>>
    %dma_wait3A_228 = tpu.memref_slice %arg4[%add3A_204] : memref<320768xi32, #tpu.memory_space<hbm>> -> memref<56xi32, #tpu.memory_space<hbm>>
    tpu.wait_dma2 semaphore(%dma_wait3A_224 : memref<!tpu.dma_semaphore, #tpu.memory_space<semaphore_mem>>) src(%dma_wait3A_228 : memref<56xi32, #tpu.memory_space<hbm>>) dst(%dma_wait3A_227 : memref<56xi32, #tpu.memory_space<vmem>>)
    %rem3A_229 = arith.constant 1 : i32
    %rem3A_230 = arith.constant 8 : i32
    %rem3A_231 = arith.remsi %rem3A_229, %rem3A_230 : i32
    %dma_start3A_232 = arith.constant 1 : i32
    %dma_start3A_233 = arith.constant 1 : i32
    %dma_start3A_234 = arith.constant 0 : i32
    %dma_start3A_235 = arith.constant 0 : i32
    %dma_start3A_236 = tpu.memref_slice %arg9[%dma_start3A_232, %dma_start3A_234, %dma_start3A_235] : memref<5x56x128xf32, #tpu.memory_space<vmem>> -> memref<1x56x128xf32, #tpu.memory_space<vmem>>
    %dma_start3A_237 = tpu.memref_squeeze %dma_start3A_236 : memref<1x56x128xf32, #tpu.memory_space<vmem>> -> memref<56x128xf32, #tpu.memory_space<vmem>>
    %dma_start3A_238 = arith.constant 0 : i32
    %dma_start3A_239 = tpu.memref_slice %arg7[%rem3A_231, %dma_start3A_238] : memref<8x56xi32, #tpu.memory_space<vmem>> -> memref<1x56xi32, #tpu.memory_space<vmem>>
    %dma_start3A_240 = tpu.memref_squeeze %dma_start3A_239 : memref<1x56xi32, #tpu.memory_space<vmem>> -> memref<56xi32, #tpu.memory_space<vmem>>
    %dma_start3A_241 = arith.constant 0 : i32
    %dma_start3A_242 = arith.constant 0 : i32
    %dma_start3A_243 = tpu.memref_slice %arg2[%dma_start3A_241, %dma_start3A_242] : memref<10000x128xf32, #tpu.memory_space<hbm>> -> memref<10000x128xf32, #tpu.memory_space<hbm>>
    %dma_start3A_244 = tpu.memref_slice %arg12[%dma_start3A_233] : memref<5x!tpu.dma_semaphore, #tpu.memory_space<semaphore_mem>> -> memref<1x!tpu.dma_semaphore, #tpu.memory_space<semaphore_mem>>
    %dma_start3A_245 = tpu.memref_squeeze %dma_start3A_244 : memref<1x!tpu.dma_semaphore, #tpu.memory_space<semaphore_mem>> -> memref<!tpu.dma_semaphore, #tpu.memory_space<semaphore_mem>>
    tpu.enqueue_indirect_dma source(%dma_start3A_243 : memref<10000x128xf32, #tpu.memory_space<hbm>>) target(%dma_start3A_237 : memref<56x128xf32, #tpu.memory_space<vmem>>) offsets(%dma_start3A_240 : memref<56xi32, #tpu.memory_space<vmem>>) semaphore(%dma_start3A_245 : memref<!tpu.dma_semaphore, #tpu.memory_space<semaphore_mem>>)
    %add3A_246 = arith.constant 112 : i32
    %add3A_247 = arith.addi %mul3A_6, %add3A_246 : i32
    %dma_wait3A_248 = arith.constant 2 : i32
    %dma_wait3A_249 = arith.constant 2 : i32
    %dma_wait3A_250 = arith.constant 0 : i32
    %dma_wait3A_251 = tpu.memref_slice %arg7[%dma_wait3A_248, %dma_wait3A_250] : memref<8x56xi32, #tpu.memory_space<vmem>> -> memref<1x56xi32, #tpu.memory_space<vmem>>
    %dma_wait3A_252 = tpu.memref_squeeze %dma_wait3A_251 : memref<1x56xi32, #tpu.memory_space<vmem>> -> memref<56xi32, #tpu.memory_space<vmem>>
    %dma_wait3A_253 = tpu.memref_slice %arg3[%add3A_247] : memref<320768xi32, #tpu.memory_space<hbm>> -> memref<56xi32, #tpu.memory_space<hbm>>
    %dma_wait3A_254 = tpu.memref_slice %arg11[%dma_wait3A_249] : memref<8x!tpu.dma_semaphore, #tpu.memory_space<semaphore_mem>> -> memref<1x!tpu.dma_semaphore, #tpu.memory_space<semaphore_mem>>
    %dma_wait3A_255 = tpu.memref_squeeze %dma_wait3A_254 : memref<1x!tpu.dma_semaphore, #tpu.memory_space<semaphore_mem>> -> memref<!tpu.dma_semaphore, #tpu.memory_space<semaphore_mem>>
    %dma_wait3A_256 = arith.constant 0 : i32
    %dma_wait3A_257 = tpu.memref_slice %arg7[%dma_wait3A_248, %dma_wait3A_256] : memref<8x56xi32, #tpu.memory_space<vmem>> -> memref<1x56xi32, #tpu.memory_space<vmem>>
    %dma_wait3A_258 = tpu.memref_squeeze %dma_wait3A_257 : memref<1x56xi32, #tpu.memory_space<vmem>> -> memref<56xi32, #tpu.memory_space<vmem>>
    %dma_wait3A_259 = tpu.memref_slice %arg3[%add3A_247] : memref<320768xi32, #tpu.memory_space<hbm>> -> memref<56xi32, #tpu.memory_space<hbm>>
    tpu.wait_dma2 semaphore(%dma_wait3A_255 : memref<!tpu.dma_semaphore, #tpu.memory_space<semaphore_mem>>) src(%dma_wait3A_259 : memref<56xi32, #tpu.memory_space<hbm>>) dst(%dma_wait3A_258 : memref<56xi32, #tpu.memory_space<vmem>>)
    %dma_wait3A_260 = arith.constant 2 : i32
    %dma_wait3A_261 = arith.constant 2 : i32
    %dma_wait3A_262 = arith.constant 0 : i32
    %dma_wait3A_263 = tpu.memref_slice %arg8[%dma_wait3A_260, %dma_wait3A_262] : memref<8x56xi32, #tpu.memory_space<vmem>> -> memref<1x56xi32, #tpu.memory_space<vmem>>
    %dma_wait3A_264 = tpu.memref_squeeze %dma_wait3A_263 : memref<1x56xi32, #tpu.memory_space<vmem>> -> memref<56xi32, #tpu.memory_space<vmem>>
    %dma_wait3A_265 = tpu.memref_slice %arg4[%add3A_247] : memref<320768xi32, #tpu.memory_space<hbm>> -> memref<56xi32, #tpu.memory_space<hbm>>
    %dma_wait3A_266 = tpu.memref_slice %arg11[%dma_wait3A_261] : memref<8x!tpu.dma_semaphore, #tpu.memory_space<semaphore_mem>> -> memref<1x!tpu.dma_semaphore, #tpu.memory_space<semaphore_mem>>
    %dma_wait3A_267 = tpu.memref_squeeze %dma_wait3A_266 : memref<1x!tpu.dma_semaphore, #tpu.memory_space<semaphore_mem>> -> memref<!tpu.dma_semaphore, #tpu.memory_space<semaphore_mem>>
    %dma_wait3A_268 = arith.constant 0 : i32
    %dma_wait3A_269 = tpu.memref_slice %arg8[%dma_wait3A_260, %dma_wait3A_268] : memref<8x56xi32, #tpu.memory_space<vmem>> -> memref<1x56xi32, #tpu.memory_space<vmem>>
    %dma_wait3A_270 = tpu.memref_squeeze %dma_wait3A_269 : memref<1x56xi32, #tpu.memory_space<vmem>> -> memref<56xi32, #tpu.memory_space<vmem>>
    %dma_wait3A_271 = tpu.memref_slice %arg4[%add3A_247] : memref<320768xi32, #tpu.memory_space<hbm>> -> memref<56xi32, #tpu.memory_space<hbm>>
    tpu.wait_dma2 semaphore(%dma_wait3A_267 : memref<!tpu.dma_semaphore, #tpu.memory_space<semaphore_mem>>) src(%dma_wait3A_271 : memref<56xi32, #tpu.memory_space<hbm>>) dst(%dma_wait3A_270 : memref<56xi32, #tpu.memory_space<vmem>>)
    %rem3A_272 = arith.constant 2 : i32
    %rem3A_273 = arith.constant 8 : i32
    %rem3A_274 = arith.remsi %rem3A_272, %rem3A_273 : i32
    %dma_start3A_275 = arith.constant 2 : i32
    %dma_start3A_276 = arith.constant 2 : i32
    %dma_start3A_277 = arith.constant 0 : i32
    %dma_start3A_278 = arith.constant 0 : i32
    %dma_start3A_279 = tpu.memref_slice %arg9[%dma_start3A_275, %dma_start3A_277, %dma_start3A_278] : memref<5x56x128xf32, #tpu.memory_space<vmem>> -> memref<1x56x128xf32, #tpu.memory_space<vmem>>
    %dma_start3A_280 = tpu.memref_squeeze %dma_start3A_279 : memref<1x56x128xf32, #tpu.memory_space<vmem>> -> memref<56x128xf32, #tpu.memory_space<vmem>>
    %dma_start3A_281 = arith.constant 0 : i32
    %dma_start3A_282 = tpu.memref_slice %arg7[%rem3A_274, %dma_start3A_281] : memref<8x56xi32, #tpu.memory_space<vmem>> -> memref<1x56xi32, #tpu.memory_space<vmem>>
    %dma_start3A_283 = tpu.memref_squeeze %dma_start3A_282 : memref<1x56xi32, #tpu.memory_space<vmem>> -> memref<56xi32, #tpu.memory_space<vmem>>
    %dma_start3A_284 = arith.constant 0 : i32
    %dma_start3A_285 = arith.constant 0 : i32
    %dma_start3A_286 = tpu.memref_slice %arg2[%dma_start3A_284, %dma_start3A_285] : memref<10000x128xf32, #tpu.memory_space<hbm>> -> memref<10000x128xf32, #tpu.memory_space<hbm>>
    %dma_start3A_287 = tpu.memref_slice %arg12[%dma_start3A_276] : memref<5x!tpu.dma_semaphore, #tpu.memory_space<semaphore_mem>> -> memref<1x!tpu.dma_semaphore, #tpu.memory_space<semaphore_mem>>
    %dma_start3A_288 = tpu.memref_squeeze %dma_start3A_287 : memref<1x!tpu.dma_semaphore, #tpu.memory_space<semaphore_mem>> -> memref<!tpu.dma_semaphore, #tpu.memory_space<semaphore_mem>>
    tpu.enqueue_indirect_dma source(%dma_start3A_286 : memref<10000x128xf32, #tpu.memory_space<hbm>>) target(%dma_start3A_280 : memref<56x128xf32, #tpu.memory_space<vmem>>) offsets(%dma_start3A_283 : memref<56xi32, #tpu.memory_space<vmem>>) semaphore(%dma_start3A_288 : memref<!tpu.dma_semaphore, #tpu.memory_space<semaphore_mem>>)
    %scan3A = arith.constant 0 : i32
    %scan3A_289 = arith.constant 176 : i32
    %scan3A_290 = arith.addi %scan3A, %scan3A_289 : i32
    %scan3A_291 = arith.constant 1 : i32
    scf.for %scan3A_486 = %scan3A to %scan3A_290 step %scan3A_291  : i32 {
      %rem3A_487 = arith.constant 5 : i32
      %rem3A_488 = arith.remsi %scan3A_486, %rem3A_487 : i32
      %ge3A = arith.constant 2 : i32
      %ge3A_489 = arith.cmpi sge, %scan3A_486, %ge3A : i32
      %convert_element_type3A_490 = arith.extui %ge3A_489 : i1 to i32
      %cond3A_491 = arith.constant 0 : i32
      %cond3A_492 = arith.cmpi ne, %convert_element_type3A_490, %cond3A_491 : i32
      scf.if %cond3A_492 {
        %sub3A = arith.constant 2 : i32
        %sub3A_576 = arith.subi %scan3A_486, %sub3A : i32
        %sub3A_577 = arith.constant 2 : i32
        %sub3A_578 = arith.subi %scan3A_486, %sub3A_577 : i32
        %rem3A_579 = arith.constant 5 : i32
        %rem3A_580 = arith.remsi %sub3A_578, %rem3A_579 : i32
        %rem3A_581 = arith.constant 8 : i32
        %rem3A_582 = arith.remsi %sub3A_576, %rem3A_581 : i32
        %dma_wait3A_583 = arith.constant 0 : i32
        %dma_wait3A_584 = arith.constant 0 : i32
        %dma_wait3A_585 = tpu.memref_slice %arg9[%rem3A_580, %dma_wait3A_583, %dma_wait3A_584] : memref<5x56x128xf32, #tpu.memory_space<vmem>> -> memref<1x56x128xf32, #tpu.memory_space<vmem>>
        %dma_wait3A_586 = tpu.memref_squeeze %dma_wait3A_585 : memref<1x56x128xf32, #tpu.memory_space<vmem>> -> memref<56x128xf32, #tpu.memory_space<vmem>>
        %dma_wait3A_587 = arith.constant 0 : i32
        %dma_wait3A_588 = tpu.memref_slice %arg8[%rem3A_582, %dma_wait3A_587] : memref<8x56xi32, #tpu.memory_space<vmem>> -> memref<1x56xi32, #tpu.memory_space<vmem>>
        %dma_wait3A_589 = tpu.memref_squeeze %dma_wait3A_588 : memref<1x56xi32, #tpu.memory_space<vmem>> -> memref<56xi32, #tpu.memory_space<vmem>>
        %dma_wait3A_590 = arith.constant 0 : i32
        %dma_wait3A_591 = arith.constant 0 : i32
        %dma_wait3A_592 = tpu.memref_slice %arg10[%dma_wait3A_590, %dma_wait3A_591] : memref<10008x128xf32, #tpu.memory_space<vmem_shared>> -> memref<10008x128xf32, #tpu.memory_space<vmem_shared>>
        %dma_wait3A_593 = tpu.memref_slice %arg13[%rem3A_580] : memref<5x!tpu.dma_semaphore, #tpu.memory_space<semaphore_mem>> -> memref<1x!tpu.dma_semaphore, #tpu.memory_space<semaphore_mem>>
        %dma_wait3A_594 = tpu.memref_squeeze %dma_wait3A_593 : memref<1x!tpu.dma_semaphore, #tpu.memory_space<semaphore_mem>> -> memref<!tpu.dma_semaphore, #tpu.memory_space<semaphore_mem>>
        tpu.wait_indirect_dma semaphore(%dma_wait3A_594 : memref<!tpu.dma_semaphore, #tpu.memory_space<semaphore_mem>>) src(%dma_wait3A_586 : memref<56x128xf32, #tpu.memory_space<vmem>>) dst(%dma_wait3A_592 : memref<10008x128xf32, #tpu.memory_space<vmem_shared>>)
      } else {
      }
      %add3A_493 = arith.constant 6 : i32
      %add3A_494 = arith.addi %scan3A_486, %add3A_493 : i32
      %lt3A = arith.constant 179 : i32
      %lt3A_495 = arith.cmpi slt, %add3A_494, %lt3A : i32
      %convert_element_type3A_496 = arith.extui %lt3A_495 : i1 to i32
      %cond3A_497 = arith.constant 0 : i32
      %cond3A_498 = arith.cmpi ne, %convert_element_type3A_496, %cond3A_497 : i32
      scf.if %cond3A_498 {
        %add3A_576 = arith.constant 6 : i32
        %add3A_577 = arith.addi %scan3A_486, %add3A_576 : i32
        %add3A_578 = arith.constant 6 : i32
        %add3A_579 = arith.addi %scan3A_486, %add3A_578 : i32
        %rem3A_580 = arith.constant 8 : i32
        %rem3A_581 = arith.remsi %add3A_579, %rem3A_580 : i32
        %mul3A_582 = arith.constant 56 : i32
        %mul3A_583 = arith.muli %add3A_577, %mul3A_582 : i32
        %add3A_584 = arith.addi %mul3A_6, %mul3A_583 : i32
        %dma_start3A_585 = arith.constant 0 : i32
        %dma_start3A_586 = tpu.memref_slice %arg7[%rem3A_581, %dma_start3A_585] : memref<8x56xi32, #tpu.memory_space<vmem>> -> memref<1x56xi32, #tpu.memory_space<vmem>>
        %dma_start3A_587 = tpu.memref_squeeze %dma_start3A_586 : memref<1x56xi32, #tpu.memory_space<vmem>> -> memref<56xi32, #tpu.memory_space<vmem>>
        %dma_start3A_588 = tpu.memref_slice %arg3[%add3A_584] : memref<320768xi32, #tpu.memory_space<hbm>> -> memref<56xi32, #tpu.memory_space<hbm>>
        %dma_start3A_589 = tpu.memref_slice %arg11[%rem3A_581] : memref<8x!tpu.dma_semaphore, #tpu.memory_space<semaphore_mem>> -> memref<1x!tpu.dma_semaphore, #tpu.memory_space<semaphore_mem>>
        %dma_start3A_590 = tpu.memref_squeeze %dma_start3A_589 : memref<1x!tpu.dma_semaphore, #tpu.memory_space<semaphore_mem>> -> memref<!tpu.dma_semaphore, #tpu.memory_space<semaphore_mem>>
        %dma_start3A_591 = arith.constant 0 : i32
        %dma_start3A_592 = tpu.memref_slice %arg7[%rem3A_581, %dma_start3A_591] : memref<8x56xi32, #tpu.memory_space<vmem>> -> memref<1x56xi32, #tpu.memory_space<vmem>>
        %dma_start3A_593 = tpu.memref_squeeze %dma_start3A_592 : memref<1x56xi32, #tpu.memory_space<vmem>> -> memref<56xi32, #tpu.memory_space<vmem>>
        %dma_start3A_594 = tpu.memref_slice %arg3[%add3A_584] : memref<320768xi32, #tpu.memory_space<hbm>> -> memref<56xi32, #tpu.memory_space<hbm>>
        tpu.enqueue_dma source(%dma_start3A_594 : memref<56xi32, #tpu.memory_space<hbm>>) target(%dma_start3A_593 : memref<56xi32, #tpu.memory_space<vmem>>) target_semaphore(%dma_start3A_590 : memref<!tpu.dma_semaphore, #tpu.memory_space<semaphore_mem>>)
        %dma_start3A_595 = arith.constant 0 : i32
        %dma_start3A_596 = tpu.memref_slice %arg8[%rem3A_581, %dma_start3A_595] : memref<8x56xi32, #tpu.memory_space<vmem>> -> memref<1x56xi32, #tpu.memory_space<vmem>>
        %dma_start3A_597 = tpu.memref_squeeze %dma_start3A_596 : memref<1x56xi32, #tpu.memory_space<vmem>> -> memref<56xi32, #tpu.memory_space<vmem>>
        %dma_start3A_598 = tpu.memref_slice %arg4[%add3A_584] : memref<320768xi32, #tpu.memory_space<hbm>> -> memref<56xi32, #tpu.memory_space<hbm>>
        %dma_start3A_599 = tpu.memref_slice %arg11[%rem3A_581] : memref<8x!tpu.dma_semaphore, #tpu.memory_space<semaphore_mem>> -> memref<1x!tpu.dma_semaphore, #tpu.memory_space<semaphore_mem>>
        %dma_start3A_600 = tpu.memref_squeeze %dma_start3A_599 : memref<1x!tpu.dma_semaphore, #tpu.memory_space<semaphore_mem>> -> memref<!tpu.dma_semaphore, #tpu.memory_space<semaphore_mem>>
        %dma_start3A_601 = arith.constant 0 : i32
        %dma_start3A_602 = tpu.memref_slice %arg8[%rem3A_581, %dma_start3A_601] : memref<8x56xi32, #tpu.memory_space<vmem>> -> memref<1x56xi32, #tpu.memory_space<vmem>>
        %dma_start3A_603 = tpu.memref_squeeze %dma_start3A_602 : memref<1x56xi32, #tpu.memory_space<vmem>> -> memref<56xi32, #tpu.memory_space<vmem>>
        %dma_start3A_604 = tpu.memref_slice %arg4[%add3A_584] : memref<320768xi32, #tpu.memory_space<hbm>> -> memref<56xi32, #tpu.memory_space<hbm>>
        tpu.enqueue_dma source(%dma_start3A_604 : memref<56xi32, #tpu.memory_space<hbm>>) target(%dma_start3A_603 : memref<56xi32, #tpu.memory_space<vmem>>) target_semaphore(%dma_start3A_600 : memref<!tpu.dma_semaphore, #tpu.memory_space<semaphore_mem>>)
      } else {
      }
      %add3A_499 = arith.constant 3 : i32
      %add3A_500 = arith.addi %scan3A_486, %add3A_499 : i32
      %add3A_501 = arith.constant 3 : i32
      %add3A_502 = arith.addi %scan3A_486, %add3A_501 : i32
      %rem3A_503 = arith.constant 8 : i32
      %rem3A_504 = arith.remsi %add3A_502, %rem3A_503 : i32
      %mul3A_505 = arith.constant 56 : i32
      %mul3A_506 = arith.muli %add3A_500, %mul3A_505 : i32
      %add3A_507 = arith.addi %mul3A_6, %mul3A_506 : i32
      %dma_wait3A_508 = arith.constant 0 : i32
      %dma_wait3A_509 = tpu.memref_slice %arg7[%rem3A_504, %dma_wait3A_508] : memref<8x56xi32, #tpu.memory_space<vmem>> -> memref<1x56xi32, #tpu.memory_space<vmem>>
      %dma_wait3A_510 = tpu.memref_squeeze %dma_wait3A_509 : memref<1x56xi32, #tpu.memory_space<vmem>> -> memref<56xi32, #tpu.memory_space<vmem>>
      %dma_wait3A_511 = tpu.memref_slice %arg3[%add3A_507] : memref<320768xi32, #tpu.memory_space<hbm>> -> memref<56xi32, #tpu.memory_space<hbm>>
      %dma_wait3A_512 = tpu.memref_slice %arg11[%rem3A_504] : memref<8x!tpu.dma_semaphore, #tpu.memory_space<semaphore_mem>> -> memref<1x!tpu.dma_semaphore, #tpu.memory_space<semaphore_mem>>
      %dma_wait3A_513 = tpu.memref_squeeze %dma_wait3A_512 : memref<1x!tpu.dma_semaphore, #tpu.memory_space<semaphore_mem>> -> memref<!tpu.dma_semaphore, #tpu.memory_space<semaphore_mem>>
      %dma_wait3A_514 = arith.constant 0 : i32
      %dma_wait3A_515 = tpu.memref_slice %arg7[%rem3A_504, %dma_wait3A_514] : memref<8x56xi32, #tpu.memory_space<vmem>> -> memref<1x56xi32, #tpu.memory_space<vmem>>
      %dma_wait3A_516 = tpu.memref_squeeze %dma_wait3A_515 : memref<1x56xi32, #tpu.memory_space<vmem>> -> memref<56xi32, #tpu.memory_space<vmem>>
      %dma_wait3A_517 = tpu.memref_slice %arg3[%add3A_507] : memref<320768xi32, #tpu.memory_space<hbm>> -> memref<56xi32, #tpu.memory_space<hbm>>
      tpu.wait_dma2 semaphore(%dma_wait3A_513 : memref<!tpu.dma_semaphore, #tpu.memory_space<semaphore_mem>>) src(%dma_wait3A_517 : memref<56xi32, #tpu.memory_space<hbm>>) dst(%dma_wait3A_516 : memref<56xi32, #tpu.memory_space<vmem>>)
      %dma_wait3A_518 = arith.constant 0 : i32
      %dma_wait3A_519 = tpu.memref_slice %arg8[%rem3A_504, %dma_wait3A_518] : memref<8x56xi32, #tpu.memory_space<vmem>> -> memref<1x56xi32, #tpu.memory_space<vmem>>
      %dma_wait3A_520 = tpu.memref_squeeze %dma_wait3A_519 : memref<1x56xi32, #tpu.memory_space<vmem>> -> memref<56xi32, #tpu.memory_space<vmem>>
      %dma_wait3A_521 = tpu.memref_slice %arg4[%add3A_507] : memref<320768xi32, #tpu.memory_space<hbm>> -> memref<56xi32, #tpu.memory_space<hbm>>
      %dma_wait3A_522 = tpu.memref_slice %arg11[%rem3A_504] : memref<8x!tpu.dma_semaphore, #tpu.memory_space<semaphore_mem>> -> memref<1x!tpu.dma_semaphore, #tpu.memory_space<semaphore_mem>>
      %dma_wait3A_523 = tpu.memref_squeeze %dma_wait3A_522 : memref<1x!tpu.dma_semaphore, #tpu.memory_space<semaphore_mem>> -> memref<!tpu.dma_semaphore, #tpu.memory_space<semaphore_mem>>
      %dma_wait3A_524 = arith.constant 0 : i32
      %dma_wait3A_525 = tpu.memref_slice %arg8[%rem3A_504, %dma_wait3A_524] : memref<8x56xi32, #tpu.memory_space<vmem>> -> memref<1x56xi32, #tpu.memory_space<vmem>>
      %dma_wait3A_526 = tpu.memref_squeeze %dma_wait3A_525 : memref<1x56xi32, #tpu.memory_space<vmem>> -> memref<56xi32, #tpu.memory_space<vmem>>
      %dma_wait3A_527 = tpu.memref_slice %arg4[%add3A_507] : memref<320768xi32, #tpu.memory_space<hbm>> -> memref<56xi32, #tpu.memory_space<hbm>>
      tpu.wait_dma2 semaphore(%dma_wait3A_523 : memref<!tpu.dma_semaphore, #tpu.memory_space<semaphore_mem>>) src(%dma_wait3A_527 : memref<56xi32, #tpu.memory_space<hbm>>) dst(%dma_wait3A_526 : memref<56xi32, #tpu.memory_space<vmem>>)
      %add3A_528 = arith.constant 3 : i32
      %add3A_529 = arith.addi %scan3A_486, %add3A_528 : i32
      %add3A_530 = arith.constant 3 : i32
      %add3A_531 = arith.addi %scan3A_486, %add3A_530 : i32
      %rem3A_532 = arith.constant 5 : i32
      %rem3A_533 = arith.remsi %add3A_531, %rem3A_532 : i32
      %rem3A_534 = arith.constant 8 : i32
      %rem3A_535 = arith.remsi %add3A_529, %rem3A_534 : i32
      %dma_start3A_536 = arith.constant 0 : i32
      %dma_start3A_537 = arith.constant 0 : i32
      %dma_start3A_538 = tpu.memref_slice %arg9[%rem3A_533, %dma_start3A_536, %dma_start3A_537] : memref<5x56x128xf32, #tpu.memory_space<vmem>> -> memref<1x56x128xf32, #tpu.memory_space<vmem>>
      %dma_start3A_539 = tpu.memref_squeeze %dma_start3A_538 : memref<1x56x128xf32, #tpu.memory_space<vmem>> -> memref<56x128xf32, #tpu.memory_space<vmem>>
      %dma_start3A_540 = arith.constant 0 : i32
      %dma_start3A_541 = tpu.memref_slice %arg7[%rem3A_535, %dma_start3A_540] : memref<8x56xi32, #tpu.memory_space<vmem>> -> memref<1x56xi32, #tpu.memory_space<vmem>>
      %dma_start3A_542 = tpu.memref_squeeze %dma_start3A_541 : memref<1x56xi32, #tpu.memory_space<vmem>> -> memref<56xi32, #tpu.memory_space<vmem>>
      %dma_start3A_543 = arith.constant 0 : i32
      %dma_start3A_544 = arith.constant 0 : i32
      %dma_start3A_545 = tpu.memref_slice %arg2[%dma_start3A_543, %dma_start3A_544] : memref<10000x128xf32, #tpu.memory_space<hbm>> -> memref<10000x128xf32, #tpu.memory_space<hbm>>
      %dma_start3A_546 = tpu.memref_slice %arg12[%rem3A_533] : memref<5x!tpu.dma_semaphore, #tpu.memory_space<semaphore_mem>> -> memref<1x!tpu.dma_semaphore, #tpu.memory_space<semaphore_mem>>
      %dma_start3A_547 = tpu.memref_squeeze %dma_start3A_546 : memref<1x!tpu.dma_semaphore, #tpu.memory_space<semaphore_mem>> -> memref<!tpu.dma_semaphore, #tpu.memory_space<semaphore_mem>>
      tpu.enqueue_indirect_dma source(%dma_start3A_545 : memref<10000x128xf32, #tpu.memory_space<hbm>>) target(%dma_start3A_539 : memref<56x128xf32, #tpu.memory_space<vmem>>) offsets(%dma_start3A_542 : memref<56xi32, #tpu.memory_space<vmem>>) semaphore(%dma_start3A_547 : memref<!tpu.dma_semaphore, #tpu.memory_space<semaphore_mem>>)
      %rem3A_548 = arith.constant 8 : i32
      %rem3A_549 = arith.remsi %scan3A_486, %rem3A_548 : i32
      %dma_wait3A_550 = arith.constant 0 : i32
      %dma_wait3A_551 = arith.constant 0 : i32
      %dma_wait3A_552 = tpu.memref_slice %arg9[%rem3A_488, %dma_wait3A_550, %dma_wait3A_551] : memref<5x56x128xf32, #tpu.memory_space<vmem>> -> memref<1x56x128xf32, #tpu.memory_space<vmem>>
      %dma_wait3A_553 = tpu.memref_squeeze %dma_wait3A_552 : memref<1x56x128xf32, #tpu.memory_space<vmem>> -> memref<56x128xf32, #tpu.memory_space<vmem>>
      %dma_wait3A_554 = arith.constant 0 : i32
      %dma_wait3A_555 = tpu.memref_slice %arg7[%rem3A_549, %dma_wait3A_554] : memref<8x56xi32, #tpu.memory_space<vmem>> -> memref<1x56xi32, #tpu.memory_space<vmem>>
      %dma_wait3A_556 = tpu.memref_squeeze %dma_wait3A_555 : memref<1x56xi32, #tpu.memory_space<vmem>> -> memref<56xi32, #tpu.memory_space<vmem>>
      %dma_wait3A_557 = arith.constant 0 : i32
      %dma_wait3A_558 = arith.constant 0 : i32
      %dma_wait3A_559 = tpu.memref_slice %arg2[%dma_wait3A_557, %dma_wait3A_558] : memref<10000x128xf32, #tpu.memory_space<hbm>> -> memref<10000x128xf32, #tpu.memory_space<hbm>>
      %dma_wait3A_560 = tpu.memref_slice %arg12[%rem3A_488] : memref<5x!tpu.dma_semaphore, #tpu.memory_space<semaphore_mem>> -> memref<1x!tpu.dma_semaphore, #tpu.memory_space<semaphore_mem>>
      %dma_wait3A_561 = tpu.memref_squeeze %dma_wait3A_560 : memref<1x!tpu.dma_semaphore, #tpu.memory_space<semaphore_mem>> -> memref<!tpu.dma_semaphore, #tpu.memory_space<semaphore_mem>>
      tpu.wait_indirect_dma semaphore(%dma_wait3A_561 : memref<!tpu.dma_semaphore, #tpu.memory_space<semaphore_mem>>) src(%dma_wait3A_559 : memref<10000x128xf32, #tpu.memory_space<hbm>>) dst(%dma_wait3A_553 : memref<56x128xf32, #tpu.memory_space<vmem>>)
      %rem3A_562 = arith.constant 8 : i32
      %rem3A_563 = arith.remsi %scan3A_486, %rem3A_562 : i32
      %dma_start3A_564 = arith.constant 0 : i32
      %dma_start3A_565 = arith.constant 0 : i32
      %dma_start3A_566 = tpu.memref_slice %arg9[%rem3A_488, %dma_start3A_564, %dma_start3A_565] : memref<5x56x128xf32, #tpu.memory_space<vmem>> -> memref<1x56x128xf32, #tpu.memory_space<vmem>>
      %dma_start3A_567 = tpu.memref_squeeze %dma_start3A_566 : memref<1x56x128xf32, #tpu.memory_space<vmem>> -> memref<56x128xf32, #tpu.memory_space<vmem>>
      %dma_start3A_568 = arith.constant 0 : i32
      %dma_start3A_569 = tpu.memref_slice %arg8[%rem3A_563, %dma_start3A_568] : memref<8x56xi32, #tpu.memory_space<vmem>> -> memref<1x56xi32, #tpu.memory_space<vmem>>
      %dma_start3A_570 = tpu.memref_squeeze %dma_start3A_569 : memref<1x56xi32, #tpu.memory_space<vmem>> -> memref<56xi32, #tpu.memory_space<vmem>>
      %dma_start3A_571 = arith.constant 0 : i32
      %dma_start3A_572 = arith.constant 0 : i32
      %dma_start3A_573 = tpu.memref_slice %arg10[%dma_start3A_571, %dma_start3A_572] : memref<10008x128xf32, #tpu.memory_space<vmem_shared>> -> memref<10008x128xf32, #tpu.memory_space<vmem_shared>>
      %dma_start3A_574 = tpu.memref_slice %arg13[%rem3A_488] : memref<5x!tpu.dma_semaphore, #tpu.memory_space<semaphore_mem>> -> memref<1x!tpu.dma_semaphore, #tpu.memory_space<semaphore_mem>>
      %dma_start3A_575 = tpu.memref_squeeze %dma_start3A_574 : memref<1x!tpu.dma_semaphore, #tpu.memory_space<semaphore_mem>> -> memref<!tpu.dma_semaphore, #tpu.memory_space<semaphore_mem>>
      tpu.enqueue_indirect_dma source(%dma_start3A_567 : memref<56x128xf32, #tpu.memory_space<vmem>>) target(%dma_start3A_573 : memref<10008x128xf32, #tpu.memory_space<vmem_shared>>) offsets(%dma_start3A_570 : memref<56xi32, #tpu.memory_space<vmem>>) semaphore(%dma_start3A_575 : memref<!tpu.dma_semaphore, #tpu.memory_space<semaphore_mem>>) {add = true}
    }
    %scan3A_292 = arith.constant 176 : i32
    %rem3A_293 = arith.constant 174 : i32
    %rem3A_294 = arith.constant 8 : i32
    %rem3A_295 = arith.remsi %rem3A_293, %rem3A_294 : i32
    %dma_wait3A_296 = arith.constant 4 : i32
    %dma_wait3A_297 = arith.constant 4 : i32
    %dma_wait3A_298 = arith.constant 0 : i32
    %dma_wait3A_299 = arith.constant 0 : i32
    %dma_wait3A_300 = tpu.memref_slice %arg9[%dma_wait3A_296, %dma_wait3A_298, %dma_wait3A_299] : memref<5x56x128xf32, #tpu.memory_space<vmem>> -> memref<1x56x128xf32, #tpu.memory_space<vmem>>
    %dma_wait3A_301 = tpu.memref_squeeze %dma_wait3A_300 : memref<1x56x128xf32, #tpu.memory_space<vmem>> -> memref<56x128xf32, #tpu.memory_space<vmem>>
    %dma_wait3A_302 = arith.constant 0 : i32
    %dma_wait3A_303 = tpu.memref_slice %arg8[%rem3A_295, %dma_wait3A_302] : memref<8x56xi32, #tpu.memory_space<vmem>> -> memref<1x56xi32, #tpu.memory_space<vmem>>
    %dma_wait3A_304 = tpu.memref_squeeze %dma_wait3A_303 : memref<1x56xi32, #tpu.memory_space<vmem>> -> memref<56xi32, #tpu.memory_space<vmem>>
    %dma_wait3A_305 = arith.constant 0 : i32
    %dma_wait3A_306 = arith.constant 0 : i32
    %dma_wait3A_307 = tpu.memref_slice %arg10[%dma_wait3A_305, %dma_wait3A_306] : memref<10008x128xf32, #tpu.memory_space<vmem_shared>> -> memref<10008x128xf32, #tpu.memory_space<vmem_shared>>
    %dma_wait3A_308 = tpu.memref_slice %arg13[%dma_wait3A_297] : memref<5x!tpu.dma_semaphore, #tpu.memory_space<semaphore_mem>> -> memref<1x!tpu.dma_semaphore, #tpu.memory_space<semaphore_mem>>
    %dma_wait3A_309 = tpu.memref_squeeze %dma_wait3A_308 : memref<1x!tpu.dma_semaphore, #tpu.memory_space<semaphore_mem>> -> memref<!tpu.dma_semaphore, #tpu.memory_space<semaphore_mem>>
    tpu.wait_indirect_dma semaphore(%dma_wait3A_309 : memref<!tpu.dma_semaphore, #tpu.memory_space<semaphore_mem>>) src(%dma_wait3A_301 : memref<56x128xf32, #tpu.memory_space<vmem>>) dst(%dma_wait3A_307 : memref<10008x128xf32, #tpu.memory_space<vmem_shared>>)
    %rem3A_310 = arith.constant 176 : i32
    %rem3A_311 = arith.constant 8 : i32
    %rem3A_312 = arith.remsi %rem3A_310, %rem3A_311 : i32
    %dma_wait3A_313 = arith.constant 1 : i32
    %dma_wait3A_314 = arith.constant 1 : i32
    %dma_wait3A_315 = arith.constant 0 : i32
    %dma_wait3A_316 = arith.constant 0 : i32
    %dma_wait3A_317 = tpu.memref_slice %arg9[%dma_wait3A_313, %dma_wait3A_315, %dma_wait3A_316] : memref<5x56x128xf32, #tpu.memory_space<vmem>> -> memref<1x56x128xf32, #tpu.memory_space<vmem>>
    %dma_wait3A_318 = tpu.memref_squeeze %dma_wait3A_317 : memref<1x56x128xf32, #tpu.memory_space<vmem>> -> memref<56x128xf32, #tpu.memory_space<vmem>>
    %dma_wait3A_319 = arith.constant 0 : i32
    %dma_wait3A_320 = tpu.memref_slice %arg7[%rem3A_312, %dma_wait3A_319] : memref<8x56xi32, #tpu.memory_space<vmem>> -> memref<1x56xi32, #tpu.memory_space<vmem>>
    %dma_wait3A_321 = tpu.memref_squeeze %dma_wait3A_320 : memref<1x56xi32, #tpu.memory_space<vmem>> -> memref<56xi32, #tpu.memory_space<vmem>>
    %dma_wait3A_322 = arith.constant 0 : i32
    %dma_wait3A_323 = arith.constant 0 : i32
    %dma_wait3A_324 = tpu.memref_slice %arg2[%dma_wait3A_322, %dma_wait3A_323] : memref<10000x128xf32, #tpu.memory_space<hbm>> -> memref<10000x128xf32, #tpu.memory_space<hbm>>
    %dma_wait3A_325 = tpu.memref_slice %arg12[%dma_wait3A_314] : memref<5x!tpu.dma_semaphore, #tpu.memory_space<semaphore_mem>> -> memref<1x!tpu.dma_semaphore, #tpu.memory_space<semaphore_mem>>
    %dma_wait3A_326 = tpu.memref_squeeze %dma_wait3A_325 : memref<1x!tpu.dma_semaphore, #tpu.memory_space<semaphore_mem>> -> memref<!tpu.dma_semaphore, #tpu.memory_space<semaphore_mem>>
    tpu.wait_indirect_dma semaphore(%dma_wait3A_326 : memref<!tpu.dma_semaphore, #tpu.memory_space<semaphore_mem>>) src(%dma_wait3A_324 : memref<10000x128xf32, #tpu.memory_space<hbm>>) dst(%dma_wait3A_318 : memref<56x128xf32, #tpu.memory_space<vmem>>)
    %rem3A_327 = arith.constant 176 : i32
    %rem3A_328 = arith.constant 8 : i32
    %rem3A_329 = arith.remsi %rem3A_327, %rem3A_328 : i32
    %dma_start3A_330 = arith.constant 1 : i32
    %dma_start3A_331 = arith.constant 1 : i32
    %dma_start3A_332 = arith.constant 0 : i32
    %dma_start3A_333 = arith.constant 0 : i32
    %dma_start3A_334 = tpu.memref_slice %arg9[%dma_start3A_330, %dma_start3A_332, %dma_start3A_333] : memref<5x56x128xf32, #tpu.memory_space<vmem>> -> memref<1x56x128xf32, #tpu.memory_space<vmem>>
    %dma_start3A_335 = tpu.memref_squeeze %dma_start3A_334 : memref<1x56x128xf32, #tpu.memory_space<vmem>> -> memref<56x128xf32, #tpu.memory_space<vmem>>
    %dma_start3A_336 = arith.constant 0 : i32
    %dma_start3A_337 = tpu.memref_slice %arg8[%rem3A_329, %dma_start3A_336] : memref<8x56xi32, #tpu.memory_space<vmem>> -> memref<1x56xi32, #tpu.memory_space<vmem>>
    %dma_start3A_338 = tpu.memref_squeeze %dma_start3A_337 : memref<1x56xi32, #tpu.memory_space<vmem>> -> memref<56xi32, #tpu.memory_space<vmem>>
    %dma_start3A_339 = arith.constant 0 : i32
    %dma_start3A_340 = arith.constant 0 : i32
    %dma_start3A_341 = tpu.memref_slice %arg10[%dma_start3A_339, %dma_start3A_340] : memref<10008x128xf32, #tpu.memory_space<vmem_shared>> -> memref<10008x128xf32, #tpu.memory_space<vmem_shared>>
    %dma_start3A_342 = tpu.memref_slice %arg13[%dma_start3A_331] : memref<5x!tpu.dma_semaphore, #tpu.memory_space<semaphore_mem>> -> memref<1x!tpu.dma_semaphore, #tpu.memory_space<semaphore_mem>>
    %dma_start3A_343 = tpu.memref_squeeze %dma_start3A_342 : memref<1x!tpu.dma_semaphore, #tpu.memory_space<semaphore_mem>> -> memref<!tpu.dma_semaphore, #tpu.memory_space<semaphore_mem>>
    tpu.enqueue_indirect_dma source(%dma_start3A_335 : memref<56x128xf32, #tpu.memory_space<vmem>>) target(%dma_start3A_341 : memref<10008x128xf32, #tpu.memory_space<vmem_shared>>) offsets(%dma_start3A_338 : memref<56xi32, #tpu.memory_space<vmem>>) semaphore(%dma_start3A_343 : memref<!tpu.dma_semaphore, #tpu.memory_space<semaphore_mem>>) {add = true}
    %rem3A_344 = arith.constant 175 : i32
    %rem3A_345 = arith.constant 8 : i32
    %rem3A_346 = arith.remsi %rem3A_344, %rem3A_345 : i32
    %dma_wait3A_347 = arith.constant 0 : i32
    %dma_wait3A_348 = arith.constant 0 : i32
    %dma_wait3A_349 = arith.constant 0 : i32
    %dma_wait3A_350 = arith.constant 0 : i32
    %dma_wait3A_351 = tpu.memref_slice %arg9[%dma_wait3A_347, %dma_wait3A_349, %dma_wait3A_350] : memref<5x56x128xf32, #tpu.memory_space<vmem>> -> memref<1x56x128xf32, #tpu.memory_space<vmem>>
    %dma_wait3A_352 = tpu.memref_squeeze %dma_wait3A_351 : memref<1x56x128xf32, #tpu.memory_space<vmem>> -> memref<56x128xf32, #tpu.memory_space<vmem>>
    %dma_wait3A_353 = arith.constant 0 : i32
    %dma_wait3A_354 = tpu.memref_slice %arg8[%rem3A_346, %dma_wait3A_353] : memref<8x56xi32, #tpu.memory_space<vmem>> -> memref<1x56xi32, #tpu.memory_space<vmem>>
    %dma_wait3A_355 = tpu.memref_squeeze %dma_wait3A_354 : memref<1x56xi32, #tpu.memory_space<vmem>> -> memref<56xi32, #tpu.memory_space<vmem>>
    %dma_wait3A_356 = arith.constant 0 : i32
    %dma_wait3A_357 = arith.constant 0 : i32
    %dma_wait3A_358 = tpu.memref_slice %arg10[%dma_wait3A_356, %dma_wait3A_357] : memref<10008x128xf32, #tpu.memory_space<vmem_shared>> -> memref<10008x128xf32, #tpu.memory_space<vmem_shared>>
    %dma_wait3A_359 = tpu.memref_slice %arg13[%dma_wait3A_348] : memref<5x!tpu.dma_semaphore, #tpu.memory_space<semaphore_mem>> -> memref<1x!tpu.dma_semaphore, #tpu.memory_space<semaphore_mem>>
    %dma_wait3A_360 = tpu.memref_squeeze %dma_wait3A_359 : memref<1x!tpu.dma_semaphore, #tpu.memory_space<semaphore_mem>> -> memref<!tpu.dma_semaphore, #tpu.memory_space<semaphore_mem>>
    tpu.wait_indirect_dma semaphore(%dma_wait3A_360 : memref<!tpu.dma_semaphore, #tpu.memory_space<semaphore_mem>>) src(%dma_wait3A_352 : memref<56x128xf32, #tpu.memory_space<vmem>>) dst(%dma_wait3A_358 : memref<10008x128xf32, #tpu.memory_space<vmem_shared>>)
    %rem3A_361 = arith.constant 177 : i32
    %rem3A_362 = arith.constant 8 : i32
    %rem3A_363 = arith.remsi %rem3A_361, %rem3A_362 : i32
    %dma_wait3A_364 = arith.constant 2 : i32
    %dma_wait3A_365 = arith.constant 2 : i32
    %dma_wait3A_366 = arith.constant 0 : i32
    %dma_wait3A_367 = arith.constant 0 : i32
    %dma_wait3A_368 = tpu.memref_slice %arg9[%dma_wait3A_364, %dma_wait3A_366, %dma_wait3A_367] : memref<5x56x128xf32, #tpu.memory_space<vmem>> -> memref<1x56x128xf32, #tpu.memory_space<vmem>>
    %dma_wait3A_369 = tpu.memref_squeeze %dma_wait3A_368 : memref<1x56x128xf32, #tpu.memory_space<vmem>> -> memref<56x128xf32, #tpu.memory_space<vmem>>
    %dma_wait3A_370 = arith.constant 0 : i32
    %dma_wait3A_371 = tpu.memref_slice %arg7[%rem3A_363, %dma_wait3A_370] : memref<8x56xi32, #tpu.memory_space<vmem>> -> memref<1x56xi32, #tpu.memory_space<vmem>>
    %dma_wait3A_372 = tpu.memref_squeeze %dma_wait3A_371 : memref<1x56xi32, #tpu.memory_space<vmem>> -> memref<56xi32, #tpu.memory_space<vmem>>
    %dma_wait3A_373 = arith.constant 0 : i32
    %dma_wait3A_374 = arith.constant 0 : i32
    %dma_wait3A_375 = tpu.memref_slice %arg2[%dma_wait3A_373, %dma_wait3A_374] : memref<10000x128xf32, #tpu.memory_space<hbm>> -> memref<10000x128xf32, #tpu.memory_space<hbm>>
    %dma_wait3A_376 = tpu.memref_slice %arg12[%dma_wait3A_365] : memref<5x!tpu.dma_semaphore, #tpu.memory_space<semaphore_mem>> -> memref<1x!tpu.dma_semaphore, #tpu.memory_space<semaphore_mem>>
    %dma_wait3A_377 = tpu.memref_squeeze %dma_wait3A_376 : memref<1x!tpu.dma_semaphore, #tpu.memory_space<semaphore_mem>> -> memref<!tpu.dma_semaphore, #tpu.memory_space<semaphore_mem>>
    tpu.wait_indirect_dma semaphore(%dma_wait3A_377 : memref<!tpu.dma_semaphore, #tpu.memory_space<semaphore_mem>>) src(%dma_wait3A_375 : memref<10000x128xf32, #tpu.memory_space<hbm>>) dst(%dma_wait3A_369 : memref<56x128xf32, #tpu.memory_space<vmem>>)
    %rem3A_378 = arith.constant 177 : i32
    %rem3A_379 = arith.constant 8 : i32
    %rem3A_380 = arith.remsi %rem3A_378, %rem3A_379 : i32
    %dma_start3A_381 = arith.constant 2 : i32
    %dma_start3A_382 = arith.constant 2 : i32
    %dma_start3A_383 = arith.constant 0 : i32
    %dma_start3A_384 = arith.constant 0 : i32
    %dma_start3A_385 = tpu.memref_slice %arg9[%dma_start3A_381, %dma_start3A_383, %dma_start3A_384] : memref<5x56x128xf32, #tpu.memory_space<vmem>> -> memref<1x56x128xf32, #tpu.memory_space<vmem>>
    %dma_start3A_386 = tpu.memref_squeeze %dma_start3A_385 : memref<1x56x128xf32, #tpu.memory_space<vmem>> -> memref<56x128xf32, #tpu.memory_space<vmem>>
    %dma_start3A_387 = arith.constant 0 : i32
    %dma_start3A_388 = tpu.memref_slice %arg8[%rem3A_380, %dma_start3A_387] : memref<8x56xi32, #tpu.memory_space<vmem>> -> memref<1x56xi32, #tpu.memory_space<vmem>>
    %dma_start3A_389 = tpu.memref_squeeze %dma_start3A_388 : memref<1x56xi32, #tpu.memory_space<vmem>> -> memref<56xi32, #tpu.memory_space<vmem>>
    %dma_start3A_390 = arith.constant 0 : i32
    %dma_start3A_391 = arith.constant 0 : i32
    %dma_start3A_392 = tpu.memref_slice %arg10[%dma_start3A_390, %dma_start3A_391] : memref<10008x128xf32, #tpu.memory_space<vmem_shared>> -> memref<10008x128xf32, #tpu.memory_space<vmem_shared>>
    %dma_start3A_393 = tpu.memref_slice %arg13[%dma_start3A_382] : memref<5x!tpu.dma_semaphore, #tpu.memory_space<semaphore_mem>> -> memref<1x!tpu.dma_semaphore, #tpu.memory_space<semaphore_mem>>
    %dma_start3A_394 = tpu.memref_squeeze %dma_start3A_393 : memref<1x!tpu.dma_semaphore, #tpu.memory_space<semaphore_mem>> -> memref<!tpu.dma_semaphore, #tpu.memory_space<semaphore_mem>>
    tpu.enqueue_indirect_dma source(%dma_start3A_386 : memref<56x128xf32, #tpu.memory_space<vmem>>) target(%dma_start3A_392 : memref<10008x128xf32, #tpu.memory_space<vmem_shared>>) offsets(%dma_start3A_389 : memref<56xi32, #tpu.memory_space<vmem>>) semaphore(%dma_start3A_394 : memref<!tpu.dma_semaphore, #tpu.memory_space<semaphore_mem>>) {add = true}
    %rem3A_395 = arith.constant 176 : i32
    %rem3A_396 = arith.constant 8 : i32
    %rem3A_397 = arith.remsi %rem3A_395, %rem3A_396 : i32
    %dma_wait3A_398 = arith.constant 1 : i32
    %dma_wait3A_399 = arith.constant 1 : i32
    %dma_wait3A_400 = arith.constant 0 : i32
    %dma_wait3A_401 = arith.constant 0 : i32
    %dma_wait3A_402 = tpu.memref_slice %arg9[%dma_wait3A_398, %dma_wait3A_400, %dma_wait3A_401] : memref<5x56x128xf32, #tpu.memory_space<vmem>> -> memref<1x56x128xf32, #tpu.memory_space<vmem>>
    %dma_wait3A_403 = tpu.memref_squeeze %dma_wait3A_402 : memref<1x56x128xf32, #tpu.memory_space<vmem>> -> memref<56x128xf32, #tpu.memory_space<vmem>>
    %dma_wait3A_404 = arith.constant 0 : i32
    %dma_wait3A_405 = tpu.memref_slice %arg8[%rem3A_397, %dma_wait3A_404] : memref<8x56xi32, #tpu.memory_space<vmem>> -> memref<1x56xi32, #tpu.memory_space<vmem>>
    %dma_wait3A_406 = tpu.memref_squeeze %dma_wait3A_405 : memref<1x56xi32, #tpu.memory_space<vmem>> -> memref<56xi32, #tpu.memory_space<vmem>>
    %dma_wait3A_407 = arith.constant 0 : i32
    %dma_wait3A_408 = arith.constant 0 : i32
    %dma_wait3A_409 = tpu.memref_slice %arg10[%dma_wait3A_407, %dma_wait3A_408] : memref<10008x128xf32, #tpu.memory_space<vmem_shared>> -> memref<10008x128xf32, #tpu.memory_space<vmem_shared>>
    %dma_wait3A_410 = tpu.memref_slice %arg13[%dma_wait3A_399] : memref<5x!tpu.dma_semaphore, #tpu.memory_space<semaphore_mem>> -> memref<1x!tpu.dma_semaphore, #tpu.memory_space<semaphore_mem>>
    %dma_wait3A_411 = tpu.memref_squeeze %dma_wait3A_410 : memref<1x!tpu.dma_semaphore, #tpu.memory_space<semaphore_mem>> -> memref<!tpu.dma_semaphore, #tpu.memory_space<semaphore_mem>>
    tpu.wait_indirect_dma semaphore(%dma_wait3A_411 : memref<!tpu.dma_semaphore, #tpu.memory_space<semaphore_mem>>) src(%dma_wait3A_403 : memref<56x128xf32, #tpu.memory_space<vmem>>) dst(%dma_wait3A_409 : memref<10008x128xf32, #tpu.memory_space<vmem_shared>>)
    %rem3A_412 = arith.constant 178 : i32
    %rem3A_413 = arith.constant 8 : i32
    %rem3A_414 = arith.remsi %rem3A_412, %rem3A_413 : i32
    %dma_wait3A_415 = arith.constant 3 : i32
    %dma_wait3A_416 = arith.constant 3 : i32
    %dma_wait3A_417 = arith.constant 0 : i32
    %dma_wait3A_418 = arith.constant 0 : i32
    %dma_wait3A_419 = tpu.memref_slice %arg9[%dma_wait3A_415, %dma_wait3A_417, %dma_wait3A_418] : memref<5x56x128xf32, #tpu.memory_space<vmem>> -> memref<1x56x128xf32, #tpu.memory_space<vmem>>
    %dma_wait3A_420 = tpu.memref_squeeze %dma_wait3A_419 : memref<1x56x128xf32, #tpu.memory_space<vmem>> -> memref<56x128xf32, #tpu.memory_space<vmem>>
    %dma_wait3A_421 = arith.constant 0 : i32
    %dma_wait3A_422 = tpu.memref_slice %arg7[%rem3A_414, %dma_wait3A_421] : memref<8x56xi32, #tpu.memory_space<vmem>> -> memref<1x56xi32, #tpu.memory_space<vmem>>
    %dma_wait3A_423 = tpu.memref_squeeze %dma_wait3A_422 : memref<1x56xi32, #tpu.memory_space<vmem>> -> memref<56xi32, #tpu.memory_space<vmem>>
    %dma_wait3A_424 = arith.constant 0 : i32
    %dma_wait3A_425 = arith.constant 0 : i32
    %dma_wait3A_426 = tpu.memref_slice %arg2[%dma_wait3A_424, %dma_wait3A_425] : memref<10000x128xf32, #tpu.memory_space<hbm>> -> memref<10000x128xf32, #tpu.memory_space<hbm>>
    %dma_wait3A_427 = tpu.memref_slice %arg12[%dma_wait3A_416] : memref<5x!tpu.dma_semaphore, #tpu.memory_space<semaphore_mem>> -> memref<1x!tpu.dma_semaphore, #tpu.memory_space<semaphore_mem>>
    %dma_wait3A_428 = tpu.memref_squeeze %dma_wait3A_427 : memref<1x!tpu.dma_semaphore, #tpu.memory_space<semaphore_mem>> -> memref<!tpu.dma_semaphore, #tpu.memory_space<semaphore_mem>>
    tpu.wait_indirect_dma semaphore(%dma_wait3A_428 : memref<!tpu.dma_semaphore, #tpu.memory_space<semaphore_mem>>) src(%dma_wait3A_426 : memref<10000x128xf32, #tpu.memory_space<hbm>>) dst(%dma_wait3A_420 : memref<56x128xf32, #tpu.memory_space<vmem>>)
    %rem3A_429 = arith.constant 178 : i32
    %rem3A_430 = arith.constant 8 : i32
    %rem3A_431 = arith.remsi %rem3A_429, %rem3A_430 : i32
    %dma_start3A_432 = arith.constant 3 : i32
    %dma_start3A_433 = arith.constant 3 : i32
    %dma_start3A_434 = arith.constant 0 : i32
    %dma_start3A_435 = arith.constant 0 : i32
    %dma_start3A_436 = tpu.memref_slice %arg9[%dma_start3A_432, %dma_start3A_434, %dma_start3A_435] : memref<5x56x128xf32, #tpu.memory_space<vmem>> -> memref<1x56x128xf32, #tpu.memory_space<vmem>>
    %dma_start3A_437 = tpu.memref_squeeze %dma_start3A_436 : memref<1x56x128xf32, #tpu.memory_space<vmem>> -> memref<56x128xf32, #tpu.memory_space<vmem>>
    %dma_start3A_438 = arith.constant 0 : i32
    %dma_start3A_439 = tpu.memref_slice %arg8[%rem3A_431, %dma_start3A_438] : memref<8x56xi32, #tpu.memory_space<vmem>> -> memref<1x56xi32, #tpu.memory_space<vmem>>
    %dma_start3A_440 = tpu.memref_squeeze %dma_start3A_439 : memref<1x56xi32, #tpu.memory_space<vmem>> -> memref<56xi32, #tpu.memory_space<vmem>>
    %dma_start3A_441 = arith.constant 0 : i32
    %dma_start3A_442 = arith.constant 0 : i32
    %dma_start3A_443 = tpu.memref_slice %arg10[%dma_start3A_441, %dma_start3A_442] : memref<10008x128xf32, #tpu.memory_space<vmem_shared>> -> memref<10008x128xf32, #tpu.memory_space<vmem_shared>>
    %dma_start3A_444 = tpu.memref_slice %arg13[%dma_start3A_433] : memref<5x!tpu.dma_semaphore, #tpu.memory_space<semaphore_mem>> -> memref<1x!tpu.dma_semaphore, #tpu.memory_space<semaphore_mem>>
    %dma_start3A_445 = tpu.memref_squeeze %dma_start3A_444 : memref<1x!tpu.dma_semaphore, #tpu.memory_space<semaphore_mem>> -> memref<!tpu.dma_semaphore, #tpu.memory_space<semaphore_mem>>
    tpu.enqueue_indirect_dma source(%dma_start3A_437 : memref<56x128xf32, #tpu.memory_space<vmem>>) target(%dma_start3A_443 : memref<10008x128xf32, #tpu.memory_space<vmem_shared>>) offsets(%dma_start3A_440 : memref<56xi32, #tpu.memory_space<vmem>>) semaphore(%dma_start3A_445 : memref<!tpu.dma_semaphore, #tpu.memory_space<semaphore_mem>>) {add = true}
    %rem3A_446 = arith.constant 177 : i32
    %rem3A_447 = arith.constant 8 : i32
    %rem3A_448 = arith.remsi %rem3A_446, %rem3A_447 : i32
    %dma_wait3A_449 = arith.constant 2 : i32
    %dma_wait3A_450 = arith.constant 2 : i32
    %dma_wait3A_451 = arith.constant 0 : i32
    %dma_wait3A_452 = arith.constant 0 : i32
    %dma_wait3A_453 = tpu.memref_slice %arg9[%dma_wait3A_449, %dma_wait3A_451, %dma_wait3A_452] : memref<5x56x128xf32, #tpu.memory_space<vmem>> -> memref<1x56x128xf32, #tpu.memory_space<vmem>>
    %dma_wait3A_454 = tpu.memref_squeeze %dma_wait3A_453 : memref<1x56x128xf32, #tpu.memory_space<vmem>> -> memref<56x128xf32, #tpu.memory_space<vmem>>
    %dma_wait3A_455 = arith.constant 0 : i32
    %dma_wait3A_456 = tpu.memref_slice %arg8[%rem3A_448, %dma_wait3A_455] : memref<8x56xi32, #tpu.memory_space<vmem>> -> memref<1x56xi32, #tpu.memory_space<vmem>>
    %dma_wait3A_457 = tpu.memref_squeeze %dma_wait3A_456 : memref<1x56xi32, #tpu.memory_space<vmem>> -> memref<56xi32, #tpu.memory_space<vmem>>
    %dma_wait3A_458 = arith.constant 0 : i32
    %dma_wait3A_459 = arith.constant 0 : i32
    %dma_wait3A_460 = tpu.memref_slice %arg10[%dma_wait3A_458, %dma_wait3A_459] : memref<10008x128xf32, #tpu.memory_space<vmem_shared>> -> memref<10008x128xf32, #tpu.memory_space<vmem_shared>>
    %dma_wait3A_461 = tpu.memref_slice %arg13[%dma_wait3A_450] : memref<5x!tpu.dma_semaphore, #tpu.memory_space<semaphore_mem>> -> memref<1x!tpu.dma_semaphore, #tpu.memory_space<semaphore_mem>>
    %dma_wait3A_462 = tpu.memref_squeeze %dma_wait3A_461 : memref<1x!tpu.dma_semaphore, #tpu.memory_space<semaphore_mem>> -> memref<!tpu.dma_semaphore, #tpu.memory_space<semaphore_mem>>
    tpu.wait_indirect_dma semaphore(%dma_wait3A_462 : memref<!tpu.dma_semaphore, #tpu.memory_space<semaphore_mem>>) src(%dma_wait3A_454 : memref<56x128xf32, #tpu.memory_space<vmem>>) dst(%dma_wait3A_460 : memref<10008x128xf32, #tpu.memory_space<vmem_shared>>)
    %rem3A_463 = arith.constant 178 : i32
    %rem3A_464 = arith.constant 8 : i32
    %rem3A_465 = arith.remsi %rem3A_463, %rem3A_464 : i32
    %dma_wait3A_466 = arith.constant 3 : i32
    %dma_wait3A_467 = arith.constant 3 : i32
    %dma_wait3A_468 = arith.constant 0 : i32
    %dma_wait3A_469 = arith.constant 0 : i32
    %dma_wait3A_470 = tpu.memref_slice %arg9[%dma_wait3A_466, %dma_wait3A_468, %dma_wait3A_469] : memref<5x56x128xf32, #tpu.memory_space<vmem>> -> memref<1x56x128xf32, #tpu.memory_space<vmem>>
    %dma_wait3A_471 = tpu.memref_squeeze %dma_wait3A_470 : memref<1x56x128xf32, #tpu.memory_space<vmem>> -> memref<56x128xf32, #tpu.memory_space<vmem>>
    %dma_wait3A_472 = arith.constant 0 : i32
    %dma_wait3A_473 = tpu.memref_slice %arg8[%rem3A_465, %dma_wait3A_472] : memref<8x56xi32, #tpu.memory_space<vmem>> -> memref<1x56xi32, #tpu.memory_space<vmem>>
    %dma_wait3A_474 = tpu.memref_squeeze %dma_wait3A_473 : memref<1x56xi32, #tpu.memory_space<vmem>> -> memref<56xi32, #tpu.memory_space<vmem>>
    %dma_wait3A_475 = arith.constant 0 : i32
    %dma_wait3A_476 = arith.constant 0 : i32
    %dma_wait3A_477 = tpu.memref_slice %arg10[%dma_wait3A_475, %dma_wait3A_476] : memref<10008x128xf32, #tpu.memory_space<vmem_shared>> -> memref<10008x128xf32, #tpu.memory_space<vmem_shared>>
    %dma_wait3A_478 = tpu.memref_slice %arg13[%dma_wait3A_467] : memref<5x!tpu.dma_semaphore, #tpu.memory_space<semaphore_mem>> -> memref<1x!tpu.dma_semaphore, #tpu.memory_space<semaphore_mem>>
    %dma_wait3A_479 = tpu.memref_squeeze %dma_wait3A_478 : memref<1x!tpu.dma_semaphore, #tpu.memory_space<semaphore_mem>> -> memref<!tpu.dma_semaphore, #tpu.memory_space<semaphore_mem>>
    tpu.wait_indirect_dma semaphore(%dma_wait3A_479 : memref<!tpu.dma_semaphore, #tpu.memory_space<semaphore_mem>>) src(%dma_wait3A_471 : memref<56x128xf32, #tpu.memory_space<vmem>>) dst(%dma_wait3A_477 : memref<10008x128xf32, #tpu.memory_space<vmem_shared>>)
    %barrier3A_480 = arith.constant 0 : index
    tpu.barrier barrier_id(%barrier3A_480)
    "tpu.region"() ({
      %run_scoped3A = tpu.sem_alloc : memref<!tpu.dma_semaphore, #tpu.memory_space<semaphore_mem>>
      %dma_start3A_486 = arith.constant 0 : i32
      %dma_start3A_487 = tpu.memref_slice %arg6[%arg0, %mul3A_2, %dma_start3A_486] : memref<2x10000x128xf32, #tpu.memory_space<hbm>> -> memref<1x624x128xf32, #tpu.memory_space<hbm>>
      %dma_start3A_488 = tpu.memref_squeeze %dma_start3A_487 : memref<1x624x128xf32, #tpu.memory_space<hbm>> -> memref<624x128xf32, #tpu.memory_space<hbm>>
      %dma_start3A_489 = arith.constant 0 : i32
      %dma_start3A_490 = tpu.memref_slice %arg10[%mul3A_2, %dma_start3A_489] : memref<10008x128xf32, #tpu.memory_space<vmem_shared>> -> memref<624x128xf32, #tpu.memory_space<vmem_shared>>
      tpu.enqueue_dma source(%dma_start3A_490 : memref<624x128xf32, #tpu.memory_space<vmem_shared>>) target(%dma_start3A_488 : memref<624x128xf32, #tpu.memory_space<hbm>>) target_semaphore(%run_scoped3A : memref<!tpu.dma_semaphore, #tpu.memory_space<semaphore_mem>>)
      %dma_wait3A_491 = arith.constant 0 : i32
      %dma_wait3A_492 = tpu.memref_slice %arg6[%arg0, %mul3A_2, %dma_wait3A_491] : memref<2x10000x128xf32, #tpu.memory_space<hbm>> -> memref<1x624x128xf32, #tpu.memory_space<hbm>>
      %dma_wait3A_493 = tpu.memref_squeeze %dma_wait3A_492 : memref<1x624x128xf32, #tpu.memory_space<hbm>> -> memref<624x128xf32, #tpu.memory_space<hbm>>
      %dma_wait3A_494 = arith.constant 0 : i32
      %dma_wait3A_495 = tpu.memref_slice %arg10[%mul3A_2, %dma_wait3A_494] : memref<10008x128xf32, #tpu.memory_space<vmem_shared>> -> memref<624x128xf32, #tpu.memory_space<vmem_shared>>
      tpu.wait_dma2 semaphore(%run_scoped3A : memref<!tpu.dma_semaphore, #tpu.memory_space<semaphore_mem>>) src(%dma_wait3A_495 : memref<624x128xf32, #tpu.memory_space<vmem_shared>>) dst(%dma_wait3A_493 : memref<624x128xf32, #tpu.memory_space<hbm>>)
      tpu.yield
    }) : () -> ()
    %eq3A_481 = arith.constant 15 : i32
    %eq3A_482 = arith.cmpi eq, %arg1, %eq3A_481 : i32
    %convert_element_type3A_483 = arith.extui %eq3A_482 : i1 to i32
    %cond3A_484 = arith.constant 0 : i32
    %cond3A_485 = arith.cmpi ne, %convert_element_type3A_483, %cond3A_484 : i32
    scf.if %cond3A_485 {
      "tpu.region"() ({
        %run_scoped3A = tpu.sem_alloc : memref<!tpu.dma_semaphore, #tpu.memory_space<semaphore_mem>>
        %dma_start3A_486 = arith.constant 9984 : i32
        %dma_start3A_487 = arith.constant 0 : i32
        %dma_start3A_488 = tpu.memref_slice %arg6[%arg0, %dma_start3A_486, %dma_start3A_487] : memref<2x10000x128xf32, #tpu.memory_space<hbm>> -> memref<1x16x128xf32, #tpu.memory_space<hbm>>
        %dma_start3A_489 = tpu.memref_squeeze %dma_start3A_488 : memref<1x16x128xf32, #tpu.memory_space<hbm>> -> memref<16x128xf32, #tpu.memory_space<hbm>>
        %dma_start3A_490 = arith.constant 9984 : i32
        %dma_start3A_491 = arith.constant 0 : i32
        %dma_start3A_492 = tpu.memref_slice %arg10[%dma_start3A_490, %dma_start3A_491] : memref<10008x128xf32, #tpu.memory_space<vmem_shared>> -> memref<16x128xf32, #tpu.memory_space<vmem_shared>>
        tpu.enqueue_dma source(%dma_start3A_492 : memref<16x128xf32, #tpu.memory_space<vmem_shared>>) target(%dma_start3A_489 : memref<16x128xf32, #tpu.memory_space<hbm>>) target_semaphore(%run_scoped3A : memref<!tpu.dma_semaphore, #tpu.memory_space<semaphore_mem>>)
        %dma_wait3A_493 = arith.constant 9984 : i32
        %dma_wait3A_494 = arith.constant 0 : i32
        %dma_wait3A_495 = tpu.memref_slice %arg6[%arg0, %dma_wait3A_493, %dma_wait3A_494] : memref<2x10000x128xf32, #tpu.memory_space<hbm>> -> memref<1x16x128xf32, #tpu.memory_space<hbm>>
        %dma_wait3A_496 = tpu.memref_squeeze %dma_wait3A_495 : memref<1x16x128xf32, #tpu.memory_space<hbm>> -> memref<16x128xf32, #tpu.memory_space<hbm>>
        %dma_wait3A_497 = arith.constant 9984 : i32
        %dma_wait3A_498 = arith.constant 0 : i32
        %dma_wait3A_499 = tpu.memref_slice %arg10[%dma_wait3A_497, %dma_wait3A_498] : memref<10008x128xf32, #tpu.memory_space<vmem_shared>> -> memref<16x128xf32, #tpu.memory_space<vmem_shared>>
        tpu.wait_dma2 semaphore(%run_scoped3A : memref<!tpu.dma_semaphore, #tpu.memory_space<semaphore_mem>>) src(%dma_wait3A_499 : memref<16x128xf32, #tpu.memory_space<vmem_shared>>) dst(%dma_wait3A_496 : memref<16x128xf32, #tpu.memory_space<hbm>>)
        tpu.yield
      }) : () -> ()
    } else {
    }
    return
  }
}

module attributes {stable_mosaic.version = 14 : i64} {
  func.func @_combine_body(%arg0: i32, %arg1: memref<2x2000x128xf32, #tpu.memory_space<vmem>>, %arg2: memref<2000x128xf32, #tpu.memory_space<vmem>>) attributes {dimension_semantics = [#tpu.dimension_semantics<arbitrary>], iteration_bounds = array<i64: 5>, scalar_prefetch = 0 : i64, scratch_operands = 0 : i64, tpu.core_type = #tpu.core_type<tc>, window_params = [{transform_indices = @transform_0, window_bounds = array<i64: 2, 2000, 128>}, {transform_indices = @transform_1, window_bounds = array<i64: 2000, 128>}]} {
    %get3A = arith.constant 0 : index
    %get3A_0 = arith.constant 0 : index
    %get3A_1 = arith.constant 0 : index
    %get3A_2 = vector.load %arg1[%get3A, %get3A_0, %get3A_1] : memref<2x2000x128xf32, #tpu.memory_space<vmem>>, vector<1x2000x128xf32>
    %get3A_3 = vector.shape_cast %get3A_2 : vector<1x2000x128xf32> to vector<2000x128xf32>
    %get3A_4 = arith.constant 1 : index
    %get3A_5 = arith.constant 0 : index
    %get3A_6 = arith.constant 0 : index
    %get3A_7 = vector.load %arg1[%get3A_4, %get3A_5, %get3A_6] : memref<2x2000x128xf32, #tpu.memory_space<vmem>>, vector<1x2000x128xf32>
    %get3A_8 = vector.shape_cast %get3A_7 : vector<1x2000x128xf32> to vector<2000x128xf32>
    %add3A = arith.addf %get3A_3, %get3A_8 : vector<2000x128xf32>
    %max3A = arith.constant 0.000000e+00 : f32
    %max3A_9 = vector.broadcast %max3A : f32 to vector<2000x128xf32>
    %max3A_10 = arith.maximumf %add3A, %max3A_9 : vector<2000x128xf32>
    %swap3A = arith.constant 0 : index
    %swap3A_11 = arith.constant 0 : index
    %swap3A_12 = vector.load %arg2[%swap3A, %swap3A_11] : memref<2000x128xf32, #tpu.memory_space<vmem>>, vector<2000x128xf32>
    tpu.vector_store %arg2[%swap3A, %swap3A_11], %max3A_10 {strides = array<i32>} : memref<2000x128xf32, #tpu.memory_space<vmem>>, vector<2000x128xf32>,
    return
  }
  func.func @transform_0(%arg0: i32) -> (i32, i32, i32) {
    %c0_i32 = arith.constant 0 : i32
    %c0_i32_0 = arith.constant 0 : i32
    %c0_i32_1 = arith.constant 0 : i32
    return %c0_i32, %arg0, %c0_i32_0 : i32, i32, i32
  }
  func.func @transform_1(%arg0: i32) -> (i32, i32) {
    %c0_i32 = arith.constant 0 : i32
    %c0_i32_0 = arith.constant 0 : i32
    return %arg0, %c0_i32 : i32, i32
  }
}

module attributes {stable_mosaic.version = 14 : i64} {
  func.func @_combine_body(%arg0: i32, %arg1: memref<2x2000x128xf32, #tpu.memory_space<vmem>>, %arg2: memref<2000x128xf32, #tpu.memory_space<vmem>>) attributes {dimension_semantics = [#tpu.dimension_semantics<arbitrary>], iteration_bounds = array<i64: 5>, scalar_prefetch = 0 : i64, scratch_operands = 0 : i64, tpu.core_type = #tpu.core_type<tc>, window_params = [{transform_indices = @transform_0, window_bounds = array<i64: 2, 2000, 128>}, {transform_indices = @transform_1, window_bounds = array<i64: 2000, 128>}]} {
    %get3A = arith.constant 0 : index
    %get3A_0 = arith.constant 0 : index
    %get3A_1 = arith.constant 0 : index
    %get3A_2 = vector.load %arg1[%get3A, %get3A_0, %get3A_1] : memref<2x2000x128xf32, #tpu.memory_space<vmem>>, vector<1x2000x128xf32>
    %get3A_3 = vector.shape_cast %get3A_2 : vector<1x2000x128xf32> to vector<2000x128xf32>
    %get3A_4 = arith.constant 1 : index
    %get3A_5 = arith.constant 0 : index
    %get3A_6 = arith.constant 0 : index
    %get3A_7 = vector.load %arg1[%get3A_4, %get3A_5, %get3A_6] : memref<2x2000x128xf32, #tpu.memory_space<vmem>>, vector<1x2000x128xf32>
    %get3A_8 = vector.shape_cast %get3A_7 : vector<1x2000x128xf32> to vector<2000x128xf32>
    %add3A = arith.addf %get3A_3, %get3A_8 : vector<2000x128xf32>
    %swap3A = arith.constant 0 : index
    %swap3A_9 = arith.constant 0 : index
    %swap3A_10 = vector.load %arg2[%swap3A, %swap3A_9] : memref<2000x128xf32, #tpu.memory_space<vmem>>, vector<2000x128xf32>
    tpu.vector_store %arg2[%swap3A, %swap3A_9], %add3A {strides = array<i32>} : memref<2000x128xf32, #tpu.memory_space<vmem>>, vector<2000x128xf32>,
    return
  }
  func.func @transform_0(%arg0: i32) -> (i32, i32, i32) {
    %c0_i32 = arith.constant 0 : i32
    %c0_i32_0 = arith.constant 0 : i32
    %c0_i32_1 = arith.constant 0 : i32
    return %c0_i32, %arg0, %c0_i32_0 : i32, i32, i32
  }
  func.func @transform_1(%arg0: i32) -> (i32, i32) {
    %c0_i32 = arith.constant 0 : i32
    %c0_i32_0 = arith.constant 0 : i32
    return %arg0, %c0_i32 : i32, i32
  }
}

</mosaic_0001>

<sc_bundles>
// kernel: kernel.6.cloned.1.call-start
scs
__scs_entry_jumppad:
0x0: {  	(pc) =	sbr.rel $0x88, $3  }
0x1: {  	(tag) =	ssettag $0x0;
	lr =	simm.s32 $0x1  }
0x2: {  	[smem:$0x3F9F] =	sst lr;
	_ =	strace $0xD0000000  }
0x3: {  	_ = 	snop  }
0x4: {  	_ = 	snop  }
0x5: {  	_ = 	snop  }
0x6: {  	_ = 	snop  }
0x7: {  	_ = 	snop  }
__scs_overlays_trampoline_lowered:
0x8: {  	[smem:$0x3FAE] =	sst s0  }
0x9: {  	[smem:$0x3FAF] =	sst s1  }
0xa: {  	[smem:$0x3FB0] =	sst s2  }
0xb: {  	[smem:$0x3FB1] =	sst s3  }
0xc: {  	[smem:$0x3FB2] =	sst s4  }
0xd: {  	[smem:$0x3FB3] =	sst s5  }
0xe: {  	[smem:$0x3FB4] =	sst s6  }
0xf: {  	[smem:$0x3FB5] =	sst s7  }
0x10: {  	[smem:$0x3FB6] =	sst s8  }
0x11: {  	[smem:$0x3FB7] =	sst s9;
	s0 =	simm.s32 @!p0 $0x0  }
0x12: {  	s1 =	sld [smem:$0x3F9D];
	s0 =	simm.s32 @p0 $0x1  }
0x13: {  	[smem:$0x3FB8] =	sst s0;
	s0 =	simm.s32 @!p1 $0x0  }
0x14: {  	s2 =	sld [smem:$0x3F9C];
	s0 =	simm.s32 @p1 $0x1  }
0x15: {  	[smem:$0x3FB9] =	sst s0;
	s0 =	simm.s32 @!p2 $0x0  }
0x16: {  	s3 =	sld [smem:$0x3FDB];
	s0 =	simm.s32 @p2 $0x1  }
0x17: {  	s4 =	simm.s32 $0x1BF5;
	[smem:$0x3FBB] =	sst s0  }
0x18: {  	s0 =	sld [smem:$0x3F9E];
	_ =	swait.ge [sflag:s4], $0x0  }
0x19: {  	s7 =	sld [smem:$0x3F9F]  }
0x1a: {  	s8 =	sadd.s32 $0xFFFFE003, lr  }
0x1b: {  	s9 =	sadd.s32 $0xFFFFFEF7, lr;
	s5 =	simm.s32 $0xFFFFFFFF;
	p2 =	slt.u32 s8, $0xFFFFF086  }
0x1c: {  	p1 =	slt.u32 s9, $0xF7A;
	s5 =	simm.s32 @!p2 $0x0  }
0x1d: {  	s5 =	simm.s32 @p1 $0x1;
	p0 =	seq.s32 s7, s2  }
0x1e: {  	s7 =	smul.u32 @!p0 $0xF7A, s2;
	p2 =	seq.s32 @!p0 s5, $0x0  }
0x1f: {  	s9 =	smul.u32 $0xF7A, s1;
	s8 =	simm.s32 @!p0 $0x1BF5;
	p2 =	por !p2, p0  }
0x20: {  	[sflag:s8] =	ssyncset.s32 @!p0 $0xFFFFF086;
	s6 =	sadd.s32 @!p0 s3, s7;
	s7 =	simm.s32 @!p0 $0x108  }
0x21: {  	s3 =	sadd.s32 s3, s9;
	s6 =	sadd.s32 @!p0 $0x88, s6;
	s7 =	simm.s32 @p2 $0x1082  }
0x22: {  	[simem:s7], [sflag:s8] =	dma.local @!p0 [hbm:s6], $0xF7A  }
0x23: {  	s9 =	sor.u32 $0xD0000000, s2;
	s6 =	simm.s32 $0x108;
	_ =	swait.ge @!p0 [sflag:s8], $0x0  }
0x24: {  	s3 =	sadd.s32 $0x88, s3;
	s6 =	simm.s32 @!p1 $0x1082;
	[sflag:s4] =	ssyncset.s32 $0xFFFFF086  }
0x25: {  	[simem:s6], [sflag:s4] =	dma.local [hbm:s3], $0xF7A  }
0x26: {  	[smem:$0x3F9F] =	sst s1;
	(tag) =	ssettag s2;
	_ =	strace s9  }
0x27: {  	s1 =	sld [smem:$0x3FAF]  }
0x28: {  	s2 =	sld [smem:$0x3FB0]  }
0x29: {  	s4 =	sld [smem:$0x3FB2]  }
0x2a: {  	p0 =	seq.s32 s5, $0x0;
	s5 =	sld [smem:$0x3FB3]  }
0x2b: {  	s6 =	sld [smem:$0x3FB4]  }
0x2c: {  	s7 =	sld [smem:$0x3FB5]  }
0x2d: {  	s3 =	simm.s32 $0x108;
	s8 =	sld [smem:$0x3FB6]  }
0x2e: {  	s3 =	simm.s32 @!p0 $0x1082;
	s9 =	sld [smem:$0x3FB7]  }
0x2f: {  	lr =	sadd.s32 s0, s3;
	s0 =	sld [smem:$0x3FAE]  }
0x30: {  	s3 =	sld [smem:$0x3FB1]  }
0x31: {  	[smem:$0x3FBA] =	sst s10  }
0x32: {  	s10 =	sld [smem:$0x3FB8];
	_ =	sdelay $0x3  }
0x33: {  	p0 =	seq.s32 s10, $0x1;
	s10 =	sld [smem:$0x3FBA];
	_ =	sdelay $0x3  }
0x34: {  	[smem:$0x3FBA] =	sst s10  }
0x35: {  	s10 =	sld [smem:$0x3FB9];
	_ =	sdelay $0x3  }
0x36: {  	p1 =	seq.s32 s10, $0x1;
	s10 =	sld [smem:$0x3FBA];
	_ =	sdelay $0x3  }
0x37: {  	[smem:$0x3FBA] =	sst s10  }
0x38: {  	s10 =	sld [smem:$0x3FBB]  }
0x39: {  	_ = 	snop;
	(pc) =	sbr.ind lr, $3  }
0x3a: {  	_ = 	snop  }
0x3b: {  	_ = 	snop  }
0x3c: {  	p2 =	seq.s32 s10, $0x1;
	s10 =	sld [smem:$0x3FBA]  }
0x3d: {  	_ =	shalt  }
0x3e: {  	_ =	shalt  }
0x3f: {  	_ =	shalt  }
0x40: {  	_ =	shalt  }
0x41: {  	_ =	shalt  }
0x42: {  	_ =	shalt  }
0x43: {  	_ =	shalt  }
0x44: {  	_ =	shalt  }
0x45: {  	_ =	shalt  }
0x46: {  	_ =	shalt  }
0x47: {  	_ =	shalt  }
0x48: {  	_ =	shalt  }
0x49: {  	_ =	shalt  }
0x4a: {  	_ =	shalt  }
0x4b: {  	_ =	shalt  }
0x4c: {  	_ =	shalt  }
0x4d: {  	_ =	shalt  }
0x4e: {  	_ =	shalt  }
0x4f: {  	_ =	shalt  }
0x50: {  	_ =	shalt  }
0x51: {  	_ =	shalt  }
0x52: {  	_ =	shalt  }
0x53: {  	_ =	shalt  }
0x54: {  	_ =	shalt  }
0x55: {  	_ =	shalt  }
0x56: {  	_ =	shalt  }
0x57: {  	_ =	shalt  }
0x58: {  	_ =	shalt  }
0x59: {  	_ =	shalt  }
0x5a: {  	_ =	shalt  }
0x5b: {  	_ =	shalt  }
0x5c: {  	_ =	shalt  }
0x5d: {  	_ =	shalt  }
0x5e: {  	_ =	shalt  }
0x5f: {  	_ =	shalt  }
0x60: {  	_ =	shalt  }
0x61: {  	_ =	shalt  }
0x62: {  	_ =	shalt  }
0x63: {  	_ =	shalt  }
0x64: {  	_ =	shalt  }
0x65: {  	_ =	shalt  }
0x66: {  	_ =	shalt  }
0x67: {  	_ =	shalt  }
0x68: {  	_ =	shalt  }
0x69: {  	_ =	shalt  }
0x6a: {  	_ =	shalt  }
0x6b: {  	_ =	shalt  }
0x6c: {  	_ =	shalt  }
0x6d: {  	_ =	shalt  }
0x6e: {  	_ =	shalt  }
0x6f: {  	_ =	shalt  }
0x70: {  	_ =	shalt  }
0x71: {  	_ =	shalt  }
0x72: {  	_ =	shalt  }
0x73: {  	_ =	shalt  }
0x74: {  	_ =	shalt  }
0x75: {  	_ =	shalt  }
0x76: {  	_ =	shalt  }
0x77: {  	_ =	shalt  }
0x78: {  	_ =	shalt  }
0x79: {  	_ =	shalt  }
0x7a: {  	_ =	shalt  }
0x7b: {  	_ =	shalt  }
0x7c: {  	_ =	shalt  }
0x7d: {  	_ =	shalt  }
0x7e: {  	_ =	shalt  }
0x7f: {  	_ =	shalt  }
0x80: {  	_ =	shalt  }
0x81: {  	_ =	shalt  }
0x82: {  	_ =	shalt  }
0x83: {  	_ =	shalt  }
0x84: {  	_ =	shalt  }
0x85: {  	_ =	shalt  }
0x86: {  	_ =	shalt  }
0x87: {  	_ =	shalt  }
.Lfunc_end0:
.L_simem_size_0:
called_computation_lowered:
.L_overlay_start_0:
0x88: {  	s2 =	sld [smem:$0x3FD9]  }
0x89: {  	s3 =	sld [smem:$0x3FFE];
	_ =	sdelay $0x1  }
0x8a: {  	s1 =	srdreg.scid  }
0x8b: {  	s0 =	sand.u32 $0x1, s1  }
0x8c: {  	s17 =	sshll.u32 s0, $0xA;
	s2 =	sadd.s32 s3, s2  }
0x8d: {  	s2 =	sadd.s32 s2, s17  }
0x8e: {  	[smem:$0x3FC6] =	sst s2  }
0x8f: {  	_ = 	snop  }
0x90: {  	s2 =	sld [smem:$0x3FC9]  }
0x91: {  	s18 =	sld [smem:$0x3FD0];
	(tm) =	ssettm $0x1  }
0x92: {  	s4 =	sld [smem:$0x3FFB];
	_ =	sdelay $0x3  }
0x93: {  	_ =	strace s4  }
0x94: {  	s4 =	sld [smem:$0x3FFC];
	_ =	sdelay $0x3  }
0x95: {  	_ =	strace s4  }
0x96: {  	s4 =	sld [smem:$0x3FFD];
	_ =	sdelay $0x3  }
0x97: {  	_ =	strace s4  }
0x98: {  	_ =	strace $0x8FFFFFFF  }
0x99: {  	s19 =	sld [smem:$0x3FDB];
	_ =	sdelay $0x1  }
0x9a: {  	s5 =	simm.s32 $_scs_section_size  }
0x9b: {  	s6 =	simm.s32 $_size__tile_overlayer_lowered;
	s7 =	simm.s32 $_tile_overlayer_lowered  }
0x9c: {  	s22 =	simm.s32 $0x1BFF;
	s21 =	sshll.u32 s7, $0x1;
	s4 =	sadd.s32 s5, s19  }
0x9d: {  	s8 =	simm.s32 $0x0;
	s20 =	sshll.u32 s6, $0x1;
	s6 =	sadd.s32 s21, s4  }
0x9e: {  	[timem:s8], [sflag:s22] =	dma.local [hbm:s6], s20  }
0x9f: {  	_ =	swait.ge [sflag:s22], s20  }
0xa0: {  	s5 =	ssub.s32 $0x0, s20;
	[sflag:s22] =	ssyncset.done $0x0  }
0xa1: {  	[sflag:s22] =	ssyncadd.s32 s5;
	_ =	sdelay $0x1  }
0xa2: {  	s23 =	simm.s32 $0x1B8B  }
0xa3: {  	_ =	swait.ge [sflag:s23], $0x1  }
0xa4: {  	[sflag:s23] =	ssyncset.done $0x0  }
0xa5: {  	s25 =	simm.s32 $0x1B8E;
	s24 =	sld [smem:$0x3FFE];
	[sflag:s23] =	ssyncadd.s32 $0xFFFFFFFF  }
0xa6: {  	s26 =	simm.s32 $execute0_lowered;
	[smem:$0x3FD2] =	sst s25  }
0xa7: {  	s6 =	sshll.u32 s26, $0x1;
	_ =	strace $0x80000046;
	[dreg:$0x1] =	wrdreg $0xFFFFFFFF  }
0xa8: {  	s28 =	simm.s32 $_size_execute0_lowered;
	s4 =	sadd.s32 s4, s6;
	[dreg:$0x0] =	wrdreg $0x0  }
0xa9: {  	s6 =	sshll.u32 s28, $0x1;
	[dreg:$0x2] =	wrdreg s4  }
0xaa: {  	[dreg:$0x3] =	wrdreg s6  }
0xab: {  	[dreg:$0x4] =	wrdreg $0xC0  }
0xac: {  	_ =	task [dreg:s8], $0x5FFFF  }
0xad: {  	[dreg:$0x1] =	wrdreg $0xFFFFFFFF  }
0xae: {  	[dreg:$0x0] =	wrdreg $0x60  }
0xaf: {  	[dreg:$0x2] =	wrdreg s2  }
0xb0: {  	[dreg:$0x3] =	wrdreg s24  }
0xb1: {  	[dreg:$0x4] =	wrdreg s18  }
0xb2: {  	[dreg:$0x5] =	wrdreg $0x94000  }
0xb3: {  	[dreg:$0x6] =	wrdreg $0x9  }
0xb4: {  	_ =	task.clear_ibuf [dreg:s8], $0x7FFFF;
	_ =	strace $0x90000046  }
0xb5: {  	s29 =	simm.s32 $0x9;
	_ =	strace $0x80000048  }
0xb6: {  	_ =	swait.ge [sflag:s29], $0x1  }
0xb7: {  	[sflag:s29] =	ssyncadd.s32 $0xFFFFFFFF  }
0xb8: {  	_ =	strace $0x90000048  }
0xb9: {  	_ =	sfence  }
0xba: {  	s30 =	sld [smem:$0x0];
	_ =	sdelay $0x2  }
0xbb: {  	s31 =	sshll.u32 s1, $0xD;
	s1 =	sshrl.u32 s1, $0x2  }
0xbc: {  	s3 =	sand.u32 $0x4000, s31;
	s1 =	sadd.s32 s1, s30  }
0xbd: {  	s0 =	sor.u32 s3, s0;
	s1 =	sshll.u32 s1, $0x11  }
0xbe: {  	s0 =	sor.u32 s1, s0  }
0xbf: {  	s0 =	sadd.s32 $0x8F2B, s0  }
0xc0: {  	[sflag:s0] =	ssyncadd.remote.s32 $0x1  }
0xc1: {  	_ =	sfence.sel $0xFFFF  }
0xc2: {  	[dreg:$0x0] =	wrdreg $0xFFFFFFFF;
	(pc) =	sbr.abs _section_cstart, $3  }
0xc3: {  	[dreg:$0x1] =	wrdreg $0xFFFFFFFF  }
0xc4: {  	_ =	task.clear_ibuf [dreg:s8], $0x2FFFF;
	_ =	strace $0x9FFFFFFF  }
0xc5: {  	(tm) =	ssettm $0x7FFFFFFF  }
tec
execute0_lowered:
.L_overlay_start_1:
0x0: {  	(tag) =	ssettag $0x1  }
0x1: {  	s1 =	rddreg [dreg:$0x0]  }
0x2: {  	s0 =	rddreg [dreg:$0x1]  }
0x3: {  	s4 =	rddreg [dreg:$0x2]  }
0x4: {  	s2 =	rddreg [dreg:$0x3]  }
0x5: {  	s3 =	simm.s32 $0x0;
	s7 =	srdreg.scid;
	s16 =	stileid.u32  }
0x6: {  	s28 =	simm.s32 $0x13;
	[smem:$0x7FF] =	sst s3;
	s5 =	sadd.s32 $0xA400, s0  }
0x7: {  	s6 =	sadd.s32 $0x600, s0;
	s7 =	sand.u32 $0x1, s7;
	s9 =	smul.u32 $0x4E000, s16  }
0x8: {  	s8 =	sshll.u32 s16, $0x1;
	s11 =	smul.u32 $0x13800, s16;
	s0 =	sadd.s32 $0x14200, s0  }
0x9: {  	s26 =	sshll.u32 s16, $0x6;
	p0 =	sne.s32 s16, $0xF;
	_ =	strace $0x80000047  }
0xa: {  	s10 =	ssub.s32 $0x2, s7;
	s8 =	sor.u32 s7, s8;
	s21 =	smul.u32 $0x2728, s7  }
0xb: {  	s7 =	smul.u32 $0x138800, s7;
	s12 =	sshrl.u32 s10, $0x1;
	s9 =	sshrl.u32 s9, $0x2  }
0xc: {  	s8 =	smul.u32 $0x2728, s8;
	s29 =	sshrl.u32 s11, $0x3;
	s10 =	ssub.s32 s10, s12  }
0xd: {  	s9 =	sadd.s32 s9, s2;
	s11 =	sadd.s32 s11, s7;
	s7 =	sshrl.u32 s7, $0x3  }
0xe: {  	s29 =	sadd.s32 s4, s29;
	s4 =	sadd.s32 $0x27000, s4;
	[dreg:$0x5] =	wrdreg s9  }
0xf: {  	s30 =	sshrl.u32 s8, $0x3;
	s13 =	sadd.s32 $0x38, s8;
	s19 =	sadd.s32 $0xA8, s8  }
0x10: {  	s8 =	sadd.s32 $0x118, s8;
	s11 =	sshrl.u32 s11, $0x3;
	[dreg:$0x15] =	wrdreg s29  }
0x11: {  	[dreg:$0x16] =	wrdreg s4;
	s9 =	simm.s32 $0x3;
	s14 =	sadd.s32 s5, s30  }
0x12: {  	s31 =	sadd.s32 s6, s30;
	s13 =	sshrl.u32 s13, $0x3;
	[dreg:$0x6] =	wrdreg s14  }
0x13: {  	s17 =	sadd.s32 $0xE, s30;
	s11 =	sadd.s32 s0, s11;
	[dreg:$0x7] =	wrdreg s31  }
0x14: {  	s12 =	sadd.s32 $0x1C, s30;
	s30 =	smax.u32 s10, $0x1;
	[dreg:$0x10] =	wrdreg s11  }
0x15: {  	s20 =	sshrl.u32 s19, $0x3;
	s15 =	sadd.s32 s5, s13;
	[dreg:$0x18] =	wrdreg s30  }
0x16: {  	s8 =	sshrl.u32 s8, $0x3;
	s13 =	sadd.s32 s6, s13;
	[dreg:$0x8] =	wrdreg s15  }
0x17: {  	s0 =	sadd.s32 s0, s7;
	s18 =	sadd.s32 s5, s17;
	[dreg:$0x9] =	wrdreg s13  }
0x18: {  	s10 =	simm.s32 $0x4000;
	s23 =	sadd.s32 s5, s12;
	[dreg:$0xa] =	wrdreg s18  }
0x19: {  	s19 =	simm.s32 $0x0;
	s12 =	sadd.s32 s6, s12;
	[dreg:$0xe] =	wrdreg s23  }
0x1a: {  	s25 =	sadd.s32 s5, s8;
	s8 =	sadd.s32 s6, s8;
	[dreg:$0xf] =	wrdreg s12  }
0x1b: {  	s0 =	sadd.s32 $0x27000, s0;
	s31 =	sadd.s32 $0x138000, s2;
	[dreg:$0x11] =	wrdreg s25  }
0x1c: {  	s11 =	simm.s32 $0x12;
	s14 =	simm.s32 $0xB;
	[dreg:$0x12] =	wrdreg s8  }
0x1d: {  	s15 =	smul.u32 $0x4E50, s16;
	s13 =	sadd.s32 s6, s17;
	[dreg:$0x17] =	wrdreg s0  }
0x1e: {  	s17 =	sadd.s32 s5, s20;
	[dreg:$0x19] =	wrdreg s31;
	s25 =	simm.s32 $0x480  }
0x1f: {  	s8 =	simm.s32 $0x2400;
	s12 =	simm.s32 $0xA;
	[dreg:$0xb] =	wrdreg s13  }
0x20: {  	s16 =	simm.s32 $0xC;
	s18 =	simm.s32 $0x11;
	[dreg:$0xc] =	wrdreg s17  }
0x21: {  	s13 =	sadd.s32 s6, s20;
	s17 =	simm.s32 $0x10;
	s22 =	sadd.s32 s21, s15  }
0x22: {  	[dreg:$0xd] =	wrdreg s13;
	s13 =	simm.s32 $0xE;
	s24 =	sadd.s32 $0x150, s22  }
0x23: {  	s15 =	simm.s32 $0xF;
	s22 =	sor.u32 $0x1C13, s26;
	s7 =	sshrl.u32 s24, $0x3  }
0x24: {  	s26 =	simm.s32 $0x500;
	s24 =	simm.s32 $0x400;
	s6 =	sadd.s32 s7, s6  }
0x25: {  	s5 =	sadd.s32 s7, s5;
	s7 =	simm.s32 $0x2;
	[dreg:$0x13] =	wrdreg s6  }
0x26: {  	[dreg:$0x14] =	wrdreg s5;
	s5 =	simm.s32 $0x1;
	s6 =	simm.s32 $0x38  }
.LBB2_1:
0x27: {  	s0 =	rddreg [dreg:$0x5]  }
0x28: {  	s31 =	rddreg [dreg:$0x15];
	s21 =	sshrl.u32 s0, $0x3  }
0x29: {  	[spmem:s21], [sflag:s22] =	dma.local [hbm:s31], $0x2700  }
0x2a: {  	_ =	swait.ge [sflag:s28], $0x2700  }
0x2b: {  	s23 =	simm.s32 @!p0 $0x13;
	[sflag:s28] =	ssyncset.done $0x0;
	s0 =	rddreg [dreg:$0x19]  }
0x2c: {  	[sflag:s28] =	ssyncadd.s32 $0xFFFFD900;
	s20 =	sshrl.u32 @!p0 s0, $0x3;
	s0 =	rddreg [dreg:$0x16]  }
0x2d: {  	[spmem:s20], [sflag:s22] =	dma.local @!p0 [hbm:s0], $0x100  }
0x2e: {  	_ =	swait.ge @!p0 [sflag:s23], $0x100  }
0x2f: {  	[sflag:s23] =	ssyncset.done @!p0 $0x0  }
0x30: {  	[sflag:s23] =	ssyncadd.s32 @!p0 $0xFFFFFF00  }
0x31: {  	[bflag:$0x0] =	sbarrier.arrive $0xFFFF  }
0x32: {  	s4 =	rddreg [dreg:$0x6]  }
0x33: {  	[tilespmem:s3], [sflag:$0x1] =	stream.linear.gather [hbm4b:s4+s3], $0x38, $0x38;
	[tilespmem:$0x1CCC0] =	vst v63  }
0x34: {  	s23 =	rddreg [dreg:$0x7]  }
0x35: {  	[tilespmem:s24], [sflag:$0x1] =	stream.linear.gather [hbm4b:s23+s3], $0x38, $0x38;
	[tilespmem:$0x1CCC0] =	vst v63  }
0x36: {  	s4 =	simm.s32 $0x80;
	s24 =	rddreg [dreg:$0x8]  }
0x37: {  	[tilespmem:s4], [sflag:$0x2] =	stream.linear.gather [hbm4b:s24+s3], $0x38, $0x38;
	[tilespmem:$0x1CCC0] =	vst v63  }
0x38: {  	s30 =	rddreg [dreg:$0x9]  }
0x39: {  	[tilespmem:s25], [sflag:$0x2] =	stream.linear.gather [hbm4b:s30+s3], $0x38, $0x38;
	[tilespmem:$0x1CCC0] =	vst v63  }
0x3a: {  	s31 =	rddreg [dreg:$0xa];
	s23 =	simm.s32 $0x100  }
0x3b: {  	[tilespmem:s23], [sflag:$0x3] =	stream.linear.gather [hbm4b:s31+s3], $0x38, $0x38;
	[tilespmem:$0x1CCC0] =	vst v63  }
0x3c: {  	s24 =	rddreg [dreg:$0xb]  }
0x3d: {  	[tilespmem:s26], [sflag:$0x3] =	stream.linear.gather [hbm4b:s24+s3], $0x38, $0x38;
	[tilespmem:$0x1CCC0] =	vst v63  }
0x3e: {  	s25 =	rddreg [dreg:$0xc];
	s26 =	simm.s32 $0x180  }
0x3f: {  	[tilespmem:s26], [sflag:$0x4] =	stream.linear.gather [hbm4b:s25+s3], $0x38, $0x38;
	[tilespmem:$0x1CCC0] =	vst v63  }
0x40: {  	s30 =	rddreg [dreg:$0xd];
	s31 =	simm.s32 $0x580  }
0x41: {  	[tilespmem:s31], [sflag:$0x4] =	stream.linear.gather [hbm4b:s30+s3], $0x38, $0x38;
	[tilespmem:$0x1CCC0] =	vst v63  }
0x42: {  	s25 =	rddreg [dreg:$0xe];
	s26 =	simm.s32 $0x200  }
0x43: {  	[tilespmem:s26], [sflag:$0x5] =	stream.linear.gather [hbm4b:s25+s3], $0x38, $0x38;
	[tilespmem:$0x1CCC0] =	vst v63  }
0x44: {  	s30 =	rddreg [dreg:$0xf];
	s31 =	simm.s32 $0x600  }
0x45: {  	[tilespmem:s31], [sflag:$0x5] =	stream.linear.gather [hbm4b:s30+s3], $0x38, $0x38;
	[tilespmem:$0x1CCC0] =	vst v63  }
0x46: {  	s24 =	rddreg [dreg:$0x11];
	s25 =	simm.s32 $0x280  }
0x47: {  	[tilespmem:s25], [sflag:$0x6] =	stream.linear.gather [hbm4b:s24+s3], $0x38, $0x38;
	[tilespmem:$0x1CCC0] =	vst v63  }
0x48: {  	s26 =	rddreg [dreg:$0x12];
	s30 =	simm.s32 $0x680  }
0x49: {  	[tilespmem:s30], [sflag:$0x6] =	stream.linear.gather [hbm4b:s26+s3], $0x38, $0x38;
	[tilespmem:$0x1CCC0] =	vst v63  }
0x4a: {  	_ =	swait.ge [sflag:s5], $0x38  }
0x4b: {  	[sflag:s5] =	ssyncset.done $0x0  }
0x4c: {  	[sflag:s5] =	ssyncadd.s32 $0xFFFFFFC8  }
0x4d: {  	_ =	swait.ge [sflag:s5], $0x38  }
0x4e: {  	[sflag:s5] =	ssyncset.done $0x0  }
0x4f: {  	s31 =	simm.s32 $0x800;
	[sflag:s5] =	ssyncadd.s32 $0xFFFFFFC8  }
0x50: {  	[tilespmem:s31], [sflag:$0x9] =	stream.indirect.gather [hbm4b:s1+s6], $0x80, s3, s6, $0xb8;
	[tilespmem:$0x1CCC0] =	vst v63  }
0x51: {  	_ =	swait.ge [sflag:s7], $0x38  }
0x52: {  	[sflag:s7] =	ssyncset.done $0x0  }
0x53: {  	[sflag:s7] =	ssyncadd.s32 $0xFFFFFFC8  }
0x54: {  	_ =	swait.ge [sflag:s7], $0x38  }
0x55: {  	[sflag:s7] =	ssyncset.done $0x0  }
0x56: {  	[sflag:s7] =	ssyncadd.s32 $0xFFFFFFC8  }
0x57: {  	[tilespmem:s8], [sflag:$0xA] =	stream.indirect.gather [hbm4b:s1+s6], $0x80, s4, s6, $0xb8;
	[tilespmem:$0x1CCC0] =	vst v63  }
0x58: {  	_ =	swait.ge [sflag:s9], $0x38  }
0x59: {  	[sflag:s9] =	ssyncset.done $0x0  }
0x5a: {  	[sflag:s9] =	ssyncadd.s32 $0xFFFFFFC8  }
0x5b: {  	_ =	swait.ge [sflag:s9], $0x38  }
0x5c: {  	[sflag:s9] =	ssyncset.done $0x0  }
0x5d: {  	s24 =	rddreg [dreg:$0x13];
	[sflag:s9] =	ssyncadd.s32 $0xFFFFFFC8  }
0x5e: {  	[tilespmem:s10], [sflag:$0xB] =	stream.indirect.gather [hbm4b:s1+s6], $0x80, s23, s6, $0xb8;
	[tilespmem:$0x1CCC0] =	vst v63  }
0x5f: {  	s29 =	simm.s32 $0x0;
	s25 =	simm.s32 $0x0;
	s23 =	rddreg [dreg:$0x14]  }
.LBB2_2:
0x60: {  	p1 =	slt.u32 s29, $0x2  }
0x61: {  	s30 =	sadd.s32 @!p1 $0xFFFFFFFE, s29  }
0x62: {  	s26 =	sand.u32 @!p1 $0xFF, s30  }
0x63: {  	s26 =	smul.u32 @!p1 $0xCD, s26;
	_ =	sdelay $0x1  }
0x64: {  	s26 =	sshrl.u32 @!p1 s26, $0xA  }
0x65: {  	s26 =	smul.u32 @!p1 $0x5, s26;
	_ =	sdelay $0x1  }
0x66: {  	s26 =	ssub.s32 @!p1 s30, s26  }
0x67: {  	s26 =	sand.u32 @!p1 $0xFF, s26  }
0x68: {  	s26 =	sadd.s32 @!p1 $0xE, s26  }
0x69: {  	p2 =	sgt.u32 @!p1 s29, $0xAC;
	_ =	swait.ge @!p1 [sflag:s26], $0x1C00  }
0x6a: {  	p2 =	por p1, !p2;
	[sflag:s26] =	ssyncset.done @!p1 $0x0  }
0x6b: {  	[sflag:s26] =	ssyncadd.s32 @!p1 $0xFFFFE400;
	s26 =	sadd.s32 @p2 $0x6, s29  }
0x6c: {  	s26 =	sand.u32 @p2 $0x7, s26  }
0x6d: {  	s30 =	sadd.s32 @p2 $0x1, s26;
	s26 =	sshll.u32 @p2 s26, $0x7  }
0x6e: {  	[tilespmem:s26], [sflag:s30] =	stream.linear.gather @p2 [hbm4b:s23+s3], $0x38, $0x38;
	[tilespmem:$0x1CCC0] =	vst v63  }
0x6f: {  	s26 =	sor.u32 @p2 $0x400, s26  }
0x70: {  	[tilespmem:s26], [sflag:s30] =	stream.linear.gather @p2 [hbm4b:s24+s3], $0x38, $0x38;
	[tilespmem:$0x1CCC0] =	vst v63  }
0x71: {  	s26 =	sadd.s32 $0x3, s29  }
0x72: {  	s4 =	sand.u32 $0xFF, s26  }
0x73: {  	s30 =	smul.u32 $0xCD, s4  }
0x74: {  	s0 =	sand.u32 $0x7, s26  }
0x75: {  	s31 =	smul.u32 $0xCD, s29;
	s4 =	sadd.s32 $0x1, s0;
	s30 =	sshrl.u32 s30, $0xA  }
0x76: {  	_ =	swait.ge [sflag:s4], $0x38;
	s30 =	smul.u32 $0x5, s30  }
0x77: {  	s31 =	sshrl.u32 s31, $0xA;
	[sflag:s4] =	ssyncset.done $0x0  }
0x78: {  	s31 =	sand.u32 $0x3F, s31;
	[sflag:s4] =	ssyncadd.s32 $0xFFFFFFC8;
	s26 =	ssub.s32 s26, s30  }
0x79: {  	_ =	swait.ge [sflag:s4], $0x38;
	s30 =	smul.u32 $0x5, s31;
	s26 =	sand.u32 $0xFF, s26  }
0x7a: {  	[sflag:s4] =	ssyncset.done $0x0;
	s31 =	smul.u32 $0x7000, s26  }
0x7b: {  	s23 =	sadd.s32 $0x7, s23;
	s0 =	sshll.u32 s0, $0x7;
	[sflag:s4] =	ssyncadd.s32 $0xFFFFFFC8  }
0x7c: {  	s30 =	ssub.s32 s29, s30;
	s26 =	sadd.s32 $0x9, s26;
	s31 =	sshrl.u32 s31, $0x2  }
0x7d: {  	s29 =	sadd.s32 $0x1, s29;
	s4 =	sand.u32 $0xFF, s30;
	s30 =	sadd.s32 $0x800, s31  }
0x7e: {  	[tilespmem:s30], [sflag:s26] =	stream.indirect.gather [hbm4b:s1+s6], $0x80, s0, s6, $0xb8;
	[tilespmem:$0x1CCC0] =	vst v63  }
0x7f: {  	s24 =	sadd.s32 $0x7, s24;
	p1 =	sne.s32 s29, $0xB0;
	s30 =	smul.u32 $0x7000, s4  }
.Ltmp0:
0x80: {  	s31 =	sand.u32 $0xE00, s25;
	s26 =	sadd.s32 $0x9, s4;
	(pc) =	sbr.rel @p1 .LBB2_2-.Ltmp0, $4  }
0x81: {  	s25 =	sadd.s32 $0x200, s25;
	s4 =	sadd.s32 $0xE, s4;
	_ =	swait.ge [sflag:s26], $0x1C00  }
0x82: {  	s0 =	sshrl.u32 s30, $0x2;
	[sflag:s26] =	ssyncset.done $0x0;
	s30 =	sshrl.u32 s31, $0x2  }
0x83: {  	s0 =	sadd.s32 $0x800, s0;
	[sflag:s26] =	ssyncadd.s32 $0xFFFFE400;
	s31 =	sor.u32 $0x400, s30  }
0x84: {  	[spmem:s2] =	stream.indirect.scatter.add.f32 [tilespmem:s0], [sflag:s4], $0x80, s31, s6, $0xb8;
	[tilespmem:$0x1CCC0] =	vst v63  }
0x85: {  	_ =	swait.ge [sflag:s11], $0x1C00  }
0x86: {  	[sflag:s11] =	ssyncset.done $0x0  }
0x87: {  	[sflag:s11] =	ssyncadd.s32 $0xFFFFE400  }
0x88: {  	_ =	swait.ge [sflag:s12], $0x1C00  }
0x89: {  	[sflag:s12] =	ssyncset.done $0x0  }
0x8a: {  	s24 =	simm.s32 $0x400;
	[sflag:s12] =	ssyncadd.s32 $0xFFFFE400  }
0x8b: {  	[spmem:s2] =	stream.indirect.scatter.add.f32 [tilespmem:s8], [sflag:$0xF], $0x80, s24, s6, $0xb8;
	[tilespmem:$0x1CCC0] =	vst v63  }
0x8c: {  	_ =	swait.ge [sflag:s13], $0x1C00  }
0x8d: {  	[sflag:s13] =	ssyncset.done $0x0  }
0x8e: {  	[sflag:s13] =	ssyncadd.s32 $0xFFFFE400  }
0x8f: {  	_ =	swait.ge [sflag:s14], $0x1C00  }
0x90: {  	[sflag:s14] =	ssyncset.done $0x0  }
0x91: {  	s25 =	simm.s32 $0x480;
	[sflag:s14] =	ssyncadd.s32 $0xFFFFE400  }
0x92: {  	[spmem:s2] =	stream.indirect.scatter.add.f32 [tilespmem:s10], [sflag:$0x10], $0x80, s25, s6, $0xb8;
	[tilespmem:$0x1CCC0] =	vst v63  }
0x93: {  	_ =	swait.ge [sflag:s15], $0x1C00  }
0x94: {  	[sflag:s15] =	ssyncset.done $0x0  }
0x95: {  	[sflag:s15] =	ssyncadd.s32 $0xFFFFE400  }
0x96: {  	_ =	swait.ge [sflag:s16], $0x1C00  }
0x97: {  	[sflag:s16] =	ssyncset.done $0x0  }
0x98: {  	s26 =	simm.s32 $0x500;
	s0 =	simm.s32 $0x5C00;
	[sflag:s16] =	ssyncadd.s32 $0xFFFFE400  }
0x99: {  	[spmem:s2] =	stream.indirect.scatter.add.f32 [tilespmem:s0], [sflag:$0x11], $0x80, s26, s6, $0xb8;
	[tilespmem:$0x1CCC0] =	vst v63  }
0x9a: {  	_ =	swait.ge [sflag:s17], $0x1C00  }
0x9b: {  	[sflag:s17] =	ssyncset.done $0x0  }
0x9c: {  	[sflag:s17] =	ssyncadd.s32 $0xFFFFE400  }
0x9d: {  	_ =	swait.ge [sflag:s18], $0x1C00  }
0x9e: {  	[sflag:s18] =	ssyncset.done $0x0  }
0x9f: {  	[sflag:s18] =	ssyncadd.s32 $0xFFFFE400  }
0xa0: {  	[bflag:$0x0] =	sbarrier.arrive $0xFFFF  }
0xa1: {  	s31 =	rddreg [dreg:$0x10]  }
0xa2: {  	[hbm:s31], [sflag:s22] =	dma.local [spmem:s21], $0x2700  }
0xa3: {  	_ =	swait.ge [sflag:s28], $0x2700  }
0xa4: {  	[sflag:s28] =	ssyncset.done $0x0  }
0xa5: {  	s0 =	rddreg [dreg:$0x17];
	[sflag:s28] =	ssyncadd.s32 $0xFFFFD900  }
0xa6: {  	[hbm:s0], [sflag:s22] =	dma.local @!p0 [spmem:s20], $0x100  }
0xa7: {  	s0 =	simm.s32 @!p0 $0x13  }
0xa8: {  	_ =	swait.ge @!p0 [sflag:s0], $0x100  }
0xa9: {  	s19 =	sadd.s32 $0x1, s19;
	s4 =	rddreg [dreg:$0x18]  }
0xaa: {  	p1 =	sne.s32 s19, s4  }
.Ltmp1:
0xab: {  	_ = 	snop;
	(pc) =	sbr.rel @p1 .LBB2_1-.Ltmp1, $3  }
0xac: {  	_ =	sdelay $0x1  }
0xad: {  	[sflag:s0] =	ssyncset.done @!p0 $0x0  }
0xae: {  	[sflag:s0] =	ssyncadd.s32 @!p0 $0xFFFFFF00  }
0xaf: {  	_ =	sfence.sel $0x180000  }
0xb0: {  	[bflag:$0x0] =	sbarrier.arrive $0xFFFF  }
0xb1: {  	_ =	strace $0x90000047  }
0xb2: {  	s0 =	stileid.u32;
	[bflag:$0x2] =	sbarrier.arrive $0xFFFF  }
0xb3: {  	p0 =	sne.s32 s0, $0x0;
	s0 =	rddreg [dreg:$0x4]  }
0xb4: {  	s0 =	sadd.s32 @!p0 $0x100000, s0  }
0xb5: {  	[sflag:s0] =	ssyncadd.tile.s32 @!p0 $0x1;
	_ =	shalt  }
.Lfunc_end2:
_tile_overlayer_lowered:
.L_overlay_start_2:
0xb6: {  	(tag) =	ssettag $0x2  }
0xb7: {  	s0 =	rddreg [dreg:$0x0];
	s2 =	stileid.u32  }
0xb8: {  	s1 =	rddreg [dreg:$0x1];
	p0 =	sne.s32 s2, $0x0  }
0xb9: {  	s3 =	rddreg [dreg:$0x2];
	[bflag:$0x3] =	sbarrier.arrive $0xFFFF;
	s2 =	simm.s32 @!p0 $0x1C13  }
0xba: {  	[timem:s3], [sflag:s2] =	dma.local @!p0 [hbm:s0], s1  }
0xbb: {  	s0 =	simm.s32 @!p0 $0x13  }
0xbc: {  	_ =	swait.ge @!p0 [sflag:s0], s1  }
0xbd: {  	s1 =	ssub.s32 @!p0 $0x0, s1;
	[sflag:s0] =	ssyncset.done @!p0 $0x0  }
0xbe: {  	[sflag:s0] =	ssyncadd.s32 @!p0 s1  }
0xbf: {  	[bflag:$0x3] =	sbarrier.arrive $0xFFFF  }
0xc0: {  	_ =	shalt  }

// kernel: kernel.9.cloned.1.call-start
scs
__scs_entry_jumppad:
0x0: {  	(pc) =	sbr.rel $0x88, $3  }
0x1: {  	(tag) =	ssettag $0x0;
	lr =	simm.s32 $0x1  }
0x2: {  	[smem:$0x3F9F] =	sst lr;
	_ =	strace $0xD0000000  }
0x3: {  	_ = 	snop  }
0x4: {  	_ = 	snop  }
0x5: {  	_ = 	snop  }
0x6: {  	_ = 	snop  }
0x7: {  	_ = 	snop  }
__scs_overlays_trampoline_lowered:
0x8: {  	[smem:$0x3FAE] =	sst s0  }
0x9: {  	[smem:$0x3FAF] =	sst s1  }
0xa: {  	[smem:$0x3FB0] =	sst s2  }
0xb: {  	[smem:$0x3FB1] =	sst s3  }
0xc: {  	[smem:$0x3FB2] =	sst s4  }
0xd: {  	[smem:$0x3FB3] =	sst s5  }
0xe: {  	[smem:$0x3FB4] =	sst s6  }
0xf: {  	[smem:$0x3FB5] =	sst s7  }
0x10: {  	[smem:$0x3FB6] =	sst s8  }
0x11: {  	[smem:$0x3FB7] =	sst s9;
	s0 =	simm.s32 @!p0 $0x0  }
0x12: {  	s1 =	sld [smem:$0x3F9D];
	s0 =	simm.s32 @p0 $0x1  }
0x13: {  	[smem:$0x3FB8] =	sst s0;
	s0 =	simm.s32 @!p1 $0x0  }
0x14: {  	s2 =	sld [smem:$0x3F9C];
	s0 =	simm.s32 @p1 $0x1  }
0x15: {  	[smem:$0x3FB9] =	sst s0;
	s0 =	simm.s32 @!p2 $0x0  }
0x16: {  	s3 =	sld [smem:$0x3FDB];
	s0 =	simm.s32 @p2 $0x1  }
0x17: {  	s4 =	simm.s32 $0x1BF5;
	[smem:$0x3FBB] =	sst s0  }
0x18: {  	s0 =	sld [smem:$0x3F9E];
	_ =	swait.ge [sflag:s4], $0x0  }
0x19: {  	s7 =	sld [smem:$0x3F9F]  }
0x1a: {  	s8 =	sadd.s32 $0xFFFFE003, lr  }
0x1b: {  	s9 =	sadd.s32 $0xFFFFFEF7, lr;
	s5 =	simm.s32 $0xFFFFFFFF;
	p2 =	slt.u32 s8, $0xFFFFF086  }
0x1c: {  	p1 =	slt.u32 s9, $0xF7A;
	s5 =	simm.s32 @!p2 $0x0  }
0x1d: {  	s5 =	simm.s32 @p1 $0x1;
	p0 =	seq.s32 s7, s2  }
0x1e: {  	s7 =	smul.u32 @!p0 $0xF7A, s2;
	p2 =	seq.s32 @!p0 s5, $0x0  }
0x1f: {  	s9 =	smul.u32 $0xF7A, s1;
	s8 =	simm.s32 @!p0 $0x1BF5;
	p2 =	por !p2, p0  }
0x20: {  	[sflag:s8] =	ssyncset.s32 @!p0 $0xFFFFF086;
	s6 =	sadd.s32 @!p0 s3, s7;
	s7 =	simm.s32 @!p0 $0x108  }
0x21: {  	s3 =	sadd.s32 s3, s9;
	s6 =	sadd.s32 @!p0 $0x88, s6;
	s7 =	simm.s32 @p2 $0x1082  }
0x22: {  	[simem:s7], [sflag:s8] =	dma.local @!p0 [hbm:s6], $0xF7A  }
0x23: {  	s9 =	sor.u32 $0xD0000000, s2;
	s6 =	simm.s32 $0x108;
	_ =	swait.ge @!p0 [sflag:s8], $0x0  }
0x24: {  	s3 =	sadd.s32 $0x88, s3;
	s6 =	simm.s32 @!p1 $0x1082;
	[sflag:s4] =	ssyncset.s32 $0xFFFFF086  }
0x25: {  	[simem:s6], [sflag:s4] =	dma.local [hbm:s3], $0xF7A  }
0x26: {  	[smem:$0x3F9F] =	sst s1;
	(tag) =	ssettag s2;
	_ =	strace s9  }
0x27: {  	s1 =	sld [smem:$0x3FAF]  }
0x28: {  	s2 =	sld [smem:$0x3FB0]  }
0x29: {  	s4 =	sld [smem:$0x3FB2]  }
0x2a: {  	p0 =	seq.s32 s5, $0x0;
	s5 =	sld [smem:$0x3FB3]  }
0x2b: {  	s6 =	sld [smem:$0x3FB4]  }
0x2c: {  	s7 =	sld [smem:$0x3FB5]  }
0x2d: {  	s3 =	simm.s32 $0x108;
	s8 =	sld [smem:$0x3FB6]  }
0x2e: {  	s3 =	simm.s32 @!p0 $0x1082;
	s9 =	sld [smem:$0x3FB7]  }
0x2f: {  	lr =	sadd.s32 s0, s3;
	s0 =	sld [smem:$0x3FAE]  }
0x30: {  	s3 =	sld [smem:$0x3FB1]  }
0x31: {  	[smem:$0x3FBA] =	sst s10  }
0x32: {  	s10 =	sld [smem:$0x3FB8];
	_ =	sdelay $0x3  }
0x33: {  	p0 =	seq.s32 s10, $0x1;
	s10 =	sld [smem:$0x3FBA];
	_ =	sdelay $0x3  }
0x34: {  	[smem:$0x3FBA] =	sst s10  }
0x35: {  	s10 =	sld [smem:$0x3FB9];
	_ =	sdelay $0x3  }
0x36: {  	p1 =	seq.s32 s10, $0x1;
	s10 =	sld [smem:$0x3FBA];
	_ =	sdelay $0x3  }
0x37: {  	[smem:$0x3FBA] =	sst s10  }
0x38: {  	s10 =	sld [smem:$0x3FBB]  }
0x39: {  	_ = 	snop;
	(pc) =	sbr.ind lr, $3  }
0x3a: {  	_ = 	snop  }
0x3b: {  	_ = 	snop  }
0x3c: {  	p2 =	seq.s32 s10, $0x1;
	s10 =	sld [smem:$0x3FBA]  }
0x3d: {  	_ =	shalt  }
0x3e: {  	_ =	shalt  }
0x3f: {  	_ =	shalt  }
0x40: {  	_ =	shalt  }
0x41: {  	_ =	shalt  }
0x42: {  	_ =	shalt  }
0x43: {  	_ =	shalt  }
0x44: {  	_ =	shalt  }
0x45: {  	_ =	shalt  }
0x46: {  	_ =	shalt  }
0x47: {  	_ =	shalt  }
0x48: {  	_ =	shalt  }
0x49: {  	_ =	shalt  }
0x4a: {  	_ =	shalt  }
0x4b: {  	_ =	shalt  }
0x4c: {  	_ =	shalt  }
0x4d: {  	_ =	shalt  }
0x4e: {  	_ =	shalt  }
0x4f: {  	_ =	shalt  }
0x50: {  	_ =	shalt  }
0x51: {  	_ =	shalt  }
0x52: {  	_ =	shalt  }
0x53: {  	_ =	shalt  }
0x54: {  	_ =	shalt  }
0x55: {  	_ =	shalt  }
0x56: {  	_ =	shalt  }
0x57: {  	_ =	shalt  }
0x58: {  	_ =	shalt  }
0x59: {  	_ =	shalt  }
0x5a: {  	_ =	shalt  }
0x5b: {  	_ =	shalt  }
0x5c: {  	_ =	shalt  }
0x5d: {  	_ =	shalt  }
0x5e: {  	_ =	shalt  }
0x5f: {  	_ =	shalt  }
0x60: {  	_ =	shalt  }
0x61: {  	_ =	shalt  }
0x62: {  	_ =	shalt  }
0x63: {  	_ =	shalt  }
0x64: {  	_ =	shalt  }
0x65: {  	_ =	shalt  }
0x66: {  	_ =	shalt  }
0x67: {  	_ =	shalt  }
0x68: {  	_ =	shalt  }
0x69: {  	_ =	shalt  }
0x6a: {  	_ =	shalt  }
0x6b: {  	_ =	shalt  }
0x6c: {  	_ =	shalt  }
0x6d: {  	_ =	shalt  }
0x6e: {  	_ =	shalt  }
0x6f: {  	_ =	shalt  }
0x70: {  	_ =	shalt  }
0x71: {  	_ =	shalt  }
0x72: {  	_ =	shalt  }
0x73: {  	_ =	shalt  }
0x74: {  	_ =	shalt  }
0x75: {  	_ =	shalt  }
0x76: {  	_ =	shalt  }
0x77: {  	_ =	shalt  }
0x78: {  	_ =	shalt  }
0x79: {  	_ =	shalt  }
0x7a: {  	_ =	shalt  }
0x7b: {  	_ =	shalt  }
0x7c: {  	_ =	shalt  }
0x7d: {  	_ =	shalt  }
0x7e: {  	_ =	shalt  }
0x7f: {  	_ =	shalt  }
0x80: {  	_ =	shalt  }
0x81: {  	_ =	shalt  }
0x82: {  	_ =	shalt  }
0x83: {  	_ =	shalt  }
0x84: {  	_ =	shalt  }
0x85: {  	_ =	shalt  }
0x86: {  	_ =	shalt  }
0x87: {  	_ =	shalt  }
.Lfunc_end0:
.L_simem_size_0:
called_computation.1_lowered:
.L_overlay_start_0:
0x88: {  	s2 =	sld [smem:$0x3FD9]  }
0x89: {  	s3 =	sld [smem:$0x3FFE];
	_ =	sdelay $0x1  }
0x8a: {  	s1 =	srdreg.scid  }
0x8b: {  	s0 =	sand.u32 $0x1, s1  }
0x8c: {  	s17 =	sshll.u32 s0, $0xA;
	s2 =	sadd.s32 s3, s2  }
0x8d: {  	s2 =	sadd.s32 s2, s17  }
0x8e: {  	[smem:$0x3FC6] =	sst s2  }
0x8f: {  	_ = 	snop  }
0x90: {  	s2 =	sld [smem:$0x3FD0];
	(tm) =	ssettm $0x1  }
0x91: {  	s18 =	sld [smem:$0x3FFB];
	_ =	sdelay $0x3  }
0x92: {  	_ =	strace s18  }
0x93: {  	s3 =	sld [smem:$0x3FFC];
	_ =	sdelay $0x3  }
0x94: {  	_ =	strace s3  }
0x95: {  	s3 =	sld [smem:$0x3FFD];
	_ =	sdelay $0x3  }
0x96: {  	_ =	strace s3  }
0x97: {  	_ =	strace $0x8FFFFFFF  }
0x98: {  	s19 =	sld [smem:$0x3FDB];
	_ =	sdelay $0x1  }
0x99: {  	s4 =	simm.s32 $_scs_section_size  }
0x9a: {  	s5 =	simm.s32 $_size__tile_overlayer_lowered;
	s6 =	simm.s32 $_tile_overlayer_lowered  }
0x9b: {  	s22 =	simm.s32 $0x1BFF;
	s21 =	sshll.u32 s6, $0x1;
	s3 =	sadd.s32 s4, s19  }
0x9c: {  	s7 =	simm.s32 $0x0;
	s20 =	sshll.u32 s5, $0x1;
	s5 =	sadd.s32 s21, s3  }
0x9d: {  	[timem:s7], [sflag:s22] =	dma.local [hbm:s5], s20  }
0x9e: {  	_ =	swait.ge [sflag:s22], s20  }
0x9f: {  	s4 =	ssub.s32 $0x0, s20;
	[sflag:s22] =	ssyncset.done $0x0  }
0xa0: {  	[sflag:s22] =	ssyncadd.s32 s4;
	_ =	sdelay $0x1  }
0xa1: {  	s23 =	simm.s32 $0x1B8B  }
0xa2: {  	_ =	swait.ge [sflag:s23], $0x1  }
0xa3: {  	[sflag:s23] =	ssyncset.done $0x0  }
0xa4: {  	s25 =	simm.s32 $0x1B8E;
	s24 =	sld [smem:$0x3FFE];
	[sflag:s23] =	ssyncadd.s32 $0xFFFFFFFF  }
0xa5: {  	s26 =	simm.s32 $execute0_lowered;
	[smem:$0x3FD2] =	sst s25  }
0xa6: {  	s5 =	sshll.u32 s26, $0x1;
	_ =	strace $0x80000049;
	[dreg:$0x1] =	wrdreg $0xFFFFFFFF  }
0xa7: {  	s28 =	simm.s32 $_size_execute0_lowered;
	s3 =	sadd.s32 s3, s5;
	[dreg:$0x0] =	wrdreg $0x0  }
0xa8: {  	s5 =	sshll.u32 s28, $0x1;
	[dreg:$0x2] =	wrdreg s3  }
0xa9: {  	[dreg:$0x3] =	wrdreg s5  }
0xaa: {  	[dreg:$0x4] =	wrdreg $0xC0  }
0xab: {  	_ =	task [dreg:s7], $0x5FFFF  }
0xac: {  	[dreg:$0x1] =	wrdreg $0xFFFFFFFF  }
0xad: {  	[dreg:$0x0] =	wrdreg $0x60  }
0xae: {  	[dreg:$0x2] =	wrdreg s24  }
0xaf: {  	[dreg:$0x3] =	wrdreg s2  }
0xb0: {  	[dreg:$0x4] =	wrdreg $0x94000  }
0xb1: {  	[dreg:$0x5] =	wrdreg $0x9  }
0xb2: {  	_ =	task.clear_ibuf [dreg:s7], $0x6FFFF;
	_ =	strace $0x90000049  }
0xb3: {  	s29 =	simm.s32 $0x9;
	_ =	strace $0x8000004B  }
0xb4: {  	_ =	swait.ge [sflag:s29], $0x1  }
0xb5: {  	[sflag:s29] =	ssyncadd.s32 $0xFFFFFFFF  }
0xb6: {  	_ =	strace $0x9000004B  }
0xb7: {  	_ =	sfence  }
0xb8: {  	s30 =	sld [smem:$0x0];
	_ =	sdelay $0x2  }
0xb9: {  	s31 =	sshll.u32 s1, $0xD;
	s1 =	sshrl.u32 s1, $0x2  }
0xba: {  	s3 =	sand.u32 $0x4000, s31;
	s1 =	sadd.s32 s1, s30  }
0xbb: {  	s0 =	sor.u32 s3, s0;
	s1 =	sshll.u32 s1, $0x11  }
0xbc: {  	s0 =	sor.u32 s1, s0  }
0xbd: {  	s0 =	sadd.s32 $0x8F2B, s0  }
0xbe: {  	[sflag:s0] =	ssyncadd.remote.s32 $0x1  }
0xbf: {  	_ =	sfence.sel $0xFFFF  }
0xc0: {  	[dreg:$0x0] =	wrdreg $0xFFFFFFFF;
	(pc) =	sbr.abs _section_cstart, $3  }
0xc1: {  	[dreg:$0x1] =	wrdreg $0xFFFFFFFF  }
0xc2: {  	_ =	task.clear_ibuf [dreg:s7], $0x2FFFF;
	_ =	strace $0x9FFFFFFF  }
0xc3: {  	(tm) =	ssettm $0x7FFFFFFF  }
tec
execute0_lowered:
.L_overlay_start_1:
0x0: {  	(tag) =	ssettag $0x1  }
0x1: {  	s0 =	rddreg [dreg:$0x0]  }
0x2: {  	s3 =	rddreg [dreg:$0x1]  }
0x3: {  	s1 =	rddreg [dreg:$0x2];
	s2 =	simm.s32 $0x0  }
0x4: {  	s7 =	srdreg.scid;
	s16 =	stileid.u32;
	s28 =	simm.s32 $0x13  }
0x5: {  	[smem:$0x7FF] =	sst s2;
	s4 =	sadd.s32 $0x14200, s0;
	s5 =	sadd.s32 $0xA400, s0  }
0x6: {  	s6 =	sadd.s32 $0x600, s0;
	s7 =	sand.u32 $0x1, s7;
	s9 =	smul.u32 $0x4E000, s16  }
0x7: {  	s8 =	sshll.u32 s16, $0x1;
	s11 =	smul.u32 $0x13800, s16;
	s0 =	sadd.s32 $0x3B400, s0  }
0x8: {  	s26 =	sshll.u32 s16, $0x6;
	p0 =	sne.s32 s16, $0xF;
	_ =	strace $0x8000004A  }
0x9: {  	s10 =	ssub.s32 $0x2, s7;
	s8 =	sor.u32 s7, s8;
	s21 =	smul.u32 $0x2728, s7  }
0xa: {  	s7 =	smul.u32 $0x138800, s7;
	s12 =	sshrl.u32 s10, $0x1;
	s9 =	sshrl.u32 s9, $0x2  }
0xb: {  	s8 =	smul.u32 $0x2728, s8;
	s29 =	sshrl.u32 s11, $0x3;
	s10 =	ssub.s32 s10, s12  }
0xc: {  	s9 =	sadd.s32 s9, s1;
	s11 =	sadd.s32 s11, s7;
	s7 =	sshrl.u32 s7, $0x3  }
0xd: {  	s29 =	sadd.s32 s3, s29;
	s3 =	sadd.s32 $0x27000, s3;
	[dreg:$0x4] =	wrdreg s9  }
0xe: {  	s30 =	sshrl.u32 s8, $0x3;
	s13 =	sadd.s32 $0x38, s8;
	s19 =	sadd.s32 $0xA8, s8  }
0xf: {  	s8 =	sadd.s32 $0x118, s8;
	s11 =	sshrl.u32 s11, $0x3;
	[dreg:$0x14] =	wrdreg s29  }
0x10: {  	[dreg:$0x15] =	wrdreg s3;
	s9 =	simm.s32 $0x3;
	s14 =	sadd.s32 s5, s30  }
0x11: {  	s31 =	sadd.s32 s6, s30;
	s13 =	sshrl.u32 s13, $0x3;
	[dreg:$0x5] =	wrdreg s14  }
0x12: {  	s17 =	sadd.s32 $0xE, s30;
	s11 =	sadd.s32 s0, s11;
	[dreg:$0x6] =	wrdreg s31  }
0x13: {  	s12 =	sadd.s32 $0x1C, s30;
	s30 =	smax.u32 s10, $0x1;
	[dreg:$0xf] =	wrdreg s11  }
0x14: {  	s20 =	sshrl.u32 s19, $0x3;
	s15 =	sadd.s32 s5, s13;
	[dreg:$0x17] =	wrdreg s30  }
0x15: {  	s8 =	sshrl.u32 s8, $0x3;
	s13 =	sadd.s32 s6, s13;
	[dreg:$0x7] =	wrdreg s15  }
0x16: {  	s0 =	sadd.s32 s0, s7;
	s18 =	sadd.s32 s5, s17;
	[dreg:$0x8] =	wrdreg s13  }
0x17: {  	s10 =	simm.s32 $0x4000;
	s23 =	sadd.s32 s5, s12;
	[dreg:$0x9] =	wrdreg s18  }
0x18: {  	s19 =	simm.s32 $0x0;
	s12 =	sadd.s32 s6, s12;
	[dreg:$0xd] =	wrdreg s23  }
0x19: {  	s25 =	sadd.s32 s5, s8;
	s8 =	sadd.s32 s6, s8;
	[dreg:$0xe] =	wrdreg s12  }
0x1a: {  	s0 =	sadd.s32 $0x27000, s0;
	s31 =	sadd.s32 $0x138000, s1;
	[dreg:$0x10] =	wrdreg s25  }
0x1b: {  	s11 =	simm.s32 $0x12;
	s14 =	simm.s32 $0xB;
	[dreg:$0x11] =	wrdreg s8  }
0x1c: {  	s15 =	smul.u32 $0x4E50, s16;
	s13 =	sadd.s32 s6, s17;
	[dreg:$0x16] =	wrdreg s0  }
0x1d: {  	s17 =	sadd.s32 s5, s20;
	[dreg:$0x18] =	wrdreg s31;
	s25 =	simm.s32 $0x480  }
0x1e: {  	s8 =	simm.s32 $0x2400;
	s12 =	simm.s32 $0xA;
	[dreg:$0xa] =	wrdreg s13  }
0x1f: {  	s16 =	simm.s32 $0xC;
	s18 =	simm.s32 $0x11;
	[dreg:$0xb] =	wrdreg s17  }
0x20: {  	s13 =	sadd.s32 s6, s20;
	s17 =	simm.s32 $0x10;
	s22 =	sadd.s32 s21, s15  }
0x21: {  	[dreg:$0xc] =	wrdreg s13;
	s13 =	simm.s32 $0xE;
	s24 =	sadd.s32 $0x150, s22  }
0x22: {  	s15 =	simm.s32 $0xF;
	s22 =	sor.u32 $0x1C13, s26;
	s7 =	sshrl.u32 s24, $0x3  }
0x23: {  	s26 =	simm.s32 $0x500;
	s24 =	simm.s32 $0x400;
	s6 =	sadd.s32 s7, s6  }
0x24: {  	s5 =	sadd.s32 s7, s5;
	s7 =	simm.s32 $0x2;
	[dreg:$0x12] =	wrdreg s6  }
0x25: {  	[dreg:$0x13] =	wrdreg s5;
	s5 =	simm.s32 $0x1;
	s6 =	simm.s32 $0x38  }
.LBB2_1:
0x26: {  	s0 =	rddreg [dreg:$0x4]  }
0x27: {  	s31 =	rddreg [dreg:$0x14];
	s21 =	sshrl.u32 s0, $0x3  }
0x28: {  	[spmem:s21], [sflag:s22] =	dma.local [hbm:s31], $0x2700  }
0x29: {  	_ =	swait.ge [sflag:s28], $0x2700  }
0x2a: {  	s23 =	simm.s32 @!p0 $0x13;
	[sflag:s28] =	ssyncset.done $0x0;
	s0 =	rddreg [dreg:$0x18]  }
0x2b: {  	[sflag:s28] =	ssyncadd.s32 $0xFFFFD900;
	s20 =	sshrl.u32 @!p0 s0, $0x3;
	s0 =	rddreg [dreg:$0x15]  }
0x2c: {  	[spmem:s20], [sflag:s22] =	dma.local @!p0 [hbm:s0], $0x100  }
0x2d: {  	_ =	swait.ge @!p0 [sflag:s23], $0x100  }
0x2e: {  	[sflag:s23] =	ssyncset.done @!p0 $0x0  }
0x2f: {  	[sflag:s23] =	ssyncadd.s32 @!p0 $0xFFFFFF00  }
0x30: {  	[bflag:$0x0] =	sbarrier.arrive $0xFFFF  }
0x31: {  	s3 =	rddreg [dreg:$0x5]  }
0x32: {  	[tilespmem:s2], [sflag:$0x1] =	stream.linear.gather [hbm4b:s3+s2], $0x38, $0x38;
	[tilespmem:$0x1CCC0] =	vst v63  }
0x33: {  	s23 =	rddreg [dreg:$0x6]  }
0x34: {  	[tilespmem:s24], [sflag:$0x1] =	stream.linear.gather [hbm4b:s23+s2], $0x38, $0x38;
	[tilespmem:$0x1CCC0] =	vst v63  }
0x35: {  	s3 =	simm.s32 $0x80;
	s24 =	rddreg [dreg:$0x7]  }
0x36: {  	[tilespmem:s3], [sflag:$0x2] =	stream.linear.gather [hbm4b:s24+s2], $0x38, $0x38;
	[tilespmem:$0x1CCC0] =	vst v63  }
0x37: {  	s30 =	rddreg [dreg:$0x8]  }
0x38: {  	[tilespmem:s25], [sflag:$0x2] =	stream.linear.gather [hbm4b:s30+s2], $0x38, $0x38;
	[tilespmem:$0x1CCC0] =	vst v63  }
0x39: {  	s31 =	rddreg [dreg:$0x9];
	s23 =	simm.s32 $0x100  }
0x3a: {  	[tilespmem:s23], [sflag:$0x3] =	stream.linear.gather [hbm4b:s31+s2], $0x38, $0x38;
	[tilespmem:$0x1CCC0] =	vst v63  }
0x3b: {  	s24 =	rddreg [dreg:$0xa]  }
0x3c: {  	[tilespmem:s26], [sflag:$0x3] =	stream.linear.gather [hbm4b:s24+s2], $0x38, $0x38;
	[tilespmem:$0x1CCC0] =	vst v63  }
0x3d: {  	s25 =	rddreg [dreg:$0xb];
	s26 =	simm.s32 $0x180  }
0x3e: {  	[tilespmem:s26], [sflag:$0x4] =	stream.linear.gather [hbm4b:s25+s2], $0x38, $0x38;
	[tilespmem:$0x1CCC0] =	vst v63  }
0x3f: {  	s30 =	rddreg [dreg:$0xc];
	s31 =	simm.s32 $0x580  }
0x40: {  	[tilespmem:s31], [sflag:$0x4] =	stream.linear.gather [hbm4b:s30+s2], $0x38, $0x38;
	[tilespmem:$0x1CCC0] =	vst v63  }
0x41: {  	s25 =	rddreg [dreg:$0xd];
	s26 =	simm.s32 $0x200  }
0x42: {  	[tilespmem:s26], [sflag:$0x5] =	stream.linear.gather [hbm4b:s25+s2], $0x38, $0x38;
	[tilespmem:$0x1CCC0] =	vst v63  }
0x43: {  	s30 =	rddreg [dreg:$0xe];
	s31 =	simm.s32 $0x600  }
0x44: {  	[tilespmem:s31], [sflag:$0x5] =	stream.linear.gather [hbm4b:s30+s2], $0x38, $0x38;
	[tilespmem:$0x1CCC0] =	vst v63  }
0x45: {  	s24 =	rddreg [dreg:$0x10];
	s25 =	simm.s32 $0x280  }
0x46: {  	[tilespmem:s25], [sflag:$0x6] =	stream.linear.gather [hbm4b:s24+s2], $0x38, $0x38;
	[tilespmem:$0x1CCC0] =	vst v63  }
0x47: {  	s26 =	rddreg [dreg:$0x11];
	s30 =	simm.s32 $0x680  }
0x48: {  	[tilespmem:s30], [sflag:$0x6] =	stream.linear.gather [hbm4b:s26+s2], $0x38, $0x38;
	[tilespmem:$0x1CCC0] =	vst v63  }
0x49: {  	_ =	swait.ge [sflag:s5], $0x38  }
0x4a: {  	[sflag:s5] =	ssyncset.done $0x0  }
0x4b: {  	[sflag:s5] =	ssyncadd.s32 $0xFFFFFFC8  }
0x4c: {  	_ =	swait.ge [sflag:s5], $0x38  }
0x4d: {  	[sflag:s5] =	ssyncset.done $0x0  }
0x4e: {  	s31 =	simm.s32 $0x800;
	[sflag:s5] =	ssyncadd.s32 $0xFFFFFFC8  }
0x4f: {  	[tilespmem:s31], [sflag:$0x9] =	stream.indirect.gather [hbm4b:s4+s6], $0x80, s2, s6, $0xb8;
	[tilespmem:$0x1CCC0] =	vst v63  }
0x50: {  	_ =	swait.ge [sflag:s7], $0x38  }
0x51: {  	[sflag:s7] =	ssyncset.done $0x0  }
0x52: {  	[sflag:s7] =	ssyncadd.s32 $0xFFFFFFC8  }
0x53: {  	_ =	swait.ge [sflag:s7], $0x38  }
0x54: {  	[sflag:s7] =	ssyncset.done $0x0  }
0x55: {  	[sflag:s7] =	ssyncadd.s32 $0xFFFFFFC8  }
0x56: {  	[tilespmem:s8], [sflag:$0xA] =	stream.indirect.gather [hbm4b:s4+s6], $0x80, s3, s6, $0xb8;
	[tilespmem:$0x1CCC0] =	vst v63  }
0x57: {  	_ =	swait.ge [sflag:s9], $0x38  }
0x58: {  	[sflag:s9] =	ssyncset.done $0x0  }
0x59: {  	[sflag:s9] =	ssyncadd.s32 $0xFFFFFFC8  }
0x5a: {  	_ =	swait.ge [sflag:s9], $0x38  }
0x5b: {  	[sflag:s9] =	ssyncset.done $0x0  }
0x5c: {  	s24 =	rddreg [dreg:$0x12];
	[sflag:s9] =	ssyncadd.s32 $0xFFFFFFC8  }
0x5d: {  	[tilespmem:s10], [sflag:$0xB] =	stream.indirect.gather [hbm4b:s4+s6], $0x80, s23, s6, $0xb8;
	[tilespmem:$0x1CCC0] =	vst v63  }
0x5e: {  	s29 =	simm.s32 $0x0;
	s25 =	simm.s32 $0x0;
	s23 =	rddreg [dreg:$0x13]  }
.LBB2_2:
0x5f: {  	p1 =	slt.u32 s29, $0x2  }
0x60: {  	s30 =	sadd.s32 @!p1 $0xFFFFFFFE, s29  }
0x61: {  	s26 =	sand.u32 @!p1 $0xFF, s30  }
0x62: {  	s26 =	smul.u32 @!p1 $0xCD, s26;
	_ =	sdelay $0x1  }
0x63: {  	s26 =	sshrl.u32 @!p1 s26, $0xA  }
0x64: {  	s26 =	smul.u32 @!p1 $0x5, s26;
	_ =	sdelay $0x1  }
0x65: {  	s26 =	ssub.s32 @!p1 s30, s26  }
0x66: {  	s26 =	sand.u32 @!p1 $0xFF, s26  }
0x67: {  	s26 =	sadd.s32 @!p1 $0xE, s26  }
0x68: {  	p2 =	sgt.u32 @!p1 s29, $0xAC;
	_ =	swait.ge @!p1 [sflag:s26], $0x1C00  }
0x69: {  	p2 =	por p1, !p2;
	[sflag:s26] =	ssyncset.done @!p1 $0x0  }
0x6a: {  	[sflag:s26] =	ssyncadd.s32 @!p1 $0xFFFFE400;
	s26 =	sadd.s32 @p2 $0x6, s29  }
0x6b: {  	s26 =	sand.u32 @p2 $0x7, s26  }
0x6c: {  	s30 =	sadd.s32 @p2 $0x1, s26;
	s26 =	sshll.u32 @p2 s26, $0x7  }
0x6d: {  	[tilespmem:s26], [sflag:s30] =	stream.linear.gather @p2 [hbm4b:s23+s2], $0x38, $0x38;
	[tilespmem:$0x1CCC0] =	vst v63  }
0x6e: {  	s26 =	sor.u32 @p2 $0x400, s26  }
0x6f: {  	[tilespmem:s26], [sflag:s30] =	stream.linear.gather @p2 [hbm4b:s24+s2], $0x38, $0x38;
	[tilespmem:$0x1CCC0] =	vst v63  }
0x70: {  	s26 =	sadd.s32 $0x3, s29  }
0x71: {  	s3 =	sand.u32 $0xFF, s26  }
0x72: {  	s30 =	smul.u32 $0xCD, s3  }
0x73: {  	s0 =	sand.u32 $0x7, s26  }
0x74: {  	s31 =	smul.u32 $0xCD, s29;
	s3 =	sadd.s32 $0x1, s0;
	s30 =	sshrl.u32 s30, $0xA  }
0x75: {  	_ =	swait.ge [sflag:s3], $0x38;
	s30 =	smul.u32 $0x5, s30  }
0x76: {  	s31 =	sshrl.u32 s31, $0xA;
	[sflag:s3] =	ssyncset.done $0x0  }
0x77: {  	s31 =	sand.u32 $0x3F, s31;
	[sflag:s3] =	ssyncadd.s32 $0xFFFFFFC8;
	s26 =	ssub.s32 s26, s30  }
0x78: {  	_ =	swait.ge [sflag:s3], $0x38;
	s30 =	smul.u32 $0x5, s31;
	s26 =	sand.u32 $0xFF, s26  }
0x79: {  	[sflag:s3] =	ssyncset.done $0x0;
	s31 =	smul.u32 $0x7000, s26  }
0x7a: {  	s23 =	sadd.s32 $0x7, s23;
	s0 =	sshll.u32 s0, $0x7;
	[sflag:s3] =	ssyncadd.s32 $0xFFFFFFC8  }
0x7b: {  	s30 =	ssub.s32 s29, s30;
	s26 =	sadd.s32 $0x9, s26;
	s31 =	sshrl.u32 s31, $0x2  }
0x7c: {  	s29 =	sadd.s32 $0x1, s29;
	s3 =	sand.u32 $0xFF, s30;
	s30 =	sadd.s32 $0x800, s31  }
0x7d: {  	[tilespmem:s30], [sflag:s26] =	stream.indirect.gather [hbm4b:s4+s6], $0x80, s0, s6, $0xb8;
	[tilespmem:$0x1CCC0] =	vst v63  }
0x7e: {  	s24 =	sadd.s32 $0x7, s24;
	p1 =	sne.s32 s29, $0xB0;
	s30 =	smul.u32 $0x7000, s3  }
.Ltmp0:
0x7f: {  	s31 =	sand.u32 $0xE00, s25;
	s26 =	sadd.s32 $0x9, s3;
	(pc) =	sbr.rel @p1 .LBB2_2-.Ltmp0, $4  }
0x80: {  	s25 =	sadd.s32 $0x200, s25;
	s3 =	sadd.s32 $0xE, s3;
	_ =	swait.ge [sflag:s26], $0x1C00  }
0x81: {  	s0 =	sshrl.u32 s30, $0x2;
	[sflag:s26] =	ssyncset.done $0x0;
	s30 =	sshrl.u32 s31, $0x2  }
0x82: {  	s0 =	sadd.s32 $0x800, s0;
	[sflag:s26] =	ssyncadd.s32 $0xFFFFE400;
	s31 =	sor.u32 $0x400, s30  }
0x83: {  	[spmem:s1] =	stream.indirect.scatter.add.f32 [tilespmem:s0], [sflag:s3], $0x80, s31, s6, $0xb8;
	[tilespmem:$0x1CCC0] =	vst v63  }
0x84: {  	_ =	swait.ge [sflag:s11], $0x1C00  }
0x85: {  	[sflag:s11] =	ssyncset.done $0x0  }
0x86: {  	[sflag:s11] =	ssyncadd.s32 $0xFFFFE400  }
0x87: {  	_ =	swait.ge [sflag:s12], $0x1C00  }
0x88: {  	[sflag:s12] =	ssyncset.done $0x0  }
0x89: {  	s24 =	simm.s32 $0x400;
	[sflag:s12] =	ssyncadd.s32 $0xFFFFE400  }
0x8a: {  	[spmem:s1] =	stream.indirect.scatter.add.f32 [tilespmem:s8], [sflag:$0xF], $0x80, s24, s6, $0xb8;
	[tilespmem:$0x1CCC0] =	vst v63  }
0x8b: {  	_ =	swait.ge [sflag:s13], $0x1C00  }
0x8c: {  	[sflag:s13] =	ssyncset.done $0x0  }
0x8d: {  	[sflag:s13] =	ssyncadd.s32 $0xFFFFE400  }
0x8e: {  	_ =	swait.ge [sflag:s14], $0x1C00  }
0x8f: {  	[sflag:s14] =	ssyncset.done $0x0  }
0x90: {  	s25 =	simm.s32 $0x480;
	[sflag:s14] =	ssyncadd.s32 $0xFFFFE400  }
0x91: {  	[spmem:s1] =	stream.indirect.scatter.add.f32 [tilespmem:s10], [sflag:$0x10], $0x80, s25, s6, $0xb8;
	[tilespmem:$0x1CCC0] =	vst v63  }
0x92: {  	_ =	swait.ge [sflag:s15], $0x1C00  }
0x93: {  	[sflag:s15] =	ssyncset.done $0x0  }
0x94: {  	[sflag:s15] =	ssyncadd.s32 $0xFFFFE400  }
0x95: {  	_ =	swait.ge [sflag:s16], $0x1C00  }
0x96: {  	[sflag:s16] =	ssyncset.done $0x0  }
0x97: {  	s26 =	simm.s32 $0x500;
	s0 =	simm.s32 $0x5C00;
	[sflag:s16] =	ssyncadd.s32 $0xFFFFE400  }
0x98: {  	[spmem:s1] =	stream.indirect.scatter.add.f32 [tilespmem:s0], [sflag:$0x11], $0x80, s26, s6, $0xb8;
	[tilespmem:$0x1CCC0] =	vst v63  }
0x99: {  	_ =	swait.ge [sflag:s17], $0x1C00  }
0x9a: {  	[sflag:s17] =	ssyncset.done $0x0  }
0x9b: {  	[sflag:s17] =	ssyncadd.s32 $0xFFFFE400  }
0x9c: {  	_ =	swait.ge [sflag:s18], $0x1C00  }
0x9d: {  	[sflag:s18] =	ssyncset.done $0x0  }
0x9e: {  	[sflag:s18] =	ssyncadd.s32 $0xFFFFE400  }
0x9f: {  	[bflag:$0x0] =	sbarrier.arrive $0xFFFF  }
0xa0: {  	s31 =	rddreg [dreg:$0xf]  }
0xa1: {  	[hbm:s31], [sflag:s22] =	dma.local [spmem:s21], $0x2700  }
0xa2: {  	_ =	swait.ge [sflag:s28], $0x2700  }
0xa3: {  	[sflag:s28] =	ssyncset.done $0x0  }
0xa4: {  	s0 =	rddreg [dreg:$0x16];
	[sflag:s28] =	ssyncadd.s32 $0xFFFFD900  }
0xa5: {  	[hbm:s0], [sflag:s22] =	dma.local @!p0 [spmem:s20], $0x100  }
0xa6: {  	s0 =	simm.s32 @!p0 $0x13  }
0xa7: {  	_ =	swait.ge @!p0 [sflag:s0], $0x100  }
0xa8: {  	s19 =	sadd.s32 $0x1, s19;
	s3 =	rddreg [dreg:$0x17]  }
0xa9: {  	p1 =	sne.s32 s19, s3  }
.Ltmp1:
0xaa: {  	_ = 	snop;
	(pc) =	sbr.rel @p1 .LBB2_1-.Ltmp1, $3  }
0xab: {  	_ =	sdelay $0x1  }
0xac: {  	[sflag:s0] =	ssyncset.done @!p0 $0x0  }
0xad: {  	[sflag:s0] =	ssyncadd.s32 @!p0 $0xFFFFFF00  }
0xae: {  	_ =	sfence.sel $0x180000  }
0xaf: {  	[bflag:$0x0] =	sbarrier.arrive $0xFFFF  }
0xb0: {  	_ =	strace $0x9000004A  }
0xb1: {  	s0 =	stileid.u32;
	[bflag:$0x2] =	sbarrier.arrive $0xFFFF  }
0xb2: {  	p0 =	sne.s32 s0, $0x0;
	s0 =	rddreg [dreg:$0x3]  }
0xb3: {  	s0 =	sadd.s32 @!p0 $0x100000, s0  }
0xb4: {  	[sflag:s0] =	ssyncadd.tile.s32 @!p0 $0x1;
	_ =	shalt  }
.Lfunc_end2:
_tile_overlayer_lowered:
.L_overlay_start_2:
0xb5: {  	(tag) =	ssettag $0x2  }
0xb6: {  	s0 =	rddreg [dreg:$0x0];
	s2 =	stileid.u32  }
0xb7: {  	s1 =	rddreg [dreg:$0x1];
	p0 =	sne.s32 s2, $0x0  }
0xb8: {  	s3 =	rddreg [dreg:$0x2];
	[bflag:$0x3] =	sbarrier.arrive $0xFFFF;
	s2 =	simm.s32 @!p0 $0x1C13  }
0xb9: {  	[timem:s3], [sflag:s2] =	dma.local @!p0 [hbm:s0], s1  }
0xba: {  	s0 =	simm.s32 @!p0 $0x13  }
0xbb: {  	_ =	swait.ge @!p0 [sflag:s0], s1  }
0xbc: {  	s1 =	ssub.s32 @!p0 $0x0, s1;
	[sflag:s0] =	ssyncset.done @!p0 $0x0  }
0xbd: {  	[sflag:s0] =	ssyncadd.s32 @!p0 s1  }
0xbe: {  	[bflag:$0x3] =	sbarrier.arrive $0xFFFF  }
0xbf: {  	_ =	shalt  }

</sc_bundles>
